<compile_context>
chip_gen: v7x
topology: tpu7x:2x2x1
jax: 0.10.2.dev20260603
libtpu: 0.0.44.dev20260713+nightly
codegen_flags: <defaults>
</compile_context>

<pallas_src>
import functools

import jax
import jax.numpy as jnp
from jax import lax
from jax.experimental import pallas as pl
from jax.experimental.pallas import tpu as pltpu
from jax.experimental.pallas import tpu_sc as plsc

D = 4096
K = 32
BIG_NEG = -1e30
PROW = 34
T_CHUNK = 512
N_CHUNK = D // T_CHUNK


UNROLL = 16


def _dp_body(w_ref, pt_ref, srow_ref, buf_ref):
    U = UNROLL
    lane = lax.broadcasted_iota(jnp.int32, (1, 128), 1)

    def lae(t1, s):
        amax = jnp.maximum(t1, s)
        return amax + jnp.log1p(jnp.exp(-jnp.abs(t1 - s)))

    def outer(i, s):
        v = [s]
        for k in range(1, U + 1):
            neg = jnp.full((1, k), BIG_NEG, dtype=jnp.float32)
            v.append(jnp.concatenate([neg, s[:, : 128 - k]], axis=1))
        for j in range(U):
            m = i * U + j
            w = w_ref[m]
            t1_0 = v[1] + w
            nv = [lae(t1_0, v[0])]
            for k in range(1, U - j):
                nv.append(lae(v[k + 1] + w, v[k]))
            p = jnp.exp(jnp.minimum(t1_0 - nv[0], 30.0))
            p = jnp.where(lane >= m + 1, 1.0, p)
            p = jnp.where(lane == 0, 0.0, p)
            p = jnp.where(lane == 33, w, p)
            buf_ref[U - 1 - j : U - j, :] = p
            v = nv
        pt_ref[pl.ds(D - U - i * U, U), :] = buf_ref[:, :]
        return v[0]

    s0 = jnp.where(lane == 0, 0.0, jnp.full((1, 128), BIG_NEG, jnp.float32))
    s = lax.fori_loop(0, D // U, outer, s0)
    srow_ref[0:1, :] = s


def _dp_tables(weights):
    return pl.pallas_call(
        _dp_body,
        in_specs=[pl.BlockSpec(memory_space=pltpu.SMEM)],
        out_shape=[
            jax.ShapeDtypeStruct((D, 128), jnp.float32),
            jax.ShapeDtypeStruct((8, 128), jnp.float32),
        ],
        scratch_shapes=[pltpu.VMEM((UNROLL, 128), jnp.float32)],
    )(weights)


def _sampler_body(nds_hbm, pt_hbm, uni_hbm, out_s, out_lp,
                  pt_v0, pt_v1, u_v0, u_v1, s_v0, s_v1, nds_v, lp_v,
                  sem_p0, sem_p1, sem_u0, sem_u1):
    wid = lax.axis_index("c") * 16 + lax.axis_index("s")

    @pl.when(wid < 8)
    def _():
        base = wid * 16
        pltpu.sync_copy(nds_hbm, nds_v)
        ndts0 = nds_v[...]
        zeros_i = jnp.full((16,), 0, jnp.int32)
        c33 = jnp.full((16,), 33, jnp.int32)
        lane16 = lax.iota(jnp.int32, 16)
        lp0 = jnp.full((16,), 0.0, jnp.float32)

        pt_v = (pt_v0, pt_v1)
        u_v = (u_v0, u_v1)
        s_v = (s_v0, s_v1)
        sem_p = (sem_p0, sem_p1)
        sem_u = (sem_u0, sem_u1)

        def issue(c):
            b = c % 2
            hp = pltpu.async_copy(
                pt_hbm.at[pl.ds(c * T_CHUNK * PROW, T_CHUNK * PROW)],
                pt_v[b].at[pl.ds(0, T_CHUNK * PROW)], sem_p[b])
            hu = pltpu.async_copy(
                uni_hbm.at[pl.ds(c * T_CHUNK, T_CHUNK), pl.ds(base, 16)], u_v[b], sem_u[b])
            return hp, hu

        handles = issue(0)
        carry = (ndts0, lp0)
        for c in range(N_CHUNK):
            b = c % 2
            handles[0].wait()
            handles[1].wait()
            if c + 1 < N_CHUNK:
                handles = issue(c + 1)
            ndts, lp = carry

            def one_step(t, carry2, _b=b):
                ndts, lp, bvec, colvec = carry2
                p = plsc.load_gather(pt_v[_b], [bvec + ndts])
                wv = plsc.load_gather(pt_v[_b], [bvec + c33])
                u = u_v[_b][t]
                sm = u < p
                s_i = jnp.where(sm, 1, 0)
                plsc.store_scatter(s_v[_b], [lane16, colvec], s_i)
                ndts = ndts - s_i
                lp = lp + jnp.where(sm, wv, 0.0)
                return ndts, lp, bvec + PROW, colvec - 1

            ndts, lp, _, _ = lax.fori_loop(
                0, T_CHUNK, one_step,
                (ndts, lp, zeros_i, jnp.full((16,), T_CHUNK - 1, jnp.int32)))
            pltpu.sync_copy(
                s_v[b], out_s.at[pl.ds(base, 16), pl.ds(D - (c + 1) * T_CHUNK, T_CHUNK)])
            carry = (ndts, lp)
        lp_v[...] = carry[1]
        pltpu.sync_copy(lp_v, out_lp.at[pl.ds(base, 16)])


@functools.cache
def _get_sampler():
    return functools.partial(
        pl.kernel,
        out_type=(
            jax.ShapeDtypeStruct((128, D), jnp.int32),
            jax.ShapeDtypeStruct((128,), jnp.float32),
        ),
        mesh=plsc.VectorSubcoreMesh(
            core_axis_name="c", subcore_axis_name="s", num_cores=2, num_subcores=16
        ),
        compiler_params=pltpu.CompilerParams(
            use_tc_tiling_on_sc=False, needs_layout_passes=False
        ),
        scratch_types=[
            pltpu.VMEM(((T_CHUNK + 1) * PROW,), jnp.float32),
            pltpu.VMEM(((T_CHUNK + 1) * PROW,), jnp.float32),
            pltpu.VMEM((T_CHUNK, 16), jnp.float32),
            pltpu.VMEM((T_CHUNK, 16), jnp.float32),
            pltpu.VMEM((16, T_CHUNK), jnp.int32),
            pltpu.VMEM((16, T_CHUNK), jnp.int32),
            pltpu.VMEM((16,), jnp.int32),
            pltpu.VMEM((16,), jnp.float32),
            pltpu.SemaphoreType.DMA,
            pltpu.SemaphoreType.DMA,
            pltpu.SemaphoreType.DMA,
            pltpu.SemaphoreType.DMA,
        ],
    )(_sampler_body)


def kernel(num_samples, weights, uniforms):
    n = uniforms.shape[1]
    ptable, srow = _dp_tables(weights)
    logz = srow[0, K]
    nds0 = jnp.full(
        (16,), K + (jnp.asarray(num_samples, jnp.int32) - n), dtype=jnp.int32
    )
    pt_flat = ptable[:, :PROW].reshape(-1)
    samples, lp = _get_sampler()(nds0, pt_flat, uniforms)
    logprob = lp - logz
    return samples, logprob

# --- scband reference (transcript-rebuilt; emitter-appended) ---
"""Pipeline reference for scband-conditional-poisson-sampler-27754078666940 (READ-ONLY COPY).

The authoritative reference and input builder live on the scoring server;
editing this copy changes nothing except your own understanding.
"""

import jax, jax.numpy as jnp
import numpy as np
from jax import lax

D = 4096
K = 32
NUM_SAMPLES = 128
BIG_NEG = -1e30


def _compute_cache(weights):
    # Log-semiring DP: S[m, n] = log sum over subsets of first m features with n selected
    start = jnp.full((D + 1,), BIG_NEG, dtype=weights.dtype)
    start = start.at[0].set(0.0)          # semiring one at n=0
    start = start.at[1].set(weights[0])   # weight of selecting feature 0

    def step(S_prev, w_d):
        S_ll = jnp.concatenate([jnp.full((1,), BIG_NEG, dtype=S_prev.dtype), S_prev[:-1]])
        S_curr = jnp.logaddexp(w_d + S_ll, S_prev)  # sr.plus(sr.mul(w, shift), prev)
        return S_curr, S_curr

    _, ys = lax.scan(step, start, weights[1:])
    cache = jnp.concatenate([start[None, :], ys], axis=0)  # [D, D+1]
    return cache


def setup_inputs(seed: int = 0) -> dict:
    key = jax.random.key(seed)
    kw, ku = jax.random.split(key)
    weights = jax.random.uniform(kw, (D,), dtype=jnp.float32)          # nn.Parameter(torch.rand(D))
    uniforms = jax.random.uniform(ku, (D, NUM_SAMPLES), dtype=jnp.float32)  # bernoulli randomness
    return {"num_samples": NUM_SAMPLES, "weights": weights, "uniforms": uniforms}


def reference(num_samples, weights, uniforms):
    cache = _compute_cache(weights)
    logZ = cache[D - 1, K]
    n = uniforms.shape[1]
    num_to_sample = jnp.full((n,), K, dtype=jnp.int32) + (
        jnp.asarray(num_samples, dtype=jnp.int32) - n
    )

    ds = jnp.arange(D, 0, -1, dtype=jnp.int32)  # d = D .. 1
    ws = weights[::-1]

    def step(num_sampled, inp):
        d, w, u = inp
        ndts = num_to_sample - num_sampled  # num_dimensions_to_sample
        a = cache[jnp.clip(d - 2, 0, D - 1)][jnp.clip(ndts - 1, 0, D)]  # S(d-1, ndts-1)
        b = cache[jnp.clip(d - 1, 0, D - 1)][jnp.clip(ndts, 0, D)]      # S(d,   ndts)
        mask_one = ndts >= d
        mask_zero = num_sampled >= num_to_sample
        logp = jnp.minimum(w + a - b, 30.0)
        logp = jnp.where(mask_one | mask_zero, 0.0, logp)  # keep exp finite in masked lanes
        p = jnp.exp(logp)
        p = jnp.where(mask_one, 1.0, p)
        p = jnp.where(mask_zero, 0.0, p)
        s = (u < p).astype(jnp.int32)  # torch.bernoulli(p)
        return num_sampled + s, s

    _, ys = lax.scan(step, jnp.zeros((n,), dtype=jnp.int32), (ds, ws, uniforms))
    samples = ys[::-1].T  # [num_samples, D]; row i of ys was feature index D-1-i
    logprob = samples.astype(jnp.float32) @ weights - logZ  # module.logprob(samples)
    return samples, logprob

if __name__ == "__main__":
    import jax
    _d = setup_inputs()
    print(jax.jit(kernel)(*tuple(_d.values())))

</pallas_src>

<mosaic_0001>
#map = affine_map<(d0, d1) -> (0)>
#map1 = affine_map<(d0, d1) -> (0, 0)>
module attributes {stable_mosaic.version = 14 : i64} {
  func.func @_sampler_body(%arg0: i32, %arg1: i32, %arg2: memref<16xi32, #tpu.memory_space<hbm>>, %arg3: memref<139264xf32, #tpu.memory_space<hbm>>, %arg4: memref<4096x128xf32, #tpu.memory_space<hbm>>, %arg5: memref<128x4096xi32, #tpu.memory_space<hbm>>, %arg6: memref<128xf32, #tpu.memory_space<hbm>>, %arg7: memref<17442xf32, #tpu.memory_space<vmem>>, %arg8: memref<17442xf32, #tpu.memory_space<vmem>>, %arg9: memref<512x16xf32, #tpu.memory_space<vmem>>, %arg10: memref<512x16xf32, #tpu.memory_space<vmem>>, %arg11: memref<16x512xi32, #tpu.memory_space<vmem>>, %arg12: memref<16x512xi32, #tpu.memory_space<vmem>>, %arg13: memref<16xi32, #tpu.memory_space<vmem>>, %arg14: memref<16xf32, #tpu.memory_space<vmem>>, %arg15: memref<!tpu.dma_semaphore, #tpu.memory_space<semaphore_mem>>, %arg16: memref<!tpu.dma_semaphore, #tpu.memory_space<semaphore_mem>>, %arg17: memref<!tpu.dma_semaphore, #tpu.memory_space<semaphore_mem>>, %arg18: memref<!tpu.dma_semaphore, #tpu.memory_space<semaphore_mem>>) attributes {dimension_semantics = [#tpu.dimension_semantics<core_parallel>, #tpu.dimension_semantics<subcore_parallel>], iteration_bounds = array<i64: 2, 16>, scalar_prefetch = 0 : i64, scratch_operands = 12 : i64, tpu.core_type = #tpu.core_type<sc_vector_subcore>, window_params = [{transform_indices = #map}, {transform_indices = #map}, {transform_indices = #map1}, {transform_indices = #map1}, {transform_indices = #map}]} {
    %mul3A = arith.constant 16 : i32
    %mul3A_0 = arith.muli %arg0, %mul3A : i32
    %add3A = arith.addi %mul3A_0, %arg1 : i32
    %lt3A = arith.constant 8 : i32
    %lt3A_1 = arith.cmpi slt, %add3A, %lt3A : i32
    %convert_element_type3A = arith.extui %lt3A_1 : i1 to i32
    %cond3A = arith.constant 0 : i32
    %cond3A_2 = arith.cmpi ne, %convert_element_type3A, %cond3A : i32
    scf.if %cond3A_2 {
      %mul3A_3 = arith.constant 16 : i32
      %mul3A_4 = arith.muli %add3A, %mul3A_3 : i32
      "tpu.region"() ({
        %run_scoped3A = tpu.sem_alloc : memref<!tpu.dma_semaphore, #tpu.memory_space<semaphore_mem>>
        tpu.enqueue_dma source(%arg2 : memref<16xi32, #tpu.memory_space<hbm>>) target(%arg13 : memref<16xi32, #tpu.memory_space<vmem>>) target_semaphore(%run_scoped3A : memref<!tpu.dma_semaphore, #tpu.memory_space<semaphore_mem>>)
        tpu.wait_dma2 semaphore(%run_scoped3A : memref<!tpu.dma_semaphore, #tpu.memory_space<semaphore_mem>>) src(%arg2 : memref<16xi32, #tpu.memory_space<hbm>>) dst(%arg13 : memref<16xi32, #tpu.memory_space<vmem>>)
        tpu.yield
      }) : () -> ()
      %get3A = arith.constant 0 : index
      %get3A_5 = tpu.vector_load %arg13[%get3A] {strides = array<i32>} : memref<16xi32, #tpu.memory_space<vmem>>, vector<16xi32>,
      %broadcast_in_dim3A = arith.constant 0 : i32
      %broadcast_in_dim3A_6 = vector.broadcast %broadcast_in_dim3A : i32 to vector<16xi32>
      %broadcast_in_dim3A_7 = arith.constant 33 : i32
      %broadcast_in_dim3A_8 = vector.broadcast %broadcast_in_dim3A_7 : i32 to vector<16xi32>
      %iota3A = tpu.iota {dimensions = array<i32: 0>} : vector<16xi32>
      %broadcast_in_dim3A_9 = arith.constant 0.000000e+00 : f32
      %broadcast_in_dim3A_10 = vector.broadcast %broadcast_in_dim3A_9 : f32 to vector<16xf32>
      %dma_start3A = arith.constant 0 : i32
      %dma_start3A_11 = tpu.memref_slice %arg7[%dma_start3A] : memref<17442xf32, #tpu.memory_space<vmem>> -> memref<17408xf32, #tpu.memory_space<vmem>>
      %dma_start3A_12 = arith.constant 0 : i32
      %dma_start3A_13 = tpu.memref_slice %arg3[%dma_start3A_12] : memref<139264xf32, #tpu.memory_space<hbm>> -> memref<17408xf32, #tpu.memory_space<hbm>>
      %dma_start3A_14 = arith.constant 0 : i32
      %dma_start3A_15 = tpu.memref_slice %arg7[%dma_start3A_14] : memref<17442xf32, #tpu.memory_space<vmem>> -> memref<17408xf32, #tpu.memory_space<vmem>>
      %dma_start3A_16 = arith.constant 0 : i32
      %dma_start3A_17 = tpu.memref_slice %arg3[%dma_start3A_16] : memref<139264xf32, #tpu.memory_space<hbm>> -> memref<17408xf32, #tpu.memory_space<hbm>>
      tpu.enqueue_dma source(%dma_start3A_17 : memref<17408xf32, #tpu.memory_space<hbm>>) target(%dma_start3A_15 : memref<17408xf32, #tpu.memory_space<vmem>>) target_semaphore(%arg15 : memref<!tpu.dma_semaphore, #tpu.memory_space<semaphore_mem>>)
      %dma_start3A_18 = arith.constant 0 : i32
      %dma_start3A_19 = tpu.memref_slice %arg4[%dma_start3A_18, %mul3A_4] : memref<4096x128xf32, #tpu.memory_space<hbm>> -> memref<512x16xf32, #tpu.memory_space<hbm>>
      %dma_start3A_20 = arith.constant 0 : i32
      %dma_start3A_21 = tpu.memref_slice %arg4[%dma_start3A_20, %mul3A_4] : memref<4096x128xf32, #tpu.memory_space<hbm>> -> memref<512x16xf32, #tpu.memory_space<hbm>>
      tpu.enqueue_dma source(%dma_start3A_21 : memref<512x16xf32, #tpu.memory_space<hbm>>) target(%arg9 : memref<512x16xf32, #tpu.memory_space<vmem>>) target_semaphore(%arg17 : memref<!tpu.dma_semaphore, #tpu.memory_space<semaphore_mem>>)
      %dma_wait3A = arith.constant 0 : i32
      %dma_wait3A_22 = tpu.memref_slice %arg7[%dma_wait3A] : memref<17442xf32, #tpu.memory_space<vmem>> -> memref<17408xf32, #tpu.memory_space<vmem>>
      %dma_wait3A_23 = arith.constant 0 : i32
      %dma_wait3A_24 = tpu.memref_slice %arg3[%dma_wait3A_23] : memref<139264xf32, #tpu.memory_space<hbm>> -> memref<17408xf32, #tpu.memory_space<hbm>>
      %dma_wait3A_25 = arith.constant 0 : i32
      %dma_wait3A_26 = tpu.memref_slice %arg7[%dma_wait3A_25] : memref<17442xf32, #tpu.memory_space<vmem>> -> memref<17408xf32, #tpu.memory_space<vmem>>
      %dma_wait3A_27 = arith.constant 0 : i32
      %dma_wait3A_28 = tpu.memref_slice %arg3[%dma_wait3A_27] : memref<139264xf32, #tpu.memory_space<hbm>> -> memref<17408xf32, #tpu.memory_space<hbm>>
      tpu.wait_dma2 semaphore(%arg15 : memref<!tpu.dma_semaphore, #tpu.memory_space<semaphore_mem>>) src(%dma_wait3A_28 : memref<17408xf32, #tpu.memory_space<hbm>>) dst(%dma_wait3A_26 : memref<17408xf32, #tpu.memory_space<vmem>>)
      %dma_wait3A_29 = arith.constant 0 : i32
      %dma_wait3A_30 = tpu.memref_slice %arg4[%dma_wait3A_29, %mul3A_4] : memref<4096x128xf32, #tpu.memory_space<hbm>> -> memref<512x16xf32, #tpu.memory_space<hbm>>
      %dma_wait3A_31 = arith.constant 0 : i32
      %dma_wait3A_32 = tpu.memref_slice %arg4[%dma_wait3A_31, %mul3A_4] : memref<4096x128xf32, #tpu.memory_space<hbm>> -> memref<512x16xf32, #tpu.memory_space<hbm>>
      tpu.wait_dma2 semaphore(%arg17 : memref<!tpu.dma_semaphore, #tpu.memory_space<semaphore_mem>>) src(%dma_wait3A_32 : memref<512x16xf32, #tpu.memory_space<hbm>>) dst(%arg9 : memref<512x16xf32, #tpu.memory_space<vmem>>)
      %dma_start3A_33 = arith.constant 0 : i32
      %dma_start3A_34 = tpu.memref_slice %arg8[%dma_start3A_33] : memref<17442xf32, #tpu.memory_space<vmem>> -> memref<17408xf32, #tpu.memory_space<vmem>>
      %dma_start3A_35 = arith.constant 17408 : i32
      %dma_start3A_36 = tpu.memref_slice %arg3[%dma_start3A_35] : memref<139264xf32, #tpu.memory_space<hbm>> -> memref<17408xf32, #tpu.memory_space<hbm>>
      %dma_start3A_37 = arith.constant 0 : i32
      %dma_start3A_38 = tpu.memref_slice %arg8[%dma_start3A_37] : memref<17442xf32, #tpu.memory_space<vmem>> -> memref<17408xf32, #tpu.memory_space<vmem>>
      %dma_start3A_39 = arith.constant 17408 : i32
      %dma_start3A_40 = tpu.memref_slice %arg3[%dma_start3A_39] : memref<139264xf32, #tpu.memory_space<hbm>> -> memref<17408xf32, #tpu.memory_space<hbm>>
      tpu.enqueue_dma source(%dma_start3A_40 : memref<17408xf32, #tpu.memory_space<hbm>>) target(%dma_start3A_38 : memref<17408xf32, #tpu.memory_space<vmem>>) target_semaphore(%arg16 : memref<!tpu.dma_semaphore, #tpu.memory_space<semaphore_mem>>)
      %dma_start3A_41 = arith.constant 512 : i32
      %dma_start3A_42 = tpu.memref_slice %arg4[%dma_start3A_41, %mul3A_4] : memref<4096x128xf32, #tpu.memory_space<hbm>> -> memref<512x16xf32, #tpu.memory_space<hbm>>
      %dma_start3A_43 = arith.constant 512 : i32
      %dma_start3A_44 = tpu.memref_slice %arg4[%dma_start3A_43, %mul3A_4] : memref<4096x128xf32, #tpu.memory_space<hbm>> -> memref<512x16xf32, #tpu.memory_space<hbm>>
      tpu.enqueue_dma source(%dma_start3A_44 : memref<512x16xf32, #tpu.memory_space<hbm>>) target(%arg10 : memref<512x16xf32, #tpu.memory_space<vmem>>) target_semaphore(%arg18 : memref<!tpu.dma_semaphore, #tpu.memory_space<semaphore_mem>>)
      %broadcast_in_dim3A_45 = arith.constant 511 : i32
      %broadcast_in_dim3A_46 = vector.broadcast %broadcast_in_dim3A_45 : i32 to vector<16xi32>
      %scan3A = arith.constant 0 : i32
      %scan3A_47 = arith.constant 512 : i32
      %scan3A_48 = arith.addi %scan3A, %scan3A_47 : i32
      %scan3A_49 = arith.constant 1 : i32
      %scan3A_50:4 = scf.for %scan3A_265 = %scan3A to %scan3A_48 step %scan3A_49 iter_args(%scan3A_266 = %get3A_5, %scan3A_267 = %broadcast_in_dim3A_10, %scan3A_268 = %broadcast_in_dim3A_6, %scan3A_269 = %broadcast_in_dim3A_46) -> (vector<16xi32>, vector<16xf32>, vector<16xi32>, vector<16xi32>)  : i32 {
        %add3A_270 = arith.addi %scan3A_268, %scan3A_266 : vector<16xi32>
        %gather3A = tpu.vector_load_idx %arg7[%add3A_270] : memref<17442xf32, #tpu.memory_space<vmem>>[vector<16xi32>], vector<16xf32>,
        %add3A_271 = arith.addi %scan3A_268, %broadcast_in_dim3A_8 : vector<16xi32>
        %gather3A_272 = tpu.vector_load_idx %arg7[%add3A_271] : memref<17442xf32, #tpu.memory_space<vmem>>[vector<16xi32>], vector<16xf32>,
        %get3A_273 = arith.index_cast %scan3A_265 : i32 to index
        %get3A_274 = arith.constant 0 : index
        %get3A_275 = tpu.vector_load %arg9[%get3A_273, %get3A_274] {strides = array<i32>} : memref<512x16xf32, #tpu.memory_space<vmem>>, vector<16xf32>,
        %lt3A_276 = arith.cmpf olt, %get3A_275, %gather3A : vector<16xf32>
        %jit3A = arith.constant 1 : i32
        %jit3A_277 = arith.constant 0 : i32
        %broadcast_in_dim3A_278 = vector.broadcast %jit3A : i32 to vector<16xi32>
        %broadcast_in_dim3A_279 = vector.broadcast %jit3A_277 : i32 to vector<16xi32>
        %select_n3A = arith.select %lt3A_276, %broadcast_in_dim3A_278, %broadcast_in_dim3A_279 : vector<16xi1>, vector<16xi32>
        tpu.vector_store_idx %arg11[%iota3A, %scan3A_269], %select_n3A : memref<16x512xi32, #tpu.memory_space<vmem>>[vector<16xi32>, vector<16xi32>], vector<16xi32>,
        %sub3A = arith.subi %scan3A_266, %select_n3A : vector<16xi32>
        %jit3A_280 = arith.constant 0.000000e+00 : f32
        %broadcast_in_dim3A_281 = vector.broadcast %jit3A_280 : f32 to vector<16xf32>
        %select_n3A_282 = arith.select %lt3A_276, %gather3A_272, %broadcast_in_dim3A_281 : vector<16xi1>, vector<16xf32>
        %add3A_283 = arith.addf %scan3A_267, %select_n3A_282 : vector<16xf32>
        %add3A_284 = arith.constant 34 : i32
        %add3A_285 = vector.broadcast %add3A_284 : i32 to vector<16xi32>
        %add3A_286 = arith.addi %scan3A_268, %add3A_285 : vector<16xi32>
        %sub3A_287 = arith.constant 1 : i32
        %sub3A_288 = vector.broadcast %sub3A_287 : i32 to vector<16xi32>
        %sub3A_289 = arith.subi %scan3A_269, %sub3A_288 : vector<16xi32>
        scf.yield %sub3A, %add3A_283, %add3A_286, %sub3A_289 : vector<16xi32>, vector<16xf32>, vector<16xi32>, vector<16xi32>
      }
      %scan3A_51 = arith.constant 512 : i32
      "tpu.region"() ({
        %run_scoped3A = tpu.sem_alloc : memref<!tpu.dma_semaphore, #tpu.memory_space<semaphore_mem>>
        %dma_start3A_265 = arith.constant 3584 : i32
        %dma_start3A_266 = tpu.memref_slice %arg5[%mul3A_4, %dma_start3A_265] : memref<128x4096xi32, #tpu.memory_space<hbm>> -> memref<16x512xi32, #tpu.memory_space<hbm>>
        %dma_start3A_267 = arith.constant 3584 : i32
        %dma_start3A_268 = tpu.memref_slice %arg5[%mul3A_4, %dma_start3A_267] : memref<128x4096xi32, #tpu.memory_space<hbm>> -> memref<16x512xi32, #tpu.memory_space<hbm>>
        tpu.enqueue_dma source(%arg11 : memref<16x512xi32, #tpu.memory_space<vmem>>) target(%dma_start3A_268 : memref<16x512xi32, #tpu.memory_space<hbm>>) target_semaphore(%run_scoped3A : memref<!tpu.dma_semaphore, #tpu.memory_space<semaphore_mem>>)
        %dma_wait3A_269 = arith.constant 3584 : i32
        %dma_wait3A_270 = tpu.memref_slice %arg5[%mul3A_4, %dma_wait3A_269] : memref<128x4096xi32, #tpu.memory_space<hbm>> -> memref<16x512xi32, #tpu.memory_space<hbm>>
        %dma_wait3A_271 = arith.constant 3584 : i32
        %dma_wait3A_272 = tpu.memref_slice %arg5[%mul3A_4, %dma_wait3A_271] : memref<128x4096xi32, #tpu.memory_space<hbm>> -> memref<16x512xi32, #tpu.memory_space<hbm>>
        tpu.wait_dma2 semaphore(%run_scoped3A : memref<!tpu.dma_semaphore, #tpu.memory_space<semaphore_mem>>) src(%arg11 : memref<16x512xi32, #tpu.memory_space<vmem>>) dst(%dma_wait3A_272 : memref<16x512xi32, #tpu.memory_space<hbm>>)
        tpu.yield
      }) : () -> ()
      %dma_wait3A_52 = arith.constant 0 : i32
      %dma_wait3A_53 = tpu.memref_slice %arg8[%dma_wait3A_52] : memref<17442xf32, #tpu.memory_space<vmem>> -> memref<17408xf32, #tpu.memory_space<vmem>>
      %dma_wait3A_54 = arith.constant 17408 : i32
      %dma_wait3A_55 = tpu.memref_slice %arg3[%dma_wait3A_54] : memref<139264xf32, #tpu.memory_space<hbm>> -> memref<17408xf32, #tpu.memory_space<hbm>>
      %dma_wait3A_56 = arith.constant 0 : i32
      %dma_wait3A_57 = tpu.memref_slice %arg8[%dma_wait3A_56] : memref<17442xf32, #tpu.memory_space<vmem>> -> memref<17408xf32, #tpu.memory_space<vmem>>
      %dma_wait3A_58 = arith.constant 17408 : i32
      %dma_wait3A_59 = tpu.memref_slice %arg3[%dma_wait3A_58] : memref<139264xf32, #tpu.memory_space<hbm>> -> memref<17408xf32, #tpu.memory_space<hbm>>
      tpu.wait_dma2 semaphore(%arg16 : memref<!tpu.dma_semaphore, #tpu.memory_space<semaphore_mem>>) src(%dma_wait3A_59 : memref<17408xf32, #tpu.memory_space<hbm>>) dst(%dma_wait3A_57 : memref<17408xf32, #tpu.memory_space<vmem>>)
      %dma_wait3A_60 = arith.constant 512 : i32
      %dma_wait3A_61 = tpu.memref_slice %arg4[%dma_wait3A_60, %mul3A_4] : memref<4096x128xf32, #tpu.memory_space<hbm>> -> memref<512x16xf32, #tpu.memory_space<hbm>>
      %dma_wait3A_62 = arith.constant 512 : i32
      %dma_wait3A_63 = tpu.memref_slice %arg4[%dma_wait3A_62, %mul3A_4] : memref<4096x128xf32, #tpu.memory_space<hbm>> -> memref<512x16xf32, #tpu.memory_space<hbm>>
      tpu.wait_dma2 semaphore(%arg18 : memref<!tpu.dma_semaphore, #tpu.memory_space<semaphore_mem>>) src(%dma_wait3A_63 : memref<512x16xf32, #tpu.memory_space<hbm>>) dst(%arg10 : memref<512x16xf32, #tpu.memory_space<vmem>>)
      %dma_start3A_64 = arith.constant 0 : i32
      %dma_start3A_65 = tpu.memref_slice %arg7[%dma_start3A_64] : memref<17442xf32, #tpu.memory_space<vmem>> -> memref<17408xf32, #tpu.memory_space<vmem>>
      %dma_start3A_66 = arith.constant 34816 : i32
      %dma_start3A_67 = tpu.memref_slice %arg3[%dma_start3A_66] : memref<139264xf32, #tpu.memory_space<hbm>> -> memref<17408xf32, #tpu.memory_space<hbm>>
      %dma_start3A_68 = arith.constant 0 : i32
      %dma_start3A_69 = tpu.memref_slice %arg7[%dma_start3A_68] : memref<17442xf32, #tpu.memory_space<vmem>> -> memref<17408xf32, #tpu.memory_space<vmem>>
      %dma_start3A_70 = arith.constant 34816 : i32
      %dma_start3A_71 = tpu.memref_slice %arg3[%dma_start3A_70] : memref<139264xf32, #tpu.memory_space<hbm>> -> memref<17408xf32, #tpu.memory_space<hbm>>
      tpu.enqueue_dma source(%dma_start3A_71 : memref<17408xf32, #tpu.memory_space<hbm>>) target(%dma_start3A_69 : memref<17408xf32, #tpu.memory_space<vmem>>) target_semaphore(%arg15 : memref<!tpu.dma_semaphore, #tpu.memory_space<semaphore_mem>>)
      %dma_start3A_72 = arith.constant 1024 : i32
      %dma_start3A_73 = tpu.memref_slice %arg4[%dma_start3A_72, %mul3A_4] : memref<4096x128xf32, #tpu.memory_space<hbm>> -> memref<512x16xf32, #tpu.memory_space<hbm>>
      %dma_start3A_74 = arith.constant 1024 : i32
      %dma_start3A_75 = tpu.memref_slice %arg4[%dma_start3A_74, %mul3A_4] : memref<4096x128xf32, #tpu.memory_space<hbm>> -> memref<512x16xf32, #tpu.memory_space<hbm>>
      tpu.enqueue_dma source(%dma_start3A_75 : memref<512x16xf32, #tpu.memory_space<hbm>>) target(%arg9 : memref<512x16xf32, #tpu.memory_space<vmem>>) target_semaphore(%arg17 : memref<!tpu.dma_semaphore, #tpu.memory_space<semaphore_mem>>)
      %broadcast_in_dim3A_76 = arith.constant 511 : i32
      %broadcast_in_dim3A_77 = vector.broadcast %broadcast_in_dim3A_76 : i32 to vector<16xi32>
      %scan3A_78 = arith.constant 0 : i32
      %scan3A_79 = arith.constant 512 : i32
      %scan3A_80 = arith.addi %scan3A_78, %scan3A_79 : i32
      %scan3A_81 = arith.constant 1 : i32
      %scan3A_82:4 = scf.for %scan3A_265 = %scan3A_78 to %scan3A_80 step %scan3A_81 iter_args(%scan3A_266 = %scan3A_50#0, %scan3A_267 = %scan3A_50#1, %scan3A_268 = %broadcast_in_dim3A_6, %scan3A_269 = %broadcast_in_dim3A_77) -> (vector<16xi32>, vector<16xf32>, vector<16xi32>, vector<16xi32>)  : i32 {
        %add3A_270 = arith.addi %scan3A_268, %scan3A_266 : vector<16xi32>
        %gather3A = tpu.vector_load_idx %arg8[%add3A_270] : memref<17442xf32, #tpu.memory_space<vmem>>[vector<16xi32>], vector<16xf32>,
        %add3A_271 = arith.addi %scan3A_268, %broadcast_in_dim3A_8 : vector<16xi32>
        %gather3A_272 = tpu.vector_load_idx %arg8[%add3A_271] : memref<17442xf32, #tpu.memory_space<vmem>>[vector<16xi32>], vector<16xf32>,
        %get3A_273 = arith.index_cast %scan3A_265 : i32 to index
        %get3A_274 = arith.constant 0 : index
        %get3A_275 = tpu.vector_load %arg10[%get3A_273, %get3A_274] {strides = array<i32>} : memref<512x16xf32, #tpu.memory_space<vmem>>, vector<16xf32>,
        %lt3A_276 = arith.cmpf olt, %get3A_275, %gather3A : vector<16xf32>
        %jit3A = arith.constant 1 : i32
        %jit3A_277 = arith.constant 0 : i32
        %broadcast_in_dim3A_278 = vector.broadcast %jit3A : i32 to vector<16xi32>
        %broadcast_in_dim3A_279 = vector.broadcast %jit3A_277 : i32 to vector<16xi32>
        %select_n3A = arith.select %lt3A_276, %broadcast_in_dim3A_278, %broadcast_in_dim3A_279 : vector<16xi1>, vector<16xi32>
        tpu.vector_store_idx %arg12[%iota3A, %scan3A_269], %select_n3A : memref<16x512xi32, #tpu.memory_space<vmem>>[vector<16xi32>, vector<16xi32>], vector<16xi32>,
        %sub3A = arith.subi %scan3A_266, %select_n3A : vector<16xi32>
        %jit3A_280 = arith.constant 0.000000e+00 : f32
        %broadcast_in_dim3A_281 = vector.broadcast %jit3A_280 : f32 to vector<16xf32>
        %select_n3A_282 = arith.select %lt3A_276, %gather3A_272, %broadcast_in_dim3A_281 : vector<16xi1>, vector<16xf32>
        %add3A_283 = arith.addf %scan3A_267, %select_n3A_282 : vector<16xf32>
        %add3A_284 = arith.constant 34 : i32
        %add3A_285 = vector.broadcast %add3A_284 : i32 to vector<16xi32>
        %add3A_286 = arith.addi %scan3A_268, %add3A_285 : vector<16xi32>
        %sub3A_287 = arith.constant 1 : i32
        %sub3A_288 = vector.broadcast %sub3A_287 : i32 to vector<16xi32>
        %sub3A_289 = arith.subi %scan3A_269, %sub3A_288 : vector<16xi32>
        scf.yield %sub3A, %add3A_283, %add3A_286, %sub3A_289 : vector<16xi32>, vector<16xf32>, vector<16xi32>, vector<16xi32>
      }
      %scan3A_83 = arith.constant 512 : i32
      "tpu.region"() ({
        %run_scoped3A = tpu.sem_alloc : memref<!tpu.dma_semaphore, #tpu.memory_space<semaphore_mem>>
        %dma_start3A_265 = arith.constant 3072 : i32
        %dma_start3A_266 = tpu.memref_slice %arg5[%mul3A_4, %dma_start3A_265] : memref<128x4096xi32, #tpu.memory_space<hbm>> -> memref<16x512xi32, #tpu.memory_space<hbm>>
        %dma_start3A_267 = arith.constant 3072 : i32
        %dma_start3A_268 = tpu.memref_slice %arg5[%mul3A_4, %dma_start3A_267] : memref<128x4096xi32, #tpu.memory_space<hbm>> -> memref<16x512xi32, #tpu.memory_space<hbm>>
        tpu.enqueue_dma source(%arg12 : memref<16x512xi32, #tpu.memory_space<vmem>>) target(%dma_start3A_268 : memref<16x512xi32, #tpu.memory_space<hbm>>) target_semaphore(%run_scoped3A : memref<!tpu.dma_semaphore, #tpu.memory_space<semaphore_mem>>)
        %dma_wait3A_269 = arith.constant 3072 : i32
        %dma_wait3A_270 = tpu.memref_slice %arg5[%mul3A_4, %dma_wait3A_269] : memref<128x4096xi32, #tpu.memory_space<hbm>> -> memref<16x512xi32, #tpu.memory_space<hbm>>
        %dma_wait3A_271 = arith.constant 3072 : i32
        %dma_wait3A_272 = tpu.memref_slice %arg5[%mul3A_4, %dma_wait3A_271] : memref<128x4096xi32, #tpu.memory_space<hbm>> -> memref<16x512xi32, #tpu.memory_space<hbm>>
        tpu.wait_dma2 semaphore(%run_scoped3A : memref<!tpu.dma_semaphore, #tpu.memory_space<semaphore_mem>>) src(%arg12 : memref<16x512xi32, #tpu.memory_space<vmem>>) dst(%dma_wait3A_272 : memref<16x512xi32, #tpu.memory_space<hbm>>)
        tpu.yield
      }) : () -> ()
      %dma_wait3A_84 = arith.constant 0 : i32
      %dma_wait3A_85 = tpu.memref_slice %arg7[%dma_wait3A_84] : memref<17442xf32, #tpu.memory_space<vmem>> -> memref<17408xf32, #tpu.memory_space<vmem>>
      %dma_wait3A_86 = arith.constant 34816 : i32
      %dma_wait3A_87 = tpu.memref_slice %arg3[%dma_wait3A_86] : memref<139264xf32, #tpu.memory_space<hbm>> -> memref<17408xf32, #tpu.memory_space<hbm>>
      %dma_wait3A_88 = arith.constant 0 : i32
      %dma_wait3A_89 = tpu.memref_slice %arg7[%dma_wait3A_88] : memref<17442xf32, #tpu.memory_space<vmem>> -> memref<17408xf32, #tpu.memory_space<vmem>>
      %dma_wait3A_90 = arith.constant 34816 : i32
      %dma_wait3A_91 = tpu.memref_slice %arg3[%dma_wait3A_90] : memref<139264xf32, #tpu.memory_space<hbm>> -> memref<17408xf32, #tpu.memory_space<hbm>>
      tpu.wait_dma2 semaphore(%arg15 : memref<!tpu.dma_semaphore, #tpu.memory_space<semaphore_mem>>) src(%dma_wait3A_91 : memref<17408xf32, #tpu.memory_space<hbm>>) dst(%dma_wait3A_89 : memref<17408xf32, #tpu.memory_space<vmem>>)
      %dma_wait3A_92 = arith.constant 1024 : i32
      %dma_wait3A_93 = tpu.memref_slice %arg4[%dma_wait3A_92, %mul3A_4] : memref<4096x128xf32, #tpu.memory_space<hbm>> -> memref<512x16xf32, #tpu.memory_space<hbm>>
      %dma_wait3A_94 = arith.constant 1024 : i32
      %dma_wait3A_95 = tpu.memref_slice %arg4[%dma_wait3A_94, %mul3A_4] : memref<4096x128xf32, #tpu.memory_space<hbm>> -> memref<512x16xf32, #tpu.memory_space<hbm>>
      tpu.wait_dma2 semaphore(%arg17 : memref<!tpu.dma_semaphore, #tpu.memory_space<semaphore_mem>>) src(%dma_wait3A_95 : memref<512x16xf32, #tpu.memory_space<hbm>>) dst(%arg9 : memref<512x16xf32, #tpu.memory_space<vmem>>)
      %dma_start3A_96 = arith.constant 0 : i32
      %dma_start3A_97 = tpu.memref_slice %arg8[%dma_start3A_96] : memref<17442xf32, #tpu.memory_space<vmem>> -> memref<17408xf32, #tpu.memory_space<vmem>>
      %dma_start3A_98 = arith.constant 52224 : i32
      %dma_start3A_99 = tpu.memref_slice %arg3[%dma_start3A_98] : memref<139264xf32, #tpu.memory_space<hbm>> -> memref<17408xf32, #tpu.memory_space<hbm>>
      %dma_start3A_100 = arith.constant 0 : i32
      %dma_start3A_101 = tpu.memref_slice %arg8[%dma_start3A_100] : memref<17442xf32, #tpu.memory_space<vmem>> -> memref<17408xf32, #tpu.memory_space<vmem>>
      %dma_start3A_102 = arith.constant 52224 : i32
      %dma_start3A_103 = tpu.memref_slice %arg3[%dma_start3A_102] : memref<139264xf32, #tpu.memory_space<hbm>> -> memref<17408xf32, #tpu.memory_space<hbm>>
      tpu.enqueue_dma source(%dma_start3A_103 : memref<17408xf32, #tpu.memory_space<hbm>>) target(%dma_start3A_101 : memref<17408xf32, #tpu.memory_space<vmem>>) target_semaphore(%arg16 : memref<!tpu.dma_semaphore, #tpu.memory_space<semaphore_mem>>)
      %dma_start3A_104 = arith.constant 1536 : i32
      %dma_start3A_105 = tpu.memref_slice %arg4[%dma_start3A_104, %mul3A_4] : memref<4096x128xf32, #tpu.memory_space<hbm>> -> memref<512x16xf32, #tpu.memory_space<hbm>>
      %dma_start3A_106 = arith.constant 1536 : i32
      %dma_start3A_107 = tpu.memref_slice %arg4[%dma_start3A_106, %mul3A_4] : memref<4096x128xf32, #tpu.memory_space<hbm>> -> memref<512x16xf32, #tpu.memory_space<hbm>>
      tpu.enqueue_dma source(%dma_start3A_107 : memref<512x16xf32, #tpu.memory_space<hbm>>) target(%arg10 : memref<512x16xf32, #tpu.memory_space<vmem>>) target_semaphore(%arg18 : memref<!tpu.dma_semaphore, #tpu.memory_space<semaphore_mem>>)
      %broadcast_in_dim3A_108 = arith.constant 511 : i32
      %broadcast_in_dim3A_109 = vector.broadcast %broadcast_in_dim3A_108 : i32 to vector<16xi32>
      %scan3A_110 = arith.constant 0 : i32
      %scan3A_111 = arith.constant 512 : i32
      %scan3A_112 = arith.addi %scan3A_110, %scan3A_111 : i32
      %scan3A_113 = arith.constant 1 : i32
      %scan3A_114:4 = scf.for %scan3A_265 = %scan3A_110 to %scan3A_112 step %scan3A_113 iter_args(%scan3A_266 = %scan3A_82#0, %scan3A_267 = %scan3A_82#1, %scan3A_268 = %broadcast_in_dim3A_6, %scan3A_269 = %broadcast_in_dim3A_109) -> (vector<16xi32>, vector<16xf32>, vector<16xi32>, vector<16xi32>)  : i32 {
        %add3A_270 = arith.addi %scan3A_268, %scan3A_266 : vector<16xi32>
        %gather3A = tpu.vector_load_idx %arg7[%add3A_270] : memref<17442xf32, #tpu.memory_space<vmem>>[vector<16xi32>], vector<16xf32>,
        %add3A_271 = arith.addi %scan3A_268, %broadcast_in_dim3A_8 : vector<16xi32>
        %gather3A_272 = tpu.vector_load_idx %arg7[%add3A_271] : memref<17442xf32, #tpu.memory_space<vmem>>[vector<16xi32>], vector<16xf32>,
        %get3A_273 = arith.index_cast %scan3A_265 : i32 to index
        %get3A_274 = arith.constant 0 : index
        %get3A_275 = tpu.vector_load %arg9[%get3A_273, %get3A_274] {strides = array<i32>} : memref<512x16xf32, #tpu.memory_space<vmem>>, vector<16xf32>,
        %lt3A_276 = arith.cmpf olt, %get3A_275, %gather3A : vector<16xf32>
        %jit3A = arith.constant 1 : i32
        %jit3A_277 = arith.constant 0 : i32
        %broadcast_in_dim3A_278 = vector.broadcast %jit3A : i32 to vector<16xi32>
        %broadcast_in_dim3A_279 = vector.broadcast %jit3A_277 : i32 to vector<16xi32>
        %select_n3A = arith.select %lt3A_276, %broadcast_in_dim3A_278, %broadcast_in_dim3A_279 : vector<16xi1>, vector<16xi32>
        tpu.vector_store_idx %arg11[%iota3A, %scan3A_269], %select_n3A : memref<16x512xi32, #tpu.memory_space<vmem>>[vector<16xi32>, vector<16xi32>], vector<16xi32>,
        %sub3A = arith.subi %scan3A_266, %select_n3A : vector<16xi32>
        %jit3A_280 = arith.constant 0.000000e+00 : f32
        %broadcast_in_dim3A_281 = vector.broadcast %jit3A_280 : f32 to vector<16xf32>
        %select_n3A_282 = arith.select %lt3A_276, %gather3A_272, %broadcast_in_dim3A_281 : vector<16xi1>, vector<16xf32>
        %add3A_283 = arith.addf %scan3A_267, %select_n3A_282 : vector<16xf32>
        %add3A_284 = arith.constant 34 : i32
        %add3A_285 = vector.broadcast %add3A_284 : i32 to vector<16xi32>
        %add3A_286 = arith.addi %scan3A_268, %add3A_285 : vector<16xi32>
        %sub3A_287 = arith.constant 1 : i32
        %sub3A_288 = vector.broadcast %sub3A_287 : i32 to vector<16xi32>
        %sub3A_289 = arith.subi %scan3A_269, %sub3A_288 : vector<16xi32>
        scf.yield %sub3A, %add3A_283, %add3A_286, %sub3A_289 : vector<16xi32>, vector<16xf32>, vector<16xi32>, vector<16xi32>
      }
      %scan3A_115 = arith.constant 512 : i32
      "tpu.region"() ({
        %run_scoped3A = tpu.sem_alloc : memref<!tpu.dma_semaphore, #tpu.memory_space<semaphore_mem>>
        %dma_start3A_265 = arith.constant 2560 : i32
        %dma_start3A_266 = tpu.memref_slice %arg5[%mul3A_4, %dma_start3A_265] : memref<128x4096xi32, #tpu.memory_space<hbm>> -> memref<16x512xi32, #tpu.memory_space<hbm>>
        %dma_start3A_267 = arith.constant 2560 : i32
        %dma_start3A_268 = tpu.memref_slice %arg5[%mul3A_4, %dma_start3A_267] : memref<128x4096xi32, #tpu.memory_space<hbm>> -> memref<16x512xi32, #tpu.memory_space<hbm>>
        tpu.enqueue_dma source(%arg11 : memref<16x512xi32, #tpu.memory_space<vmem>>) target(%dma_start3A_268 : memref<16x512xi32, #tpu.memory_space<hbm>>) target_semaphore(%run_scoped3A : memref<!tpu.dma_semaphore, #tpu.memory_space<semaphore_mem>>)
        %dma_wait3A_269 = arith.constant 2560 : i32
        %dma_wait3A_270 = tpu.memref_slice %arg5[%mul3A_4, %dma_wait3A_269] : memref<128x4096xi32, #tpu.memory_space<hbm>> -> memref<16x512xi32, #tpu.memory_space<hbm>>
        %dma_wait3A_271 = arith.constant 2560 : i32
        %dma_wait3A_272 = tpu.memref_slice %arg5[%mul3A_4, %dma_wait3A_271] : memref<128x4096xi32, #tpu.memory_space<hbm>> -> memref<16x512xi32, #tpu.memory_space<hbm>>
        tpu.wait_dma2 semaphore(%run_scoped3A : memref<!tpu.dma_semaphore, #tpu.memory_space<semaphore_mem>>) src(%arg11 : memref<16x512xi32, #tpu.memory_space<vmem>>) dst(%dma_wait3A_272 : memref<16x512xi32, #tpu.memory_space<hbm>>)
        tpu.yield
      }) : () -> ()
      %dma_wait3A_116 = arith.constant 0 : i32
      %dma_wait3A_117 = tpu.memref_slice %arg8[%dma_wait3A_116] : memref<17442xf32, #tpu.memory_space<vmem>> -> memref<17408xf32, #tpu.memory_space<vmem>>
      %dma_wait3A_118 = arith.constant 52224 : i32
      %dma_wait3A_119 = tpu.memref_slice %arg3[%dma_wait3A_118] : memref<139264xf32, #tpu.memory_space<hbm>> -> memref<17408xf32, #tpu.memory_space<hbm>>
      %dma_wait3A_120 = arith.constant 0 : i32
      %dma_wait3A_121 = tpu.memref_slice %arg8[%dma_wait3A_120] : memref<17442xf32, #tpu.memory_space<vmem>> -> memref<17408xf32, #tpu.memory_space<vmem>>
      %dma_wait3A_122 = arith.constant 52224 : i32
      %dma_wait3A_123 = tpu.memref_slice %arg3[%dma_wait3A_122] : memref<139264xf32, #tpu.memory_space<hbm>> -> memref<17408xf32, #tpu.memory_space<hbm>>
      tpu.wait_dma2 semaphore(%arg16 : memref<!tpu.dma_semaphore, #tpu.memory_space<semaphore_mem>>) src(%dma_wait3A_123 : memref<17408xf32, #tpu.memory_space<hbm>>) dst(%dma_wait3A_121 : memref<17408xf32, #tpu.memory_space<vmem>>)
      %dma_wait3A_124 = arith.constant 1536 : i32
      %dma_wait3A_125 = tpu.memref_slice %arg4[%dma_wait3A_124, %mul3A_4] : memref<4096x128xf32, #tpu.memory_space<hbm>> -> memref<512x16xf32, #tpu.memory_space<hbm>>
      %dma_wait3A_126 = arith.constant 1536 : i32
      %dma_wait3A_127 = tpu.memref_slice %arg4[%dma_wait3A_126, %mul3A_4] : memref<4096x128xf32, #tpu.memory_space<hbm>> -> memref<512x16xf32, #tpu.memory_space<hbm>>
      tpu.wait_dma2 semaphore(%arg18 : memref<!tpu.dma_semaphore, #tpu.memory_space<semaphore_mem>>) src(%dma_wait3A_127 : memref<512x16xf32, #tpu.memory_space<hbm>>) dst(%arg10 : memref<512x16xf32, #tpu.memory_space<vmem>>)
      %dma_start3A_128 = arith.constant 0 : i32
      %dma_start3A_129 = tpu.memref_slice %arg7[%dma_start3A_128] : memref<17442xf32, #tpu.memory_space<vmem>> -> memref<17408xf32, #tpu.memory_space<vmem>>
      %dma_start3A_130 = arith.constant 69632 : i32
      %dma_start3A_131 = tpu.memref_slice %arg3[%dma_start3A_130] : memref<139264xf32, #tpu.memory_space<hbm>> -> memref<17408xf32, #tpu.memory_space<hbm>>
      %dma_start3A_132 = arith.constant 0 : i32
      %dma_start3A_133 = tpu.memref_slice %arg7[%dma_start3A_132] : memref<17442xf32, #tpu.memory_space<vmem>> -> memref<17408xf32, #tpu.memory_space<vmem>>
      %dma_start3A_134 = arith.constant 69632 : i32
      %dma_start3A_135 = tpu.memref_slice %arg3[%dma_start3A_134] : memref<139264xf32, #tpu.memory_space<hbm>> -> memref<17408xf32, #tpu.memory_space<hbm>>
      tpu.enqueue_dma source(%dma_start3A_135 : memref<17408xf32, #tpu.memory_space<hbm>>) target(%dma_start3A_133 : memref<17408xf32, #tpu.memory_space<vmem>>) target_semaphore(%arg15 : memref<!tpu.dma_semaphore, #tpu.memory_space<semaphore_mem>>)
      %dma_start3A_136 = arith.constant 2048 : i32
      %dma_start3A_137 = tpu.memref_slice %arg4[%dma_start3A_136, %mul3A_4] : memref<4096x128xf32, #tpu.memory_space<hbm>> -> memref<512x16xf32, #tpu.memory_space<hbm>>
      %dma_start3A_138 = arith.constant 2048 : i32
      %dma_start3A_139 = tpu.memref_slice %arg4[%dma_start3A_138, %mul3A_4] : memref<4096x128xf32, #tpu.memory_space<hbm>> -> memref<512x16xf32, #tpu.memory_space<hbm>>
      tpu.enqueue_dma source(%dma_start3A_139 : memref<512x16xf32, #tpu.memory_space<hbm>>) target(%arg9 : memref<512x16xf32, #tpu.memory_space<vmem>>) target_semaphore(%arg17 : memref<!tpu.dma_semaphore, #tpu.memory_space<semaphore_mem>>)
      %broadcast_in_dim3A_140 = arith.constant 511 : i32
      %broadcast_in_dim3A_141 = vector.broadcast %broadcast_in_dim3A_140 : i32 to vector<16xi32>
      %scan3A_142 = arith.constant 0 : i32
      %scan3A_143 = arith.constant 512 : i32
      %scan3A_144 = arith.addi %scan3A_142, %scan3A_143 : i32
      %scan3A_145 = arith.constant 1 : i32
      %scan3A_146:4 = scf.for %scan3A_265 = %scan3A_142 to %scan3A_144 step %scan3A_145 iter_args(%scan3A_266 = %scan3A_114#0, %scan3A_267 = %scan3A_114#1, %scan3A_268 = %broadcast_in_dim3A_6, %scan3A_269 = %broadcast_in_dim3A_141) -> (vector<16xi32>, vector<16xf32>, vector<16xi32>, vector<16xi32>)  : i32 {
        %add3A_270 = arith.addi %scan3A_268, %scan3A_266 : vector<16xi32>
        %gather3A = tpu.vector_load_idx %arg8[%add3A_270] : memref<17442xf32, #tpu.memory_space<vmem>>[vector<16xi32>], vector<16xf32>,
        %add3A_271 = arith.addi %scan3A_268, %broadcast_in_dim3A_8 : vector<16xi32>
        %gather3A_272 = tpu.vector_load_idx %arg8[%add3A_271] : memref<17442xf32, #tpu.memory_space<vmem>>[vector<16xi32>], vector<16xf32>,
        %get3A_273 = arith.index_cast %scan3A_265 : i32 to index
        %get3A_274 = arith.constant 0 : index
        %get3A_275 = tpu.vector_load %arg10[%get3A_273, %get3A_274] {strides = array<i32>} : memref<512x16xf32, #tpu.memory_space<vmem>>, vector<16xf32>,
        %lt3A_276 = arith.cmpf olt, %get3A_275, %gather3A : vector<16xf32>
        %jit3A = arith.constant 1 : i32
        %jit3A_277 = arith.constant 0 : i32
        %broadcast_in_dim3A_278 = vector.broadcast %jit3A : i32 to vector<16xi32>
        %broadcast_in_dim3A_279 = vector.broadcast %jit3A_277 : i32 to vector<16xi32>
        %select_n3A = arith.select %lt3A_276, %broadcast_in_dim3A_278, %broadcast_in_dim3A_279 : vector<16xi1>, vector<16xi32>
        tpu.vector_store_idx %arg12[%iota3A, %scan3A_269], %select_n3A : memref<16x512xi32, #tpu.memory_space<vmem>>[vector<16xi32>, vector<16xi32>], vector<16xi32>,
        %sub3A = arith.subi %scan3A_266, %select_n3A : vector<16xi32>
        %jit3A_280 = arith.constant 0.000000e+00 : f32
        %broadcast_in_dim3A_281 = vector.broadcast %jit3A_280 : f32 to vector<16xf32>
        %select_n3A_282 = arith.select %lt3A_276, %gather3A_272, %broadcast_in_dim3A_281 : vector<16xi1>, vector<16xf32>
        %add3A_283 = arith.addf %scan3A_267, %select_n3A_282 : vector<16xf32>
        %add3A_284 = arith.constant 34 : i32
        %add3A_285 = vector.broadcast %add3A_284 : i32 to vector<16xi32>
        %add3A_286 = arith.addi %scan3A_268, %add3A_285 : vector<16xi32>
        %sub3A_287 = arith.constant 1 : i32
        %sub3A_288 = vector.broadcast %sub3A_287 : i32 to vector<16xi32>
        %sub3A_289 = arith.subi %scan3A_269, %sub3A_288 : vector<16xi32>
        scf.yield %sub3A, %add3A_283, %add3A_286, %sub3A_289 : vector<16xi32>, vector<16xf32>, vector<16xi32>, vector<16xi32>
      }
      %scan3A_147 = arith.constant 512 : i32
      "tpu.region"() ({
        %run_scoped3A = tpu.sem_alloc : memref<!tpu.dma_semaphore, #tpu.memory_space<semaphore_mem>>
        %dma_start3A_265 = arith.constant 2048 : i32
        %dma_start3A_266 = tpu.memref_slice %arg5[%mul3A_4, %dma_start3A_265] : memref<128x4096xi32, #tpu.memory_space<hbm>> -> memref<16x512xi32, #tpu.memory_space<hbm>>
        %dma_start3A_267 = arith.constant 2048 : i32
        %dma_start3A_268 = tpu.memref_slice %arg5[%mul3A_4, %dma_start3A_267] : memref<128x4096xi32, #tpu.memory_space<hbm>> -> memref<16x512xi32, #tpu.memory_space<hbm>>
        tpu.enqueue_dma source(%arg12 : memref<16x512xi32, #tpu.memory_space<vmem>>) target(%dma_start3A_268 : memref<16x512xi32, #tpu.memory_space<hbm>>) target_semaphore(%run_scoped3A : memref<!tpu.dma_semaphore, #tpu.memory_space<semaphore_mem>>)
        %dma_wait3A_269 = arith.constant 2048 : i32
        %dma_wait3A_270 = tpu.memref_slice %arg5[%mul3A_4, %dma_wait3A_269] : memref<128x4096xi32, #tpu.memory_space<hbm>> -> memref<16x512xi32, #tpu.memory_space<hbm>>
        %dma_wait3A_271 = arith.constant 2048 : i32
        %dma_wait3A_272 = tpu.memref_slice %arg5[%mul3A_4, %dma_wait3A_271] : memref<128x4096xi32, #tpu.memory_space<hbm>> -> memref<16x512xi32, #tpu.memory_space<hbm>>
        tpu.wait_dma2 semaphore(%run_scoped3A : memref<!tpu.dma_semaphore, #tpu.memory_space<semaphore_mem>>) src(%arg12 : memref<16x512xi32, #tpu.memory_space<vmem>>) dst(%dma_wait3A_272 : memref<16x512xi32, #tpu.memory_space<hbm>>)
        tpu.yield
      }) : () -> ()
      %dma_wait3A_148 = arith.constant 0 : i32
      %dma_wait3A_149 = tpu.memref_slice %arg7[%dma_wait3A_148] : memref<17442xf32, #tpu.memory_space<vmem>> -> memref<17408xf32, #tpu.memory_space<vmem>>
      %dma_wait3A_150 = arith.constant 69632 : i32
      %dma_wait3A_151 = tpu.memref_slice %arg3[%dma_wait3A_150] : memref<139264xf32, #tpu.memory_space<hbm>> -> memref<17408xf32, #tpu.memory_space<hbm>>
      %dma_wait3A_152 = arith.constant 0 : i32
      %dma_wait3A_153 = tpu.memref_slice %arg7[%dma_wait3A_152] : memref<17442xf32, #tpu.memory_space<vmem>> -> memref<17408xf32, #tpu.memory_space<vmem>>
      %dma_wait3A_154 = arith.constant 69632 : i32
      %dma_wait3A_155 = tpu.memref_slice %arg3[%dma_wait3A_154] : memref<139264xf32, #tpu.memory_space<hbm>> -> memref<17408xf32, #tpu.memory_space<hbm>>
      tpu.wait_dma2 semaphore(%arg15 : memref<!tpu.dma_semaphore, #tpu.memory_space<semaphore_mem>>) src(%dma_wait3A_155 : memref<17408xf32, #tpu.memory_space<hbm>>) dst(%dma_wait3A_153 : memref<17408xf32, #tpu.memory_space<vmem>>)
      %dma_wait3A_156 = arith.constant 2048 : i32
      %dma_wait3A_157 = tpu.memref_slice %arg4[%dma_wait3A_156, %mul3A_4] : memref<4096x128xf32, #tpu.memory_space<hbm>> -> memref<512x16xf32, #tpu.memory_space<hbm>>
      %dma_wait3A_158 = arith.constant 2048 : i32
      %dma_wait3A_159 = tpu.memref_slice %arg4[%dma_wait3A_158, %mul3A_4] : memref<4096x128xf32, #tpu.memory_space<hbm>> -> memref<512x16xf32, #tpu.memory_space<hbm>>
      tpu.wait_dma2 semaphore(%arg17 : memref<!tpu.dma_semaphore, #tpu.memory_space<semaphore_mem>>) src(%dma_wait3A_159 : memref<512x16xf32, #tpu.memory_space<hbm>>) dst(%arg9 : memref<512x16xf32, #tpu.memory_space<vmem>>)
      %dma_start3A_160 = arith.constant 0 : i32
      %dma_start3A_161 = tpu.memref_slice %arg8[%dma_start3A_160] : memref<17442xf32, #tpu.memory_space<vmem>> -> memref<17408xf32, #tpu.memory_space<vmem>>
      %dma_start3A_162 = arith.constant 87040 : i32
      %dma_start3A_163 = tpu.memref_slice %arg3[%dma_start3A_162] : memref<139264xf32, #tpu.memory_space<hbm>> -> memref<17408xf32, #tpu.memory_space<hbm>>
      %dma_start3A_164 = arith.constant 0 : i32
      %dma_start3A_165 = tpu.memref_slice %arg8[%dma_start3A_164] : memref<17442xf32, #tpu.memory_space<vmem>> -> memref<17408xf32, #tpu.memory_space<vmem>>
      %dma_start3A_166 = arith.constant 87040 : i32
      %dma_start3A_167 = tpu.memref_slice %arg3[%dma_start3A_166] : memref<139264xf32, #tpu.memory_space<hbm>> -> memref<17408xf32, #tpu.memory_space<hbm>>
      tpu.enqueue_dma source(%dma_start3A_167 : memref<17408xf32, #tpu.memory_space<hbm>>) target(%dma_start3A_165 : memref<17408xf32, #tpu.memory_space<vmem>>) target_semaphore(%arg16 : memref<!tpu.dma_semaphore, #tpu.memory_space<semaphore_mem>>)
      %dma_start3A_168 = arith.constant 2560 : i32
      %dma_start3A_169 = tpu.memref_slice %arg4[%dma_start3A_168, %mul3A_4] : memref<4096x128xf32, #tpu.memory_space<hbm>> -> memref<512x16xf32, #tpu.memory_space<hbm>>
      %dma_start3A_170 = arith.constant 2560 : i32
      %dma_start3A_171 = tpu.memref_slice %arg4[%dma_start3A_170, %mul3A_4] : memref<4096x128xf32, #tpu.memory_space<hbm>> -> memref<512x16xf32, #tpu.memory_space<hbm>>
      tpu.enqueue_dma source(%dma_start3A_171 : memref<512x16xf32, #tpu.memory_space<hbm>>) target(%arg10 : memref<512x16xf32, #tpu.memory_space<vmem>>) target_semaphore(%arg18 : memref<!tpu.dma_semaphore, #tpu.memory_space<semaphore_mem>>)
      %broadcast_in_dim3A_172 = arith.constant 511 : i32
      %broadcast_in_dim3A_173 = vector.broadcast %broadcast_in_dim3A_172 : i32 to vector<16xi32>
      %scan3A_174 = arith.constant 0 : i32
      %scan3A_175 = arith.constant 512 : i32
      %scan3A_176 = arith.addi %scan3A_174, %scan3A_175 : i32
      %scan3A_177 = arith.constant 1 : i32
      %scan3A_178:4 = scf.for %scan3A_265 = %scan3A_174 to %scan3A_176 step %scan3A_177 iter_args(%scan3A_266 = %scan3A_146#0, %scan3A_267 = %scan3A_146#1, %scan3A_268 = %broadcast_in_dim3A_6, %scan3A_269 = %broadcast_in_dim3A_173) -> (vector<16xi32>, vector<16xf32>, vector<16xi32>, vector<16xi32>)  : i32 {
        %add3A_270 = arith.addi %scan3A_268, %scan3A_266 : vector<16xi32>
        %gather3A = tpu.vector_load_idx %arg7[%add3A_270] : memref<17442xf32, #tpu.memory_space<vmem>>[vector<16xi32>], vector<16xf32>,
        %add3A_271 = arith.addi %scan3A_268, %broadcast_in_dim3A_8 : vector<16xi32>
        %gather3A_272 = tpu.vector_load_idx %arg7[%add3A_271] : memref<17442xf32, #tpu.memory_space<vmem>>[vector<16xi32>], vector<16xf32>,
        %get3A_273 = arith.index_cast %scan3A_265 : i32 to index
        %get3A_274 = arith.constant 0 : index
        %get3A_275 = tpu.vector_load %arg9[%get3A_273, %get3A_274] {strides = array<i32>} : memref<512x16xf32, #tpu.memory_space<vmem>>, vector<16xf32>,
        %lt3A_276 = arith.cmpf olt, %get3A_275, %gather3A : vector<16xf32>
        %jit3A = arith.constant 1 : i32
        %jit3A_277 = arith.constant 0 : i32
        %broadcast_in_dim3A_278 = vector.broadcast %jit3A : i32 to vector<16xi32>
        %broadcast_in_dim3A_279 = vector.broadcast %jit3A_277 : i32 to vector<16xi32>
        %select_n3A = arith.select %lt3A_276, %broadcast_in_dim3A_278, %broadcast_in_dim3A_279 : vector<16xi1>, vector<16xi32>
        tpu.vector_store_idx %arg11[%iota3A, %scan3A_269], %select_n3A : memref<16x512xi32, #tpu.memory_space<vmem>>[vector<16xi32>, vector<16xi32>], vector<16xi32>,
        %sub3A = arith.subi %scan3A_266, %select_n3A : vector<16xi32>
        %jit3A_280 = arith.constant 0.000000e+00 : f32
        %broadcast_in_dim3A_281 = vector.broadcast %jit3A_280 : f32 to vector<16xf32>
        %select_n3A_282 = arith.select %lt3A_276, %gather3A_272, %broadcast_in_dim3A_281 : vector<16xi1>, vector<16xf32>
        %add3A_283 = arith.addf %scan3A_267, %select_n3A_282 : vector<16xf32>
        %add3A_284 = arith.constant 34 : i32
        %add3A_285 = vector.broadcast %add3A_284 : i32 to vector<16xi32>
        %add3A_286 = arith.addi %scan3A_268, %add3A_285 : vector<16xi32>
        %sub3A_287 = arith.constant 1 : i32
        %sub3A_288 = vector.broadcast %sub3A_287 : i32 to vector<16xi32>
        %sub3A_289 = arith.subi %scan3A_269, %sub3A_288 : vector<16xi32>
        scf.yield %sub3A, %add3A_283, %add3A_286, %sub3A_289 : vector<16xi32>, vector<16xf32>, vector<16xi32>, vector<16xi32>
      }
      %scan3A_179 = arith.constant 512 : i32
      "tpu.region"() ({
        %run_scoped3A = tpu.sem_alloc : memref<!tpu.dma_semaphore, #tpu.memory_space<semaphore_mem>>
        %dma_start3A_265 = arith.constant 1536 : i32
        %dma_start3A_266 = tpu.memref_slice %arg5[%mul3A_4, %dma_start3A_265] : memref<128x4096xi32, #tpu.memory_space<hbm>> -> memref<16x512xi32, #tpu.memory_space<hbm>>
        %dma_start3A_267 = arith.constant 1536 : i32
        %dma_start3A_268 = tpu.memref_slice %arg5[%mul3A_4, %dma_start3A_267] : memref<128x4096xi32, #tpu.memory_space<hbm>> -> memref<16x512xi32, #tpu.memory_space<hbm>>
        tpu.enqueue_dma source(%arg11 : memref<16x512xi32, #tpu.memory_space<vmem>>) target(%dma_start3A_268 : memref<16x512xi32, #tpu.memory_space<hbm>>) target_semaphore(%run_scoped3A : memref<!tpu.dma_semaphore, #tpu.memory_space<semaphore_mem>>)
        %dma_wait3A_269 = arith.constant 1536 : i32
        %dma_wait3A_270 = tpu.memref_slice %arg5[%mul3A_4, %dma_wait3A_269] : memref<128x4096xi32, #tpu.memory_space<hbm>> -> memref<16x512xi32, #tpu.memory_space<hbm>>
        %dma_wait3A_271 = arith.constant 1536 : i32
        %dma_wait3A_272 = tpu.memref_slice %arg5[%mul3A_4, %dma_wait3A_271] : memref<128x4096xi32, #tpu.memory_space<hbm>> -> memref<16x512xi32, #tpu.memory_space<hbm>>
        tpu.wait_dma2 semaphore(%run_scoped3A : memref<!tpu.dma_semaphore, #tpu.memory_space<semaphore_mem>>) src(%arg11 : memref<16x512xi32, #tpu.memory_space<vmem>>) dst(%dma_wait3A_272 : memref<16x512xi32, #tpu.memory_space<hbm>>)
        tpu.yield
      }) : () -> ()
      %dma_wait3A_180 = arith.constant 0 : i32
      %dma_wait3A_181 = tpu.memref_slice %arg8[%dma_wait3A_180] : memref<17442xf32, #tpu.memory_space<vmem>> -> memref<17408xf32, #tpu.memory_space<vmem>>
      %dma_wait3A_182 = arith.constant 87040 : i32
      %dma_wait3A_183 = tpu.memref_slice %arg3[%dma_wait3A_182] : memref<139264xf32, #tpu.memory_space<hbm>> -> memref<17408xf32, #tpu.memory_space<hbm>>
      %dma_wait3A_184 = arith.constant 0 : i32
      %dma_wait3A_185 = tpu.memref_slice %arg8[%dma_wait3A_184] : memref<17442xf32, #tpu.memory_space<vmem>> -> memref<17408xf32, #tpu.memory_space<vmem>>
      %dma_wait3A_186 = arith.constant 87040 : i32
      %dma_wait3A_187 = tpu.memref_slice %arg3[%dma_wait3A_186] : memref<139264xf32, #tpu.memory_space<hbm>> -> memref<17408xf32, #tpu.memory_space<hbm>>
      tpu.wait_dma2 semaphore(%arg16 : memref<!tpu.dma_semaphore, #tpu.memory_space<semaphore_mem>>) src(%dma_wait3A_187 : memref<17408xf32, #tpu.memory_space<hbm>>) dst(%dma_wait3A_185 : memref<17408xf32, #tpu.memory_space<vmem>>)
      %dma_wait3A_188 = arith.constant 2560 : i32
      %dma_wait3A_189 = tpu.memref_slice %arg4[%dma_wait3A_188, %mul3A_4] : memref<4096x128xf32, #tpu.memory_space<hbm>> -> memref<512x16xf32, #tpu.memory_space<hbm>>
      %dma_wait3A_190 = arith.constant 2560 : i32
      %dma_wait3A_191 = tpu.memref_slice %arg4[%dma_wait3A_190, %mul3A_4] : memref<4096x128xf32, #tpu.memory_space<hbm>> -> memref<512x16xf32, #tpu.memory_space<hbm>>
      tpu.wait_dma2 semaphore(%arg18 : memref<!tpu.dma_semaphore, #tpu.memory_space<semaphore_mem>>) src(%dma_wait3A_191 : memref<512x16xf32, #tpu.memory_space<hbm>>) dst(%arg10 : memref<512x16xf32, #tpu.memory_space<vmem>>)
      %dma_start3A_192 = arith.constant 0 : i32
      %dma_start3A_193 = tpu.memref_slice %arg7[%dma_start3A_192] : memref<17442xf32, #tpu.memory_space<vmem>> -> memref<17408xf32, #tpu.memory_space<vmem>>
      %dma_start3A_194 = arith.constant 104448 : i32
      %dma_start3A_195 = tpu.memref_slice %arg3[%dma_start3A_194] : memref<139264xf32, #tpu.memory_space<hbm>> -> memref<17408xf32, #tpu.memory_space<hbm>>
      %dma_start3A_196 = arith.constant 0 : i32
      %dma_start3A_197 = tpu.memref_slice %arg7[%dma_start3A_196] : memref<17442xf32, #tpu.memory_space<vmem>> -> memref<17408xf32, #tpu.memory_space<vmem>>
      %dma_start3A_198 = arith.constant 104448 : i32
      %dma_start3A_199 = tpu.memref_slice %arg3[%dma_start3A_198] : memref<139264xf32, #tpu.memory_space<hbm>> -> memref<17408xf32, #tpu.memory_space<hbm>>
      tpu.enqueue_dma source(%dma_start3A_199 : memref<17408xf32, #tpu.memory_space<hbm>>) target(%dma_start3A_197 : memref<17408xf32, #tpu.memory_space<vmem>>) target_semaphore(%arg15 : memref<!tpu.dma_semaphore, #tpu.memory_space<semaphore_mem>>)
      %dma_start3A_200 = arith.constant 3072 : i32
      %dma_start3A_201 = tpu.memref_slice %arg4[%dma_start3A_200, %mul3A_4] : memref<4096x128xf32, #tpu.memory_space<hbm>> -> memref<512x16xf32, #tpu.memory_space<hbm>>
      %dma_start3A_202 = arith.constant 3072 : i32
      %dma_start3A_203 = tpu.memref_slice %arg4[%dma_start3A_202, %mul3A_4] : memref<4096x128xf32, #tpu.memory_space<hbm>> -> memref<512x16xf32, #tpu.memory_space<hbm>>
      tpu.enqueue_dma source(%dma_start3A_203 : memref<512x16xf32, #tpu.memory_space<hbm>>) target(%arg9 : memref<512x16xf32, #tpu.memory_space<vmem>>) target_semaphore(%arg17 : memref<!tpu.dma_semaphore, #tpu.memory_space<semaphore_mem>>)
      %broadcast_in_dim3A_204 = arith.constant 511 : i32
      %broadcast_in_dim3A_205 = vector.broadcast %broadcast_in_dim3A_204 : i32 to vector<16xi32>
      %scan3A_206 = arith.constant 0 : i32
      %scan3A_207 = arith.constant 512 : i32
      %scan3A_208 = arith.addi %scan3A_206, %scan3A_207 : i32
      %scan3A_209 = arith.constant 1 : i32
      %scan3A_210:4 = scf.for %scan3A_265 = %scan3A_206 to %scan3A_208 step %scan3A_209 iter_args(%scan3A_266 = %scan3A_178#0, %scan3A_267 = %scan3A_178#1, %scan3A_268 = %broadcast_in_dim3A_6, %scan3A_269 = %broadcast_in_dim3A_205) -> (vector<16xi32>, vector<16xf32>, vector<16xi32>, vector<16xi32>)  : i32 {
        %add3A_270 = arith.addi %scan3A_268, %scan3A_266 : vector<16xi32>
        %gather3A = tpu.vector_load_idx %arg8[%add3A_270] : memref<17442xf32, #tpu.memory_space<vmem>>[vector<16xi32>], vector<16xf32>,
        %add3A_271 = arith.addi %scan3A_268, %broadcast_in_dim3A_8 : vector<16xi32>
        %gather3A_272 = tpu.vector_load_idx %arg8[%add3A_271] : memref<17442xf32, #tpu.memory_space<vmem>>[vector<16xi32>], vector<16xf32>,
        %get3A_273 = arith.index_cast %scan3A_265 : i32 to index
        %get3A_274 = arith.constant 0 : index
        %get3A_275 = tpu.vector_load %arg10[%get3A_273, %get3A_274] {strides = array<i32>} : memref<512x16xf32, #tpu.memory_space<vmem>>, vector<16xf32>,
        %lt3A_276 = arith.cmpf olt, %get3A_275, %gather3A : vector<16xf32>
        %jit3A = arith.constant 1 : i32
        %jit3A_277 = arith.constant 0 : i32
        %broadcast_in_dim3A_278 = vector.broadcast %jit3A : i32 to vector<16xi32>
        %broadcast_in_dim3A_279 = vector.broadcast %jit3A_277 : i32 to vector<16xi32>
        %select_n3A = arith.select %lt3A_276, %broadcast_in_dim3A_278, %broadcast_in_dim3A_279 : vector<16xi1>, vector<16xi32>
        tpu.vector_store_idx %arg12[%iota3A, %scan3A_269], %select_n3A : memref<16x512xi32, #tpu.memory_space<vmem>>[vector<16xi32>, vector<16xi32>], vector<16xi32>,
        %sub3A = arith.subi %scan3A_266, %select_n3A : vector<16xi32>
        %jit3A_280 = arith.constant 0.000000e+00 : f32
        %broadcast_in_dim3A_281 = vector.broadcast %jit3A_280 : f32 to vector<16xf32>
        %select_n3A_282 = arith.select %lt3A_276, %gather3A_272, %broadcast_in_dim3A_281 : vector<16xi1>, vector<16xf32>
        %add3A_283 = arith.addf %scan3A_267, %select_n3A_282 : vector<16xf32>
        %add3A_284 = arith.constant 34 : i32
        %add3A_285 = vector.broadcast %add3A_284 : i32 to vector<16xi32>
        %add3A_286 = arith.addi %scan3A_268, %add3A_285 : vector<16xi32>
        %sub3A_287 = arith.constant 1 : i32
        %sub3A_288 = vector.broadcast %sub3A_287 : i32 to vector<16xi32>
        %sub3A_289 = arith.subi %scan3A_269, %sub3A_288 : vector<16xi32>
        scf.yield %sub3A, %add3A_283, %add3A_286, %sub3A_289 : vector<16xi32>, vector<16xf32>, vector<16xi32>, vector<16xi32>
      }
      %scan3A_211 = arith.constant 512 : i32
      "tpu.region"() ({
        %run_scoped3A = tpu.sem_alloc : memref<!tpu.dma_semaphore, #tpu.memory_space<semaphore_mem>>
        %dma_start3A_265 = arith.constant 1024 : i32
        %dma_start3A_266 = tpu.memref_slice %arg5[%mul3A_4, %dma_start3A_265] : memref<128x4096xi32, #tpu.memory_space<hbm>> -> memref<16x512xi32, #tpu.memory_space<hbm>>
        %dma_start3A_267 = arith.constant 1024 : i32
        %dma_start3A_268 = tpu.memref_slice %arg5[%mul3A_4, %dma_start3A_267] : memref<128x4096xi32, #tpu.memory_space<hbm>> -> memref<16x512xi32, #tpu.memory_space<hbm>>
        tpu.enqueue_dma source(%arg12 : memref<16x512xi32, #tpu.memory_space<vmem>>) target(%dma_start3A_268 : memref<16x512xi32, #tpu.memory_space<hbm>>) target_semaphore(%run_scoped3A : memref<!tpu.dma_semaphore, #tpu.memory_space<semaphore_mem>>)
        %dma_wait3A_269 = arith.constant 1024 : i32
        %dma_wait3A_270 = tpu.memref_slice %arg5[%mul3A_4, %dma_wait3A_269] : memref<128x4096xi32, #tpu.memory_space<hbm>> -> memref<16x512xi32, #tpu.memory_space<hbm>>
        %dma_wait3A_271 = arith.constant 1024 : i32
        %dma_wait3A_272 = tpu.memref_slice %arg5[%mul3A_4, %dma_wait3A_271] : memref<128x4096xi32, #tpu.memory_space<hbm>> -> memref<16x512xi32, #tpu.memory_space<hbm>>
        tpu.wait_dma2 semaphore(%run_scoped3A : memref<!tpu.dma_semaphore, #tpu.memory_space<semaphore_mem>>) src(%arg12 : memref<16x512xi32, #tpu.memory_space<vmem>>) dst(%dma_wait3A_272 : memref<16x512xi32, #tpu.memory_space<hbm>>)
        tpu.yield
      }) : () -> ()
      %dma_wait3A_212 = arith.constant 0 : i32
      %dma_wait3A_213 = tpu.memref_slice %arg7[%dma_wait3A_212] : memref<17442xf32, #tpu.memory_space<vmem>> -> memref<17408xf32, #tpu.memory_space<vmem>>
      %dma_wait3A_214 = arith.constant 104448 : i32
      %dma_wait3A_215 = tpu.memref_slice %arg3[%dma_wait3A_214] : memref<139264xf32, #tpu.memory_space<hbm>> -> memref<17408xf32, #tpu.memory_space<hbm>>
      %dma_wait3A_216 = arith.constant 0 : i32
      %dma_wait3A_217 = tpu.memref_slice %arg7[%dma_wait3A_216] : memref<17442xf32, #tpu.memory_space<vmem>> -> memref<17408xf32, #tpu.memory_space<vmem>>
      %dma_wait3A_218 = arith.constant 104448 : i32
      %dma_wait3A_219 = tpu.memref_slice %arg3[%dma_wait3A_218] : memref<139264xf32, #tpu.memory_space<hbm>> -> memref<17408xf32, #tpu.memory_space<hbm>>
      tpu.wait_dma2 semaphore(%arg15 : memref<!tpu.dma_semaphore, #tpu.memory_space<semaphore_mem>>) src(%dma_wait3A_219 : memref<17408xf32, #tpu.memory_space<hbm>>) dst(%dma_wait3A_217 : memref<17408xf32, #tpu.memory_space<vmem>>)
      %dma_wait3A_220 = arith.constant 3072 : i32
      %dma_wait3A_221 = tpu.memref_slice %arg4[%dma_wait3A_220, %mul3A_4] : memref<4096x128xf32, #tpu.memory_space<hbm>> -> memref<512x16xf32, #tpu.memory_space<hbm>>
      %dma_wait3A_222 = arith.constant 3072 : i32
      %dma_wait3A_223 = tpu.memref_slice %arg4[%dma_wait3A_222, %mul3A_4] : memref<4096x128xf32, #tpu.memory_space<hbm>> -> memref<512x16xf32, #tpu.memory_space<hbm>>
      tpu.wait_dma2 semaphore(%arg17 : memref<!tpu.dma_semaphore, #tpu.memory_space<semaphore_mem>>) src(%dma_wait3A_223 : memref<512x16xf32, #tpu.memory_space<hbm>>) dst(%arg9 : memref<512x16xf32, #tpu.memory_space<vmem>>)
      %dma_start3A_224 = arith.constant 0 : i32
      %dma_start3A_225 = tpu.memref_slice %arg8[%dma_start3A_224] : memref<17442xf32, #tpu.memory_space<vmem>> -> memref<17408xf32, #tpu.memory_space<vmem>>
      %dma_start3A_226 = arith.constant 121856 : i32
      %dma_start3A_227 = tpu.memref_slice %arg3[%dma_start3A_226] : memref<139264xf32, #tpu.memory_space<hbm>> -> memref<17408xf32, #tpu.memory_space<hbm>>
      %dma_start3A_228 = arith.constant 0 : i32
      %dma_start3A_229 = tpu.memref_slice %arg8[%dma_start3A_228] : memref<17442xf32, #tpu.memory_space<vmem>> -> memref<17408xf32, #tpu.memory_space<vmem>>
      %dma_start3A_230 = arith.constant 121856 : i32
      %dma_start3A_231 = tpu.memref_slice %arg3[%dma_start3A_230] : memref<139264xf32, #tpu.memory_space<hbm>> -> memref<17408xf32, #tpu.memory_space<hbm>>
      tpu.enqueue_dma source(%dma_start3A_231 : memref<17408xf32, #tpu.memory_space<hbm>>) target(%dma_start3A_229 : memref<17408xf32, #tpu.memory_space<vmem>>) target_semaphore(%arg16 : memref<!tpu.dma_semaphore, #tpu.memory_space<semaphore_mem>>)
      %dma_start3A_232 = arith.constant 3584 : i32
      %dma_start3A_233 = tpu.memref_slice %arg4[%dma_start3A_232, %mul3A_4] : memref<4096x128xf32, #tpu.memory_space<hbm>> -> memref<512x16xf32, #tpu.memory_space<hbm>>
      %dma_start3A_234 = arith.constant 3584 : i32
      %dma_start3A_235 = tpu.memref_slice %arg4[%dma_start3A_234, %mul3A_4] : memref<4096x128xf32, #tpu.memory_space<hbm>> -> memref<512x16xf32, #tpu.memory_space<hbm>>
      tpu.enqueue_dma source(%dma_start3A_235 : memref<512x16xf32, #tpu.memory_space<hbm>>) target(%arg10 : memref<512x16xf32, #tpu.memory_space<vmem>>) target_semaphore(%arg18 : memref<!tpu.dma_semaphore, #tpu.memory_space<semaphore_mem>>)
      %broadcast_in_dim3A_236 = arith.constant 511 : i32
      %broadcast_in_dim3A_237 = vector.broadcast %broadcast_in_dim3A_236 : i32 to vector<16xi32>
      %scan3A_238 = arith.constant 0 : i32
      %scan3A_239 = arith.constant 512 : i32
      %scan3A_240 = arith.addi %scan3A_238, %scan3A_239 : i32
      %scan3A_241 = arith.constant 1 : i32
      %scan3A_242:4 = scf.for %scan3A_265 = %scan3A_238 to %scan3A_240 step %scan3A_241 iter_args(%scan3A_266 = %scan3A_210#0, %scan3A_267 = %scan3A_210#1, %scan3A_268 = %broadcast_in_dim3A_6, %scan3A_269 = %broadcast_in_dim3A_237) -> (vector<16xi32>, vector<16xf32>, vector<16xi32>, vector<16xi32>)  : i32 {
        %add3A_270 = arith.addi %scan3A_268, %scan3A_266 : vector<16xi32>
        %gather3A = tpu.vector_load_idx %arg7[%add3A_270] : memref<17442xf32, #tpu.memory_space<vmem>>[vector<16xi32>], vector<16xf32>,
        %add3A_271 = arith.addi %scan3A_268, %broadcast_in_dim3A_8 : vector<16xi32>
        %gather3A_272 = tpu.vector_load_idx %arg7[%add3A_271] : memref<17442xf32, #tpu.memory_space<vmem>>[vector<16xi32>], vector<16xf32>,
        %get3A_273 = arith.index_cast %scan3A_265 : i32 to index
        %get3A_274 = arith.constant 0 : index
        %get3A_275 = tpu.vector_load %arg9[%get3A_273, %get3A_274] {strides = array<i32>} : memref<512x16xf32, #tpu.memory_space<vmem>>, vector<16xf32>,
        %lt3A_276 = arith.cmpf olt, %get3A_275, %gather3A : vector<16xf32>
        %jit3A = arith.constant 1 : i32
        %jit3A_277 = arith.constant 0 : i32
        %broadcast_in_dim3A_278 = vector.broadcast %jit3A : i32 to vector<16xi32>
        %broadcast_in_dim3A_279 = vector.broadcast %jit3A_277 : i32 to vector<16xi32>
        %select_n3A = arith.select %lt3A_276, %broadcast_in_dim3A_278, %broadcast_in_dim3A_279 : vector<16xi1>, vector<16xi32>
        tpu.vector_store_idx %arg11[%iota3A, %scan3A_269], %select_n3A : memref<16x512xi32, #tpu.memory_space<vmem>>[vector<16xi32>, vector<16xi32>], vector<16xi32>,
        %sub3A = arith.subi %scan3A_266, %select_n3A : vector<16xi32>
        %jit3A_280 = arith.constant 0.000000e+00 : f32
        %broadcast_in_dim3A_281 = vector.broadcast %jit3A_280 : f32 to vector<16xf32>
        %select_n3A_282 = arith.select %lt3A_276, %gather3A_272, %broadcast_in_dim3A_281 : vector<16xi1>, vector<16xf32>
        %add3A_283 = arith.addf %scan3A_267, %select_n3A_282 : vector<16xf32>
        %add3A_284 = arith.constant 34 : i32
        %add3A_285 = vector.broadcast %add3A_284 : i32 to vector<16xi32>
        %add3A_286 = arith.addi %scan3A_268, %add3A_285 : vector<16xi32>
        %sub3A_287 = arith.constant 1 : i32
        %sub3A_288 = vector.broadcast %sub3A_287 : i32 to vector<16xi32>
        %sub3A_289 = arith.subi %scan3A_269, %sub3A_288 : vector<16xi32>
        scf.yield %sub3A, %add3A_283, %add3A_286, %sub3A_289 : vector<16xi32>, vector<16xf32>, vector<16xi32>, vector<16xi32>
      }
      %scan3A_243 = arith.constant 512 : i32
      "tpu.region"() ({
        %run_scoped3A = tpu.sem_alloc : memref<!tpu.dma_semaphore, #tpu.memory_space<semaphore_mem>>
        %dma_start3A_265 = arith.constant 512 : i32
        %dma_start3A_266 = tpu.memref_slice %arg5[%mul3A_4, %dma_start3A_265] : memref<128x4096xi32, #tpu.memory_space<hbm>> -> memref<16x512xi32, #tpu.memory_space<hbm>>
        %dma_start3A_267 = arith.constant 512 : i32
        %dma_start3A_268 = tpu.memref_slice %arg5[%mul3A_4, %dma_start3A_267] : memref<128x4096xi32, #tpu.memory_space<hbm>> -> memref<16x512xi32, #tpu.memory_space<hbm>>
        tpu.enqueue_dma source(%arg11 : memref<16x512xi32, #tpu.memory_space<vmem>>) target(%dma_start3A_268 : memref<16x512xi32, #tpu.memory_space<hbm>>) target_semaphore(%run_scoped3A : memref<!tpu.dma_semaphore, #tpu.memory_space<semaphore_mem>>)
        %dma_wait3A_269 = arith.constant 512 : i32
        %dma_wait3A_270 = tpu.memref_slice %arg5[%mul3A_4, %dma_wait3A_269] : memref<128x4096xi32, #tpu.memory_space<hbm>> -> memref<16x512xi32, #tpu.memory_space<hbm>>
        %dma_wait3A_271 = arith.constant 512 : i32
        %dma_wait3A_272 = tpu.memref_slice %arg5[%mul3A_4, %dma_wait3A_271] : memref<128x4096xi32, #tpu.memory_space<hbm>> -> memref<16x512xi32, #tpu.memory_space<hbm>>
        tpu.wait_dma2 semaphore(%run_scoped3A : memref<!tpu.dma_semaphore, #tpu.memory_space<semaphore_mem>>) src(%arg11 : memref<16x512xi32, #tpu.memory_space<vmem>>) dst(%dma_wait3A_272 : memref<16x512xi32, #tpu.memory_space<hbm>>)
        tpu.yield
      }) : () -> ()
      %dma_wait3A_244 = arith.constant 0 : i32
      %dma_wait3A_245 = tpu.memref_slice %arg8[%dma_wait3A_244] : memref<17442xf32, #tpu.memory_space<vmem>> -> memref<17408xf32, #tpu.memory_space<vmem>>
      %dma_wait3A_246 = arith.constant 121856 : i32
      %dma_wait3A_247 = tpu.memref_slice %arg3[%dma_wait3A_246] : memref<139264xf32, #tpu.memory_space<hbm>> -> memref<17408xf32, #tpu.memory_space<hbm>>
      %dma_wait3A_248 = arith.constant 0 : i32
      %dma_wait3A_249 = tpu.memref_slice %arg8[%dma_wait3A_248] : memref<17442xf32, #tpu.memory_space<vmem>> -> memref<17408xf32, #tpu.memory_space<vmem>>
      %dma_wait3A_250 = arith.constant 121856 : i32
      %dma_wait3A_251 = tpu.memref_slice %arg3[%dma_wait3A_250] : memref<139264xf32, #tpu.memory_space<hbm>> -> memref<17408xf32, #tpu.memory_space<hbm>>
      tpu.wait_dma2 semaphore(%arg16 : memref<!tpu.dma_semaphore, #tpu.memory_space<semaphore_mem>>) src(%dma_wait3A_251 : memref<17408xf32, #tpu.memory_space<hbm>>) dst(%dma_wait3A_249 : memref<17408xf32, #tpu.memory_space<vmem>>)
      %dma_wait3A_252 = arith.constant 3584 : i32
      %dma_wait3A_253 = tpu.memref_slice %arg4[%dma_wait3A_252, %mul3A_4] : memref<4096x128xf32, #tpu.memory_space<hbm>> -> memref<512x16xf32, #tpu.memory_space<hbm>>
      %dma_wait3A_254 = arith.constant 3584 : i32
      %dma_wait3A_255 = tpu.memref_slice %arg4[%dma_wait3A_254, %mul3A_4] : memref<4096x128xf32, #tpu.memory_space<hbm>> -> memref<512x16xf32, #tpu.memory_space<hbm>>
      tpu.wait_dma2 semaphore(%arg18 : memref<!tpu.dma_semaphore, #tpu.memory_space<semaphore_mem>>) src(%dma_wait3A_255 : memref<512x16xf32, #tpu.memory_space<hbm>>) dst(%arg10 : memref<512x16xf32, #tpu.memory_space<vmem>>)
      %broadcast_in_dim3A_256 = arith.constant 511 : i32
      %broadcast_in_dim3A_257 = vector.broadcast %broadcast_in_dim3A_256 : i32 to vector<16xi32>
      %scan3A_258 = arith.constant 0 : i32
      %scan3A_259 = arith.constant 512 : i32
      %scan3A_260 = arith.addi %scan3A_258, %scan3A_259 : i32
      %scan3A_261 = arith.constant 1 : i32
      %scan3A_262:4 = scf.for %scan3A_265 = %scan3A_258 to %scan3A_260 step %scan3A_261 iter_args(%scan3A_266 = %scan3A_242#0, %scan3A_267 = %scan3A_242#1, %scan3A_268 = %broadcast_in_dim3A_6, %scan3A_269 = %broadcast_in_dim3A_257) -> (vector<16xi32>, vector<16xf32>, vector<16xi32>, vector<16xi32>)  : i32 {
        %add3A_270 = arith.addi %scan3A_268, %scan3A_266 : vector<16xi32>
        %gather3A = tpu.vector_load_idx %arg8[%add3A_270] : memref<17442xf32, #tpu.memory_space<vmem>>[vector<16xi32>], vector<16xf32>,
        %add3A_271 = arith.addi %scan3A_268, %broadcast_in_dim3A_8 : vector<16xi32>
        %gather3A_272 = tpu.vector_load_idx %arg8[%add3A_271] : memref<17442xf32, #tpu.memory_space<vmem>>[vector<16xi32>], vector<16xf32>,
        %get3A_273 = arith.index_cast %scan3A_265 : i32 to index
        %get3A_274 = arith.constant 0 : index
        %get3A_275 = tpu.vector_load %arg10[%get3A_273, %get3A_274] {strides = array<i32>} : memref<512x16xf32, #tpu.memory_space<vmem>>, vector<16xf32>,
        %lt3A_276 = arith.cmpf olt, %get3A_275, %gather3A : vector<16xf32>
        %jit3A = arith.constant 1 : i32
        %jit3A_277 = arith.constant 0 : i32
        %broadcast_in_dim3A_278 = vector.broadcast %jit3A : i32 to vector<16xi32>
        %broadcast_in_dim3A_279 = vector.broadcast %jit3A_277 : i32 to vector<16xi32>
        %select_n3A = arith.select %lt3A_276, %broadcast_in_dim3A_278, %broadcast_in_dim3A_279 : vector<16xi1>, vector<16xi32>
        tpu.vector_store_idx %arg12[%iota3A, %scan3A_269], %select_n3A : memref<16x512xi32, #tpu.memory_space<vmem>>[vector<16xi32>, vector<16xi32>], vector<16xi32>,
        %sub3A = arith.subi %scan3A_266, %select_n3A : vector<16xi32>
        %jit3A_280 = arith.constant 0.000000e+00 : f32
        %broadcast_in_dim3A_281 = vector.broadcast %jit3A_280 : f32 to vector<16xf32>
        %select_n3A_282 = arith.select %lt3A_276, %gather3A_272, %broadcast_in_dim3A_281 : vector<16xi1>, vector<16xf32>
        %add3A_283 = arith.addf %scan3A_267, %select_n3A_282 : vector<16xf32>
        %add3A_284 = arith.constant 34 : i32
        %add3A_285 = vector.broadcast %add3A_284 : i32 to vector<16xi32>
        %add3A_286 = arith.addi %scan3A_268, %add3A_285 : vector<16xi32>
        %sub3A_287 = arith.constant 1 : i32
        %sub3A_288 = vector.broadcast %sub3A_287 : i32 to vector<16xi32>
        %sub3A_289 = arith.subi %scan3A_269, %sub3A_288 : vector<16xi32>
        scf.yield %sub3A, %add3A_283, %add3A_286, %sub3A_289 : vector<16xi32>, vector<16xf32>, vector<16xi32>, vector<16xi32>
      }
      %scan3A_263 = arith.constant 512 : i32
      "tpu.region"() ({
        %run_scoped3A = tpu.sem_alloc : memref<!tpu.dma_semaphore, #tpu.memory_space<semaphore_mem>>
        %dma_start3A_265 = arith.constant 0 : i32
        %dma_start3A_266 = tpu.memref_slice %arg5[%mul3A_4, %dma_start3A_265] : memref<128x4096xi32, #tpu.memory_space<hbm>> -> memref<16x512xi32, #tpu.memory_space<hbm>>
        %dma_start3A_267 = arith.constant 0 : i32
        %dma_start3A_268 = tpu.memref_slice %arg5[%mul3A_4, %dma_start3A_267] : memref<128x4096xi32, #tpu.memory_space<hbm>> -> memref<16x512xi32, #tpu.memory_space<hbm>>
        tpu.enqueue_dma source(%arg12 : memref<16x512xi32, #tpu.memory_space<vmem>>) target(%dma_start3A_268 : memref<16x512xi32, #tpu.memory_space<hbm>>) target_semaphore(%run_scoped3A : memref<!tpu.dma_semaphore, #tpu.memory_space<semaphore_mem>>)
        %dma_wait3A_269 = arith.constant 0 : i32
        %dma_wait3A_270 = tpu.memref_slice %arg5[%mul3A_4, %dma_wait3A_269] : memref<128x4096xi32, #tpu.memory_space<hbm>> -> memref<16x512xi32, #tpu.memory_space<hbm>>
        %dma_wait3A_271 = arith.constant 0 : i32
        %dma_wait3A_272 = tpu.memref_slice %arg5[%mul3A_4, %dma_wait3A_271] : memref<128x4096xi32, #tpu.memory_space<hbm>> -> memref<16x512xi32, #tpu.memory_space<hbm>>
        tpu.wait_dma2 semaphore(%run_scoped3A : memref<!tpu.dma_semaphore, #tpu.memory_space<semaphore_mem>>) src(%arg12 : memref<16x512xi32, #tpu.memory_space<vmem>>) dst(%dma_wait3A_272 : memref<16x512xi32, #tpu.memory_space<hbm>>)
        tpu.yield
      }) : () -> ()
      %swap3A = arith.constant 0 : index
      %swap3A_264 = tpu.vector_load %arg14[%swap3A] {strides = array<i32>} : memref<16xf32, #tpu.memory_space<vmem>>, vector<16xf32>,
      tpu.vector_store %arg14[%swap3A], %scan3A_262#1 {strides = array<i32>} : memref<16xf32, #tpu.memory_space<vmem>>, vector<16xf32>,
      "tpu.region"() ({
        %run_scoped3A = tpu.sem_alloc : memref<!tpu.dma_semaphore, #tpu.memory_space<semaphore_mem>>
        %dma_start3A_265 = tpu.memref_slice %arg6[%mul3A_4] : memref<128xf32, #tpu.memory_space<hbm>> -> memref<16xf32, #tpu.memory_space<hbm>>
        %dma_start3A_266 = tpu.memref_slice %arg6[%mul3A_4] : memref<128xf32, #tpu.memory_space<hbm>> -> memref<16xf32, #tpu.memory_space<hbm>>
        tpu.enqueue_dma source(%arg14 : memref<16xf32, #tpu.memory_space<vmem>>) target(%dma_start3A_266 : memref<16xf32, #tpu.memory_space<hbm>>) target_semaphore(%run_scoped3A : memref<!tpu.dma_semaphore, #tpu.memory_space<semaphore_mem>>)
        %dma_wait3A_267 = tpu.memref_slice %arg6[%mul3A_4] : memref<128xf32, #tpu.memory_space<hbm>> -> memref<16xf32, #tpu.memory_space<hbm>>
        %dma_wait3A_268 = tpu.memref_slice %arg6[%mul3A_4] : memref<128xf32, #tpu.memory_space<hbm>> -> memref<16xf32, #tpu.memory_space<hbm>>
        tpu.wait_dma2 semaphore(%run_scoped3A : memref<!tpu.dma_semaphore, #tpu.memory_space<semaphore_mem>>) src(%arg14 : memref<16xf32, #tpu.memory_space<vmem>>) dst(%dma_wait3A_268 : memref<16xf32, #tpu.memory_space<hbm>>)
        tpu.yield
      }) : () -> ()
    } else {
    }
    return
  }
}

module attributes {stable_mosaic.version = 14 : i64} {
  func.func @_dp_body(%arg0: memref<4096xf32, #tpu.memory_space<smem>>, %arg1: memref<4096x128xf32, #tpu.memory_space<vmem>>, %arg2: memref<8x128xf32, #tpu.memory_space<vmem>>, %arg3: memref<16x128xf32, #tpu.memory_space<vmem>>) attributes {dimension_semantics = [], scalar_prefetch = 0 : i64, scratch_operands = 1 : i64, tpu.core_type = #tpu.core_type<tc>} {
    %iota3A = tpu.iota {dimensions = array<i32: 1>} : vector<1x128xi32>
    %eq3A = arith.constant 0 : i32
    %eq3A_0 = vector.broadcast %eq3A : i32 to vector<1x128xi32>
    %eq3A_1 = arith.cmpi eq, %iota3A, %eq3A_0 : vector<1x128xi32>
    %broadcast_in_dim3A = arith.constant -1.000000e+30 : f32
    %broadcast_in_dim3A_2 = vector.broadcast %broadcast_in_dim3A : f32 to vector<1x128xf32>
    %jit3A = arith.constant 0.000000e+00 : f32
    %broadcast_in_dim3A_3 = vector.broadcast %jit3A : f32 to vector<1x128xf32>
    %select_n3A = arith.select %eq3A_1, %broadcast_in_dim3A_3, %broadcast_in_dim3A_2 : vector<1x128xi1>, vector<1x128xf32>
    %scan3A = arith.constant 0 : i32
    %scan3A_4 = arith.constant 256 : i32
    %scan3A_5 = arith.addi %scan3A, %scan3A_4 : i32
    %scan3A_6 = arith.constant 1 : i32
    %scan3A_7 = scf.for %scan3A_11 = %scan3A to %scan3A_5 step %scan3A_6 iter_args(%scan3A_12 = %select_n3A) -> (vector<1x128xf32>)  : i32 {
      %broadcast_in_dim3A_13 = arith.constant -1.000000e+30 : f32
      %broadcast_in_dim3A_14 = vector.broadcast %broadcast_in_dim3A_13 : f32 to vector<1x1xf32>
      %slice3A = vector.extract_strided_slice %scan3A_12 {offsets = [0, 0], sizes = [1, 127], strides = [1, 1]} : vector<1x128xf32> to vector<1x127xf32>
      %concatenate3A = tpu.concatenate %broadcast_in_dim3A_14, %slice3A in 1 : vector<1x1xf32>, vector<1x127xf32> -> vector<1x128xf32>
      %broadcast_in_dim3A_15 = arith.constant -1.000000e+30 : f32
      %broadcast_in_dim3A_16 = vector.broadcast %broadcast_in_dim3A_15 : f32 to vector<1x2xf32>
      %slice3A_17 = vector.extract_strided_slice %scan3A_12 {offsets = [0, 0], sizes = [1, 126], strides = [1, 1]} : vector<1x128xf32> to vector<1x126xf32>
      %concatenate3A_18 = tpu.concatenate %broadcast_in_dim3A_16, %slice3A_17 in 1 : vector<1x2xf32>, vector<1x126xf32> -> vector<1x128xf32>
      %broadcast_in_dim3A_19 = arith.constant -1.000000e+30 : f32
      %broadcast_in_dim3A_20 = vector.broadcast %broadcast_in_dim3A_19 : f32 to vector<1x3xf32>
      %slice3A_21 = vector.extract_strided_slice %scan3A_12 {offsets = [0, 0], sizes = [1, 125], strides = [1, 1]} : vector<1x128xf32> to vector<1x125xf32>
      %concatenate3A_22 = tpu.concatenate %broadcast_in_dim3A_20, %slice3A_21 in 1 : vector<1x3xf32>, vector<1x125xf32> -> vector<1x128xf32>
      %broadcast_in_dim3A_23 = arith.constant -1.000000e+30 : f32
      %broadcast_in_dim3A_24 = vector.broadcast %broadcast_in_dim3A_23 : f32 to vector<1x4xf32>
      %slice3A_25 = vector.extract_strided_slice %scan3A_12 {offsets = [0, 0], sizes = [1, 124], strides = [1, 1]} : vector<1x128xf32> to vector<1x124xf32>
      %concatenate3A_26 = tpu.concatenate %broadcast_in_dim3A_24, %slice3A_25 in 1 : vector<1x4xf32>, vector<1x124xf32> -> vector<1x128xf32>
      %broadcast_in_dim3A_27 = arith.constant -1.000000e+30 : f32
      %broadcast_in_dim3A_28 = vector.broadcast %broadcast_in_dim3A_27 : f32 to vector<1x5xf32>
      %slice3A_29 = vector.extract_strided_slice %scan3A_12 {offsets = [0, 0], sizes = [1, 123], strides = [1, 1]} : vector<1x128xf32> to vector<1x123xf32>
      %concatenate3A_30 = tpu.concatenate %broadcast_in_dim3A_28, %slice3A_29 in 1 : vector<1x5xf32>, vector<1x123xf32> -> vector<1x128xf32>
      %broadcast_in_dim3A_31 = arith.constant -1.000000e+30 : f32
      %broadcast_in_dim3A_32 = vector.broadcast %broadcast_in_dim3A_31 : f32 to vector<1x6xf32>
      %slice3A_33 = vector.extract_strided_slice %scan3A_12 {offsets = [0, 0], sizes = [1, 122], strides = [1, 1]} : vector<1x128xf32> to vector<1x122xf32>
      %concatenate3A_34 = tpu.concatenate %broadcast_in_dim3A_32, %slice3A_33 in 1 : vector<1x6xf32>, vector<1x122xf32> -> vector<1x128xf32>
      %broadcast_in_dim3A_35 = arith.constant -1.000000e+30 : f32
      %broadcast_in_dim3A_36 = vector.broadcast %broadcast_in_dim3A_35 : f32 to vector<1x7xf32>
      %slice3A_37 = vector.extract_strided_slice %scan3A_12 {offsets = [0, 0], sizes = [1, 121], strides = [1, 1]} : vector<1x128xf32> to vector<1x121xf32>
      %concatenate3A_38 = tpu.concatenate %broadcast_in_dim3A_36, %slice3A_37 in 1 : vector<1x7xf32>, vector<1x121xf32> -> vector<1x128xf32>
      %broadcast_in_dim3A_39 = arith.constant -1.000000e+30 : f32
      %broadcast_in_dim3A_40 = vector.broadcast %broadcast_in_dim3A_39 : f32 to vector<1x8xf32>
      %slice3A_41 = vector.extract_strided_slice %scan3A_12 {offsets = [0, 0], sizes = [1, 120], strides = [1, 1]} : vector<1x128xf32> to vector<1x120xf32>
      %concatenate3A_42 = tpu.concatenate %broadcast_in_dim3A_40, %slice3A_41 in 1 : vector<1x8xf32>, vector<1x120xf32> -> vector<1x128xf32>
      %broadcast_in_dim3A_43 = arith.constant -1.000000e+30 : f32
      %broadcast_in_dim3A_44 = vector.broadcast %broadcast_in_dim3A_43 : f32 to vector<1x9xf32>
      %slice3A_45 = vector.extract_strided_slice %scan3A_12 {offsets = [0, 0], sizes = [1, 119], strides = [1, 1]} : vector<1x128xf32> to vector<1x119xf32>
      %concatenate3A_46 = tpu.concatenate %broadcast_in_dim3A_44, %slice3A_45 in 1 : vector<1x9xf32>, vector<1x119xf32> -> vector<1x128xf32>
      %broadcast_in_dim3A_47 = arith.constant -1.000000e+30 : f32
      %broadcast_in_dim3A_48 = vector.broadcast %broadcast_in_dim3A_47 : f32 to vector<1x10xf32>
      %slice3A_49 = vector.extract_strided_slice %scan3A_12 {offsets = [0, 0], sizes = [1, 118], strides = [1, 1]} : vector<1x128xf32> to vector<1x118xf32>
      %concatenate3A_50 = tpu.concatenate %broadcast_in_dim3A_48, %slice3A_49 in 1 : vector<1x10xf32>, vector<1x118xf32> -> vector<1x128xf32>
      %broadcast_in_dim3A_51 = arith.constant -1.000000e+30 : f32
      %broadcast_in_dim3A_52 = vector.broadcast %broadcast_in_dim3A_51 : f32 to vector<1x11xf32>
      %slice3A_53 = vector.extract_strided_slice %scan3A_12 {offsets = [0, 0], sizes = [1, 117], strides = [1, 1]} : vector<1x128xf32> to vector<1x117xf32>
      %concatenate3A_54 = tpu.concatenate %broadcast_in_dim3A_52, %slice3A_53 in 1 : vector<1x11xf32>, vector<1x117xf32> -> vector<1x128xf32>
      %broadcast_in_dim3A_55 = arith.constant -1.000000e+30 : f32
      %broadcast_in_dim3A_56 = vector.broadcast %broadcast_in_dim3A_55 : f32 to vector<1x12xf32>
      %slice3A_57 = vector.extract_strided_slice %scan3A_12 {offsets = [0, 0], sizes = [1, 116], strides = [1, 1]} : vector<1x128xf32> to vector<1x116xf32>
      %concatenate3A_58 = tpu.concatenate %broadcast_in_dim3A_56, %slice3A_57 in 1 : vector<1x12xf32>, vector<1x116xf32> -> vector<1x128xf32>
      %broadcast_in_dim3A_59 = arith.constant -1.000000e+30 : f32
      %broadcast_in_dim3A_60 = vector.broadcast %broadcast_in_dim3A_59 : f32 to vector<1x13xf32>
      %slice3A_61 = vector.extract_strided_slice %scan3A_12 {offsets = [0, 0], sizes = [1, 115], strides = [1, 1]} : vector<1x128xf32> to vector<1x115xf32>
      %concatenate3A_62 = tpu.concatenate %broadcast_in_dim3A_60, %slice3A_61 in 1 : vector<1x13xf32>, vector<1x115xf32> -> vector<1x128xf32>
      %broadcast_in_dim3A_63 = arith.constant -1.000000e+30 : f32
      %broadcast_in_dim3A_64 = vector.broadcast %broadcast_in_dim3A_63 : f32 to vector<1x14xf32>
      %slice3A_65 = vector.extract_strided_slice %scan3A_12 {offsets = [0, 0], sizes = [1, 114], strides = [1, 1]} : vector<1x128xf32> to vector<1x114xf32>
      %concatenate3A_66 = tpu.concatenate %broadcast_in_dim3A_64, %slice3A_65 in 1 : vector<1x14xf32>, vector<1x114xf32> -> vector<1x128xf32>
      %broadcast_in_dim3A_67 = arith.constant -1.000000e+30 : f32
      %broadcast_in_dim3A_68 = vector.broadcast %broadcast_in_dim3A_67 : f32 to vector<1x15xf32>
      %slice3A_69 = vector.extract_strided_slice %scan3A_12 {offsets = [0, 0], sizes = [1, 113], strides = [1, 1]} : vector<1x128xf32> to vector<1x113xf32>
      %concatenate3A_70 = tpu.concatenate %broadcast_in_dim3A_68, %slice3A_69 in 1 : vector<1x15xf32>, vector<1x113xf32> -> vector<1x128xf32>
      %broadcast_in_dim3A_71 = arith.constant -1.000000e+30 : f32
      %broadcast_in_dim3A_72 = vector.broadcast %broadcast_in_dim3A_71 : f32 to vector<1x16xf32>
      %slice3A_73 = vector.extract_strided_slice %scan3A_12 {offsets = [0, 0], sizes = [1, 112], strides = [1, 1]} : vector<1x128xf32> to vector<1x112xf32>
      %concatenate3A_74 = tpu.concatenate %broadcast_in_dim3A_72, %slice3A_73 in 1 : vector<1x16xf32>, vector<1x112xf32> -> vector<1x128xf32>
      %mul3A = arith.constant 16 : i32
      %mul3A_75 = arith.muli %scan3A_11, %mul3A : i32
      %add3A = arith.constant 0 : i32
      %add3A_76 = arith.addi %mul3A_75, %add3A : i32
      %get3A = arith.index_cast %add3A_76 : i32 to index
      %get3A_77 = memref.load %arg0[%get3A] : memref<4096xf32, #tpu.memory_space<smem>>
      %add3A_78 = vector.broadcast %get3A_77 : f32 to vector<1x128xf32>
      %add3A_79 = arith.addf %concatenate3A, %add3A_78 : vector<1x128xf32>
      %max3A = arith.maximumf %add3A_79, %scan3A_12 : vector<1x128xf32>
      %sub3A = arith.subf %add3A_79, %scan3A_12 : vector<1x128xf32>
      %abs3A = math.absf %sub3A : vector<1x128xf32>
      %neg3A = arith.constant 0.000000e+00 : f32
      %neg3A_80 = vector.broadcast %neg3A : f32 to vector<1x128xf32>
      %neg3A_81 = arith.subf %neg3A_80, %abs3A : vector<1x128xf32>
      %exp3A = math.exp %neg3A_81 : vector<1x128xf32>
      %log1p3A = math.log1p %exp3A : vector<1x128xf32>
      %add3A_82 = arith.addf %max3A, %log1p3A : vector<1x128xf32>
      %add3A_83 = vector.broadcast %get3A_77 : f32 to vector<1x128xf32>
      %add3A_84 = arith.addf %concatenate3A_18, %add3A_83 : vector<1x128xf32>
      %max3A_85 = arith.maximumf %add3A_84, %concatenate3A : vector<1x128xf32>
      %sub3A_86 = arith.subf %add3A_84, %concatenate3A : vector<1x128xf32>
      %abs3A_87 = math.absf %sub3A_86 : vector<1x128xf32>
      %neg3A_88 = arith.constant 0.000000e+00 : f32
      %neg3A_89 = vector.broadcast %neg3A_88 : f32 to vector<1x128xf32>
      %neg3A_90 = arith.subf %neg3A_89, %abs3A_87 : vector<1x128xf32>
      %exp3A_91 = math.exp %neg3A_90 : vector<1x128xf32>
      %log1p3A_92 = math.log1p %exp3A_91 : vector<1x128xf32>
      %add3A_93 = arith.addf %max3A_85, %log1p3A_92 : vector<1x128xf32>
      %add3A_94 = vector.broadcast %get3A_77 : f32 to vector<1x128xf32>
      %add3A_95 = arith.addf %concatenate3A_22, %add3A_94 : vector<1x128xf32>
      %max3A_96 = arith.maximumf %add3A_95, %concatenate3A_18 : vector<1x128xf32>
      %sub3A_97 = arith.subf %add3A_95, %concatenate3A_18 : vector<1x128xf32>
      %abs3A_98 = math.absf %sub3A_97 : vector<1x128xf32>
      %neg3A_99 = arith.constant 0.000000e+00 : f32
      %neg3A_100 = vector.broadcast %neg3A_99 : f32 to vector<1x128xf32>
      %neg3A_101 = arith.subf %neg3A_100, %abs3A_98 : vector<1x128xf32>
      %exp3A_102 = math.exp %neg3A_101 : vector<1x128xf32>
      %log1p3A_103 = math.log1p %exp3A_102 : vector<1x128xf32>
      %add3A_104 = arith.addf %max3A_96, %log1p3A_103 : vector<1x128xf32>
      %add3A_105 = vector.broadcast %get3A_77 : f32 to vector<1x128xf32>
      %add3A_106 = arith.addf %concatenate3A_26, %add3A_105 : vector<1x128xf32>
      %max3A_107 = arith.maximumf %add3A_106, %concatenate3A_22 : vector<1x128xf32>
      %sub3A_108 = arith.subf %add3A_106, %concatenate3A_22 : vector<1x128xf32>
      %abs3A_109 = math.absf %sub3A_108 : vector<1x128xf32>
      %neg3A_110 = arith.constant 0.000000e+00 : f32
      %neg3A_111 = vector.broadcast %neg3A_110 : f32 to vector<1x128xf32>
      %neg3A_112 = arith.subf %neg3A_111, %abs3A_109 : vector<1x128xf32>
      %exp3A_113 = math.exp %neg3A_112 : vector<1x128xf32>
      %log1p3A_114 = math.log1p %exp3A_113 : vector<1x128xf32>
      %add3A_115 = arith.addf %max3A_107, %log1p3A_114 : vector<1x128xf32>
      %add3A_116 = vector.broadcast %get3A_77 : f32 to vector<1x128xf32>
      %add3A_117 = arith.addf %concatenate3A_30, %add3A_116 : vector<1x128xf32>
      %max3A_118 = arith.maximumf %add3A_117, %concatenate3A_26 : vector<1x128xf32>
      %sub3A_119 = arith.subf %add3A_117, %concatenate3A_26 : vector<1x128xf32>
      %abs3A_120 = math.absf %sub3A_119 : vector<1x128xf32>
      %neg3A_121 = arith.constant 0.000000e+00 : f32
      %neg3A_122 = vector.broadcast %neg3A_121 : f32 to vector<1x128xf32>
      %neg3A_123 = arith.subf %neg3A_122, %abs3A_120 : vector<1x128xf32>
      %exp3A_124 = math.exp %neg3A_123 : vector<1x128xf32>
      %log1p3A_125 = math.log1p %exp3A_124 : vector<1x128xf32>
      %add3A_126 = arith.addf %max3A_118, %log1p3A_125 : vector<1x128xf32>
      %add3A_127 = vector.broadcast %get3A_77 : f32 to vector<1x128xf32>
      %add3A_128 = arith.addf %concatenate3A_34, %add3A_127 : vector<1x128xf32>
      %max3A_129 = arith.maximumf %add3A_128, %concatenate3A_30 : vector<1x128xf32>
      %sub3A_130 = arith.subf %add3A_128, %concatenate3A_30 : vector<1x128xf32>
      %abs3A_131 = math.absf %sub3A_130 : vector<1x128xf32>
      %neg3A_132 = arith.constant 0.000000e+00 : f32
      %neg3A_133 = vector.broadcast %neg3A_132 : f32 to vector<1x128xf32>
      %neg3A_134 = arith.subf %neg3A_133, %abs3A_131 : vector<1x128xf32>
      %exp3A_135 = math.exp %neg3A_134 : vector<1x128xf32>
      %log1p3A_136 = math.log1p %exp3A_135 : vector<1x128xf32>
      %add3A_137 = arith.addf %max3A_129, %log1p3A_136 : vector<1x128xf32>
      %add3A_138 = vector.broadcast %get3A_77 : f32 to vector<1x128xf32>
      %add3A_139 = arith.addf %concatenate3A_38, %add3A_138 : vector<1x128xf32>
      %max3A_140 = arith.maximumf %add3A_139, %concatenate3A_34 : vector<1x128xf32>
      %sub3A_141 = arith.subf %add3A_139, %concatenate3A_34 : vector<1x128xf32>
      %abs3A_142 = math.absf %sub3A_141 : vector<1x128xf32>
      %neg3A_143 = arith.constant 0.000000e+00 : f32
      %neg3A_144 = vector.broadcast %neg3A_143 : f32 to vector<1x128xf32>
      %neg3A_145 = arith.subf %neg3A_144, %abs3A_142 : vector<1x128xf32>
      %exp3A_146 = math.exp %neg3A_145 : vector<1x128xf32>
      %log1p3A_147 = math.log1p %exp3A_146 : vector<1x128xf32>
      %add3A_148 = arith.addf %max3A_140, %log1p3A_147 : vector<1x128xf32>
      %add3A_149 = vector.broadcast %get3A_77 : f32 to vector<1x128xf32>
      %add3A_150 = arith.addf %concatenate3A_42, %add3A_149 : vector<1x128xf32>
      %max3A_151 = arith.maximumf %add3A_150, %concatenate3A_38 : vector<1x128xf32>
      %sub3A_152 = arith.subf %add3A_150, %concatenate3A_38 : vector<1x128xf32>
      %abs3A_153 = math.absf %sub3A_152 : vector<1x128xf32>
      %neg3A_154 = arith.constant 0.000000e+00 : f32
      %neg3A_155 = vector.broadcast %neg3A_154 : f32 to vector<1x128xf32>
      %neg3A_156 = arith.subf %neg3A_155, %abs3A_153 : vector<1x128xf32>
      %exp3A_157 = math.exp %neg3A_156 : vector<1x128xf32>
      %log1p3A_158 = math.log1p %exp3A_157 : vector<1x128xf32>
      %add3A_159 = arith.addf %max3A_151, %log1p3A_158 : vector<1x128xf32>
      %add3A_160 = vector.broadcast %get3A_77 : f32 to vector<1x128xf32>
      %add3A_161 = arith.addf %concatenate3A_46, %add3A_160 : vector<1x128xf32>
      %max3A_162 = arith.maximumf %add3A_161, %concatenate3A_42 : vector<1x128xf32>
      %sub3A_163 = arith.subf %add3A_161, %concatenate3A_42 : vector<1x128xf32>
      %abs3A_164 = math.absf %sub3A_163 : vector<1x128xf32>
      %neg3A_165 = arith.constant 0.000000e+00 : f32
      %neg3A_166 = vector.broadcast %neg3A_165 : f32 to vector<1x128xf32>
      %neg3A_167 = arith.subf %neg3A_166, %abs3A_164 : vector<1x128xf32>
      %exp3A_168 = math.exp %neg3A_167 : vector<1x128xf32>
      %log1p3A_169 = math.log1p %exp3A_168 : vector<1x128xf32>
      %add3A_170 = arith.addf %max3A_162, %log1p3A_169 : vector<1x128xf32>
      %add3A_171 = vector.broadcast %get3A_77 : f32 to vector<1x128xf32>
      %add3A_172 = arith.addf %concatenate3A_50, %add3A_171 : vector<1x128xf32>
      %max3A_173 = arith.maximumf %add3A_172, %concatenate3A_46 : vector<1x128xf32>
      %sub3A_174 = arith.subf %add3A_172, %concatenate3A_46 : vector<1x128xf32>
      %abs3A_175 = math.absf %sub3A_174 : vector<1x128xf32>
      %neg3A_176 = arith.constant 0.000000e+00 : f32
      %neg3A_177 = vector.broadcast %neg3A_176 : f32 to vector<1x128xf32>
      %neg3A_178 = arith.subf %neg3A_177, %abs3A_175 : vector<1x128xf32>
      %exp3A_179 = math.exp %neg3A_178 : vector<1x128xf32>
      %log1p3A_180 = math.log1p %exp3A_179 : vector<1x128xf32>
      %add3A_181 = arith.addf %max3A_173, %log1p3A_180 : vector<1x128xf32>
      %add3A_182 = vector.broadcast %get3A_77 : f32 to vector<1x128xf32>
      %add3A_183 = arith.addf %concatenate3A_54, %add3A_182 : vector<1x128xf32>
      %max3A_184 = arith.maximumf %add3A_183, %concatenate3A_50 : vector<1x128xf32>
      %sub3A_185 = arith.subf %add3A_183, %concatenate3A_50 : vector<1x128xf32>
      %abs3A_186 = math.absf %sub3A_185 : vector<1x128xf32>
      %neg3A_187 = arith.constant 0.000000e+00 : f32
      %neg3A_188 = vector.broadcast %neg3A_187 : f32 to vector<1x128xf32>
      %neg3A_189 = arith.subf %neg3A_188, %abs3A_186 : vector<1x128xf32>
      %exp3A_190 = math.exp %neg3A_189 : vector<1x128xf32>
      %log1p3A_191 = math.log1p %exp3A_190 : vector<1x128xf32>
      %add3A_192 = arith.addf %max3A_184, %log1p3A_191 : vector<1x128xf32>
      %add3A_193 = vector.broadcast %get3A_77 : f32 to vector<1x128xf32>
      %add3A_194 = arith.addf %concatenate3A_58, %add3A_193 : vector<1x128xf32>
      %max3A_195 = arith.maximumf %add3A_194, %concatenate3A_54 : vector<1x128xf32>
      %sub3A_196 = arith.subf %add3A_194, %concatenate3A_54 : vector<1x128xf32>
      %abs3A_197 = math.absf %sub3A_196 : vector<1x128xf32>
      %neg3A_198 = arith.constant 0.000000e+00 : f32
      %neg3A_199 = vector.broadcast %neg3A_198 : f32 to vector<1x128xf32>
      %neg3A_200 = arith.subf %neg3A_199, %abs3A_197 : vector<1x128xf32>
      %exp3A_201 = math.exp %neg3A_200 : vector<1x128xf32>
      %log1p3A_202 = math.log1p %exp3A_201 : vector<1x128xf32>
      %add3A_203 = arith.addf %max3A_195, %log1p3A_202 : vector<1x128xf32>
      %add3A_204 = vector.broadcast %get3A_77 : f32 to vector<1x128xf32>
      %add3A_205 = arith.addf %concatenate3A_62, %add3A_204 : vector<1x128xf32>
      %max3A_206 = arith.maximumf %add3A_205, %concatenate3A_58 : vector<1x128xf32>
      %sub3A_207 = arith.subf %add3A_205, %concatenate3A_58 : vector<1x128xf32>
      %abs3A_208 = math.absf %sub3A_207 : vector<1x128xf32>
      %neg3A_209 = arith.constant 0.000000e+00 : f32
      %neg3A_210 = vector.broadcast %neg3A_209 : f32 to vector<1x128xf32>
      %neg3A_211 = arith.subf %neg3A_210, %abs3A_208 : vector<1x128xf32>
      %exp3A_212 = math.exp %neg3A_211 : vector<1x128xf32>
      %log1p3A_213 = math.log1p %exp3A_212 : vector<1x128xf32>
      %add3A_214 = arith.addf %max3A_206, %log1p3A_213 : vector<1x128xf32>
      %add3A_215 = vector.broadcast %get3A_77 : f32 to vector<1x128xf32>
      %add3A_216 = arith.addf %concatenate3A_66, %add3A_215 : vector<1x128xf32>
      %max3A_217 = arith.maximumf %add3A_216, %concatenate3A_62 : vector<1x128xf32>
      %sub3A_218 = arith.subf %add3A_216, %concatenate3A_62 : vector<1x128xf32>
      %abs3A_219 = math.absf %sub3A_218 : vector<1x128xf32>
      %neg3A_220 = arith.constant 0.000000e+00 : f32
      %neg3A_221 = vector.broadcast %neg3A_220 : f32 to vector<1x128xf32>
      %neg3A_222 = arith.subf %neg3A_221, %abs3A_219 : vector<1x128xf32>
      %exp3A_223 = math.exp %neg3A_222 : vector<1x128xf32>
      %log1p3A_224 = math.log1p %exp3A_223 : vector<1x128xf32>
      %add3A_225 = arith.addf %max3A_217, %log1p3A_224 : vector<1x128xf32>
      %add3A_226 = vector.broadcast %get3A_77 : f32 to vector<1x128xf32>
      %add3A_227 = arith.addf %concatenate3A_70, %add3A_226 : vector<1x128xf32>
      %max3A_228 = arith.maximumf %add3A_227, %concatenate3A_66 : vector<1x128xf32>
      %sub3A_229 = arith.subf %add3A_227, %concatenate3A_66 : vector<1x128xf32>
      %abs3A_230 = math.absf %sub3A_229 : vector<1x128xf32>
      %neg3A_231 = arith.constant 0.000000e+00 : f32
      %neg3A_232 = vector.broadcast %neg3A_231 : f32 to vector<1x128xf32>
      %neg3A_233 = arith.subf %neg3A_232, %abs3A_230 : vector<1x128xf32>
      %exp3A_234 = math.exp %neg3A_233 : vector<1x128xf32>
      %log1p3A_235 = math.log1p %exp3A_234 : vector<1x128xf32>
      %add3A_236 = arith.addf %max3A_228, %log1p3A_235 : vector<1x128xf32>
      %add3A_237 = vector.broadcast %get3A_77 : f32 to vector<1x128xf32>
      %add3A_238 = arith.addf %concatenate3A_74, %add3A_237 : vector<1x128xf32>
      %max3A_239 = arith.maximumf %add3A_238, %concatenate3A_70 : vector<1x128xf32>
      %sub3A_240 = arith.subf %add3A_238, %concatenate3A_70 : vector<1x128xf32>
      %abs3A_241 = math.absf %sub3A_240 : vector<1x128xf32>
      %neg3A_242 = arith.constant 0.000000e+00 : f32
      %neg3A_243 = vector.broadcast %neg3A_242 : f32 to vector<1x128xf32>
      %neg3A_244 = arith.subf %neg3A_243, %abs3A_241 : vector<1x128xf32>
      %exp3A_245 = math.exp %neg3A_244 : vector<1x128xf32>
      %log1p3A_246 = math.log1p %exp3A_245 : vector<1x128xf32>
      %add3A_247 = arith.addf %max3A_239, %log1p3A_246 : vector<1x128xf32>
      %sub3A_248 = arith.subf %add3A_79, %add3A_82 : vector<1x128xf32>
      %min3A = arith.constant 3.000000e+01 : f32
      %min3A_249 = vector.broadcast %min3A : f32 to vector<1x128xf32>
      %min3A_250 = arith.minimumf %sub3A_248, %min3A_249 : vector<1x128xf32>
      %exp3A_251 = math.exp %min3A_250 : vector<1x128xf32>
      %add3A_252 = arith.constant 1 : i32
      %add3A_253 = arith.addi %add3A_76, %add3A_252 : i32
      %ge3A = vector.broadcast %add3A_253 : i32 to vector<1x128xi32>
      %ge3A_254 = arith.cmpi sge, %iota3A, %ge3A : vector<1x128xi32>
      %jit3A_255 = arith.constant 1.000000e+00 : f32
      %broadcast_in_dim3A_256 = vector.broadcast %jit3A_255 : f32 to vector<1x128xf32>
      %select_n3A_257 = arith.select %ge3A_254, %broadcast_in_dim3A_256, %exp3A_251 : vector<1x128xi1>, vector<1x128xf32>
      %eq3A_258 = arith.constant 0 : i32
      %eq3A_259 = vector.broadcast %eq3A_258 : i32 to vector<1x128xi32>
      %eq3A_260 = arith.cmpi eq, %iota3A, %eq3A_259 : vector<1x128xi32>
      %jit3A_261 = arith.constant 0.000000e+00 : f32
      %broadcast_in_dim3A_262 = vector.broadcast %jit3A_261 : f32 to vector<1x128xf32>
      %select_n3A_263 = arith.select %eq3A_260, %broadcast_in_dim3A_262, %select_n3A_257 : vector<1x128xi1>, vector<1x128xf32>
      %eq3A_264 = arith.constant 33 : i32
      %eq3A_265 = vector.broadcast %eq3A_264 : i32 to vector<1x128xi32>
      %eq3A_266 = arith.cmpi eq, %iota3A, %eq3A_265 : vector<1x128xi32>
      %broadcast_in_dim3A_267 = vector.broadcast %get3A_77 : f32 to vector<1x128xf32>
      %select_n3A_268 = arith.select %eq3A_266, %broadcast_in_dim3A_267, %select_n3A_263 : vector<1x128xi1>, vector<1x128xf32>
      %swap3A_269 = arith.constant 15 : index
      %swap3A_270 = arith.constant 0 : index
      %swap3A_271 = vector.load %arg3[%swap3A_269, %swap3A_270] : memref<16x128xf32, #tpu.memory_space<vmem>>, vector<1x128xf32>
      tpu.vector_store %arg3[%swap3A_269, %swap3A_270], %select_n3A_268 {strides = array<i32>} : memref<16x128xf32, #tpu.memory_space<vmem>>, vector<1x128xf32>,
      %mul3A_272 = arith.constant 16 : i32
      %mul3A_273 = arith.muli %scan3A_11, %mul3A_272 : i32
      %add3A_274 = arith.constant 1 : i32
      %add3A_275 = arith.addi %mul3A_273, %add3A_274 : i32
      %get3A_276 = arith.index_cast %add3A_275 : i32 to index
      %get3A_277 = memref.load %arg0[%get3A_276] : memref<4096xf32, #tpu.memory_space<smem>>
      %add3A_278 = vector.broadcast %get3A_277 : f32 to vector<1x128xf32>
      %add3A_279 = arith.addf %add3A_93, %add3A_278 : vector<1x128xf32>
      %max3A_280 = arith.maximumf %add3A_279, %add3A_82 : vector<1x128xf32>
      %sub3A_281 = arith.subf %add3A_279, %add3A_82 : vector<1x128xf32>
      %abs3A_282 = math.absf %sub3A_281 : vector<1x128xf32>
      %neg3A_283 = arith.constant 0.000000e+00 : f32
      %neg3A_284 = vector.broadcast %neg3A_283 : f32 to vector<1x128xf32>
      %neg3A_285 = arith.subf %neg3A_284, %abs3A_282 : vector<1x128xf32>
      %exp3A_286 = math.exp %neg3A_285 : vector<1x128xf32>
      %log1p3A_287 = math.log1p %exp3A_286 : vector<1x128xf32>
      %add3A_288 = arith.addf %max3A_280, %log1p3A_287 : vector<1x128xf32>
      %add3A_289 = vector.broadcast %get3A_277 : f32 to vector<1x128xf32>
      %add3A_290 = arith.addf %add3A_104, %add3A_289 : vector<1x128xf32>
      %max3A_291 = arith.maximumf %add3A_290, %add3A_93 : vector<1x128xf32>
      %sub3A_292 = arith.subf %add3A_290, %add3A_93 : vector<1x128xf32>
      %abs3A_293 = math.absf %sub3A_292 : vector<1x128xf32>
      %neg3A_294 = arith.constant 0.000000e+00 : f32
      %neg3A_295 = vector.broadcast %neg3A_294 : f32 to vector<1x128xf32>
      %neg3A_296 = arith.subf %neg3A_295, %abs3A_293 : vector<1x128xf32>
      %exp3A_297 = math.exp %neg3A_296 : vector<1x128xf32>
      %log1p3A_298 = math.log1p %exp3A_297 : vector<1x128xf32>
      %add3A_299 = arith.addf %max3A_291, %log1p3A_298 : vector<1x128xf32>
      %add3A_300 = vector.broadcast %get3A_277 : f32 to vector<1x128xf32>
      %add3A_301 = arith.addf %add3A_115, %add3A_300 : vector<1x128xf32>
      %max3A_302 = arith.maximumf %add3A_301, %add3A_104 : vector<1x128xf32>
      %sub3A_303 = arith.subf %add3A_301, %add3A_104 : vector<1x128xf32>
      %abs3A_304 = math.absf %sub3A_303 : vector<1x128xf32>
      %neg3A_305 = arith.constant 0.000000e+00 : f32
      %neg3A_306 = vector.broadcast %neg3A_305 : f32 to vector<1x128xf32>
      %neg3A_307 = arith.subf %neg3A_306, %abs3A_304 : vector<1x128xf32>
      %exp3A_308 = math.exp %neg3A_307 : vector<1x128xf32>
      %log1p3A_309 = math.log1p %exp3A_308 : vector<1x128xf32>
      %add3A_310 = arith.addf %max3A_302, %log1p3A_309 : vector<1x128xf32>
      %add3A_311 = vector.broadcast %get3A_277 : f32 to vector<1x128xf32>
      %add3A_312 = arith.addf %add3A_126, %add3A_311 : vector<1x128xf32>
      %max3A_313 = arith.maximumf %add3A_312, %add3A_115 : vector<1x128xf32>
      %sub3A_314 = arith.subf %add3A_312, %add3A_115 : vector<1x128xf32>
      %abs3A_315 = math.absf %sub3A_314 : vector<1x128xf32>
      %neg3A_316 = arith.constant 0.000000e+00 : f32
      %neg3A_317 = vector.broadcast %neg3A_316 : f32 to vector<1x128xf32>
      %neg3A_318 = arith.subf %neg3A_317, %abs3A_315 : vector<1x128xf32>
      %exp3A_319 = math.exp %neg3A_318 : vector<1x128xf32>
      %log1p3A_320 = math.log1p %exp3A_319 : vector<1x128xf32>
      %add3A_321 = arith.addf %max3A_313, %log1p3A_320 : vector<1x128xf32>
      %add3A_322 = vector.broadcast %get3A_277 : f32 to vector<1x128xf32>
      %add3A_323 = arith.addf %add3A_137, %add3A_322 : vector<1x128xf32>
      %max3A_324 = arith.maximumf %add3A_323, %add3A_126 : vector<1x128xf32>
      %sub3A_325 = arith.subf %add3A_323, %add3A_126 : vector<1x128xf32>
      %abs3A_326 = math.absf %sub3A_325 : vector<1x128xf32>
      %neg3A_327 = arith.constant 0.000000e+00 : f32
      %neg3A_328 = vector.broadcast %neg3A_327 : f32 to vector<1x128xf32>
      %neg3A_329 = arith.subf %neg3A_328, %abs3A_326 : vector<1x128xf32>
      %exp3A_330 = math.exp %neg3A_329 : vector<1x128xf32>
      %log1p3A_331 = math.log1p %exp3A_330 : vector<1x128xf32>
      %add3A_332 = arith.addf %max3A_324, %log1p3A_331 : vector<1x128xf32>
      %add3A_333 = vector.broadcast %get3A_277 : f32 to vector<1x128xf32>
      %add3A_334 = arith.addf %add3A_148, %add3A_333 : vector<1x128xf32>
      %max3A_335 = arith.maximumf %add3A_334, %add3A_137 : vector<1x128xf32>
      %sub3A_336 = arith.subf %add3A_334, %add3A_137 : vector<1x128xf32>
      %abs3A_337 = math.absf %sub3A_336 : vector<1x128xf32>
      %neg3A_338 = arith.constant 0.000000e+00 : f32
      %neg3A_339 = vector.broadcast %neg3A_338 : f32 to vector<1x128xf32>
      %neg3A_340 = arith.subf %neg3A_339, %abs3A_337 : vector<1x128xf32>
      %exp3A_341 = math.exp %neg3A_340 : vector<1x128xf32>
      %log1p3A_342 = math.log1p %exp3A_341 : vector<1x128xf32>
      %add3A_343 = arith.addf %max3A_335, %log1p3A_342 : vector<1x128xf32>
      %add3A_344 = vector.broadcast %get3A_277 : f32 to vector<1x128xf32>
      %add3A_345 = arith.addf %add3A_159, %add3A_344 : vector<1x128xf32>
      %max3A_346 = arith.maximumf %add3A_345, %add3A_148 : vector<1x128xf32>
      %sub3A_347 = arith.subf %add3A_345, %add3A_148 : vector<1x128xf32>
      %abs3A_348 = math.absf %sub3A_347 : vector<1x128xf32>
      %neg3A_349 = arith.constant 0.000000e+00 : f32
      %neg3A_350 = vector.broadcast %neg3A_349 : f32 to vector<1x128xf32>
      %neg3A_351 = arith.subf %neg3A_350, %abs3A_348 : vector<1x128xf32>
      %exp3A_352 = math.exp %neg3A_351 : vector<1x128xf32>
      %log1p3A_353 = math.log1p %exp3A_352 : vector<1x128xf32>
      %add3A_354 = arith.addf %max3A_346, %log1p3A_353 : vector<1x128xf32>
      %add3A_355 = vector.broadcast %get3A_277 : f32 to vector<1x128xf32>
      %add3A_356 = arith.addf %add3A_170, %add3A_355 : vector<1x128xf32>
      %max3A_357 = arith.maximumf %add3A_356, %add3A_159 : vector<1x128xf32>
      %sub3A_358 = arith.subf %add3A_356, %add3A_159 : vector<1x128xf32>
      %abs3A_359 = math.absf %sub3A_358 : vector<1x128xf32>
      %neg3A_360 = arith.constant 0.000000e+00 : f32
      %neg3A_361 = vector.broadcast %neg3A_360 : f32 to vector<1x128xf32>
      %neg3A_362 = arith.subf %neg3A_361, %abs3A_359 : vector<1x128xf32>
      %exp3A_363 = math.exp %neg3A_362 : vector<1x128xf32>
      %log1p3A_364 = math.log1p %exp3A_363 : vector<1x128xf32>
      %add3A_365 = arith.addf %max3A_357, %log1p3A_364 : vector<1x128xf32>
      %add3A_366 = vector.broadcast %get3A_277 : f32 to vector<1x128xf32>
      %add3A_367 = arith.addf %add3A_181, %add3A_366 : vector<1x128xf32>
      %max3A_368 = arith.maximumf %add3A_367, %add3A_170 : vector<1x128xf32>
      %sub3A_369 = arith.subf %add3A_367, %add3A_170 : vector<1x128xf32>
      %abs3A_370 = math.absf %sub3A_369 : vector<1x128xf32>
      %neg3A_371 = arith.constant 0.000000e+00 : f32
      %neg3A_372 = vector.broadcast %neg3A_371 : f32 to vector<1x128xf32>
      %neg3A_373 = arith.subf %neg3A_372, %abs3A_370 : vector<1x128xf32>
      %exp3A_374 = math.exp %neg3A_373 : vector<1x128xf32>
      %log1p3A_375 = math.log1p %exp3A_374 : vector<1x128xf32>
      %add3A_376 = arith.addf %max3A_368, %log1p3A_375 : vector<1x128xf32>
      %add3A_377 = vector.broadcast %get3A_277 : f32 to vector<1x128xf32>
      %add3A_378 = arith.addf %add3A_192, %add3A_377 : vector<1x128xf32>
      %max3A_379 = arith.maximumf %add3A_378, %add3A_181 : vector<1x128xf32>
      %sub3A_380 = arith.subf %add3A_378, %add3A_181 : vector<1x128xf32>
      %abs3A_381 = math.absf %sub3A_380 : vector<1x128xf32>
      %neg3A_382 = arith.constant 0.000000e+00 : f32
      %neg3A_383 = vector.broadcast %neg3A_382 : f32 to vector<1x128xf32>
      %neg3A_384 = arith.subf %neg3A_383, %abs3A_381 : vector<1x128xf32>
      %exp3A_385 = math.exp %neg3A_384 : vector<1x128xf32>
      %log1p3A_386 = math.log1p %exp3A_385 : vector<1x128xf32>
      %add3A_387 = arith.addf %max3A_379, %log1p3A_386 : vector<1x128xf32>
      %add3A_388 = vector.broadcast %get3A_277 : f32 to vector<1x128xf32>
      %add3A_389 = arith.addf %add3A_203, %add3A_388 : vector<1x128xf32>
      %max3A_390 = arith.maximumf %add3A_389, %add3A_192 : vector<1x128xf32>
      %sub3A_391 = arith.subf %add3A_389, %add3A_192 : vector<1x128xf32>
      %abs3A_392 = math.absf %sub3A_391 : vector<1x128xf32>
      %neg3A_393 = arith.constant 0.000000e+00 : f32
      %neg3A_394 = vector.broadcast %neg3A_393 : f32 to vector<1x128xf32>
      %neg3A_395 = arith.subf %neg3A_394, %abs3A_392 : vector<1x128xf32>
      %exp3A_396 = math.exp %neg3A_395 : vector<1x128xf32>
      %log1p3A_397 = math.log1p %exp3A_396 : vector<1x128xf32>
      %add3A_398 = arith.addf %max3A_390, %log1p3A_397 : vector<1x128xf32>
      %add3A_399 = vector.broadcast %get3A_277 : f32 to vector<1x128xf32>
      %add3A_400 = arith.addf %add3A_214, %add3A_399 : vector<1x128xf32>
      %max3A_401 = arith.maximumf %add3A_400, %add3A_203 : vector<1x128xf32>
      %sub3A_402 = arith.subf %add3A_400, %add3A_203 : vector<1x128xf32>
      %abs3A_403 = math.absf %sub3A_402 : vector<1x128xf32>
      %neg3A_404 = arith.constant 0.000000e+00 : f32
      %neg3A_405 = vector.broadcast %neg3A_404 : f32 to vector<1x128xf32>
      %neg3A_406 = arith.subf %neg3A_405, %abs3A_403 : vector<1x128xf32>
      %exp3A_407 = math.exp %neg3A_406 : vector<1x128xf32>
      %log1p3A_408 = math.log1p %exp3A_407 : vector<1x128xf32>
      %add3A_409 = arith.addf %max3A_401, %log1p3A_408 : vector<1x128xf32>
      %add3A_410 = vector.broadcast %get3A_277 : f32 to vector<1x128xf32>
      %add3A_411 = arith.addf %add3A_225, %add3A_410 : vector<1x128xf32>
      %max3A_412 = arith.maximumf %add3A_411, %add3A_214 : vector<1x128xf32>
      %sub3A_413 = arith.subf %add3A_411, %add3A_214 : vector<1x128xf32>
      %abs3A_414 = math.absf %sub3A_413 : vector<1x128xf32>
      %neg3A_415 = arith.constant 0.000000e+00 : f32
      %neg3A_416 = vector.broadcast %neg3A_415 : f32 to vector<1x128xf32>
      %neg3A_417 = arith.subf %neg3A_416, %abs3A_414 : vector<1x128xf32>
      %exp3A_418 = math.exp %neg3A_417 : vector<1x128xf32>
      %log1p3A_419 = math.log1p %exp3A_418 : vector<1x128xf32>
      %add3A_420 = arith.addf %max3A_412, %log1p3A_419 : vector<1x128xf32>
      %add3A_421 = vector.broadcast %get3A_277 : f32 to vector<1x128xf32>
      %add3A_422 = arith.addf %add3A_236, %add3A_421 : vector<1x128xf32>
      %max3A_423 = arith.maximumf %add3A_422, %add3A_225 : vector<1x128xf32>
      %sub3A_424 = arith.subf %add3A_422, %add3A_225 : vector<1x128xf32>
      %abs3A_425 = math.absf %sub3A_424 : vector<1x128xf32>
      %neg3A_426 = arith.constant 0.000000e+00 : f32
      %neg3A_427 = vector.broadcast %neg3A_426 : f32 to vector<1x128xf32>
      %neg3A_428 = arith.subf %neg3A_427, %abs3A_425 : vector<1x128xf32>
      %exp3A_429 = math.exp %neg3A_428 : vector<1x128xf32>
      %log1p3A_430 = math.log1p %exp3A_429 : vector<1x128xf32>
      %add3A_431 = arith.addf %max3A_423, %log1p3A_430 : vector<1x128xf32>
      %add3A_432 = vector.broadcast %get3A_277 : f32 to vector<1x128xf32>
      %add3A_433 = arith.addf %add3A_247, %add3A_432 : vector<1x128xf32>
      %max3A_434 = arith.maximumf %add3A_433, %add3A_236 : vector<1x128xf32>
      %sub3A_435 = arith.subf %add3A_433, %add3A_236 : vector<1x128xf32>
      %abs3A_436 = math.absf %sub3A_435 : vector<1x128xf32>
      %neg3A_437 = arith.constant 0.000000e+00 : f32
      %neg3A_438 = vector.broadcast %neg3A_437 : f32 to vector<1x128xf32>
      %neg3A_439 = arith.subf %neg3A_438, %abs3A_436 : vector<1x128xf32>
      %exp3A_440 = math.exp %neg3A_439 : vector<1x128xf32>
      %log1p3A_441 = math.log1p %exp3A_440 : vector<1x128xf32>
      %add3A_442 = arith.addf %max3A_434, %log1p3A_441 : vector<1x128xf32>
      %sub3A_443 = arith.subf %add3A_279, %add3A_288 : vector<1x128xf32>
      %min3A_444 = arith.constant 3.000000e+01 : f32
      %min3A_445 = vector.broadcast %min3A_444 : f32 to vector<1x128xf32>
      %min3A_446 = arith.minimumf %sub3A_443, %min3A_445 : vector<1x128xf32>
      %exp3A_447 = math.exp %min3A_446 : vector<1x128xf32>
      %add3A_448 = arith.constant 1 : i32
      %add3A_449 = arith.addi %add3A_275, %add3A_448 : i32
      %ge3A_450 = vector.broadcast %add3A_449 : i32 to vector<1x128xi32>
      %ge3A_451 = arith.cmpi sge, %iota3A, %ge3A_450 : vector<1x128xi32>
      %jit3A_452 = arith.constant 1.000000e+00 : f32
      %broadcast_in_dim3A_453 = vector.broadcast %jit3A_452 : f32 to vector<1x128xf32>
      %select_n3A_454 = arith.select %ge3A_451, %broadcast_in_dim3A_453, %exp3A_447 : vector<1x128xi1>, vector<1x128xf32>
      %eq3A_455 = arith.constant 0 : i32
      %eq3A_456 = vector.broadcast %eq3A_455 : i32 to vector<1x128xi32>
      %eq3A_457 = arith.cmpi eq, %iota3A, %eq3A_456 : vector<1x128xi32>
      %jit3A_458 = arith.constant 0.000000e+00 : f32
      %broadcast_in_dim3A_459 = vector.broadcast %jit3A_458 : f32 to vector<1x128xf32>
      %select_n3A_460 = arith.select %eq3A_457, %broadcast_in_dim3A_459, %select_n3A_454 : vector<1x128xi1>, vector<1x128xf32>
      %eq3A_461 = arith.constant 33 : i32
      %eq3A_462 = vector.broadcast %eq3A_461 : i32 to vector<1x128xi32>
      %eq3A_463 = arith.cmpi eq, %iota3A, %eq3A_462 : vector<1x128xi32>
      %broadcast_in_dim3A_464 = vector.broadcast %get3A_277 : f32 to vector<1x128xf32>
      %select_n3A_465 = arith.select %eq3A_463, %broadcast_in_dim3A_464, %select_n3A_460 : vector<1x128xi1>, vector<1x128xf32>
      %swap3A_466 = arith.constant 14 : index
      %swap3A_467 = arith.constant 0 : index
      %swap3A_468 = vector.load %arg3[%swap3A_466, %swap3A_467] : memref<16x128xf32, #tpu.memory_space<vmem>>, vector<1x128xf32>
      tpu.vector_store %arg3[%swap3A_466, %swap3A_467], %select_n3A_465 {strides = array<i32>} : memref<16x128xf32, #tpu.memory_space<vmem>>, vector<1x128xf32>,
      %mul3A_469 = arith.constant 16 : i32
      %mul3A_470 = arith.muli %scan3A_11, %mul3A_469 : i32
      %add3A_471 = arith.constant 2 : i32
      %add3A_472 = arith.addi %mul3A_470, %add3A_471 : i32
      %get3A_473 = arith.index_cast %add3A_472 : i32 to index
      %get3A_474 = memref.load %arg0[%get3A_473] : memref<4096xf32, #tpu.memory_space<smem>>
      %add3A_475 = vector.broadcast %get3A_474 : f32 to vector<1x128xf32>
      %add3A_476 = arith.addf %add3A_299, %add3A_475 : vector<1x128xf32>
      %max3A_477 = arith.maximumf %add3A_476, %add3A_288 : vector<1x128xf32>
      %sub3A_478 = arith.subf %add3A_476, %add3A_288 : vector<1x128xf32>
      %abs3A_479 = math.absf %sub3A_478 : vector<1x128xf32>
      %neg3A_480 = arith.constant 0.000000e+00 : f32
      %neg3A_481 = vector.broadcast %neg3A_480 : f32 to vector<1x128xf32>
      %neg3A_482 = arith.subf %neg3A_481, %abs3A_479 : vector<1x128xf32>
      %exp3A_483 = math.exp %neg3A_482 : vector<1x128xf32>
      %log1p3A_484 = math.log1p %exp3A_483 : vector<1x128xf32>
      %add3A_485 = arith.addf %max3A_477, %log1p3A_484 : vector<1x128xf32>
      %add3A_486 = vector.broadcast %get3A_474 : f32 to vector<1x128xf32>
      %add3A_487 = arith.addf %add3A_310, %add3A_486 : vector<1x128xf32>
      %max3A_488 = arith.maximumf %add3A_487, %add3A_299 : vector<1x128xf32>
      %sub3A_489 = arith.subf %add3A_487, %add3A_299 : vector<1x128xf32>
      %abs3A_490 = math.absf %sub3A_489 : vector<1x128xf32>
      %neg3A_491 = arith.constant 0.000000e+00 : f32
      %neg3A_492 = vector.broadcast %neg3A_491 : f32 to vector<1x128xf32>
      %neg3A_493 = arith.subf %neg3A_492, %abs3A_490 : vector<1x128xf32>
      %exp3A_494 = math.exp %neg3A_493 : vector<1x128xf32>
      %log1p3A_495 = math.log1p %exp3A_494 : vector<1x128xf32>
      %add3A_496 = arith.addf %max3A_488, %log1p3A_495 : vector<1x128xf32>
      %add3A_497 = vector.broadcast %get3A_474 : f32 to vector<1x128xf32>
      %add3A_498 = arith.addf %add3A_321, %add3A_497 : vector<1x128xf32>
      %max3A_499 = arith.maximumf %add3A_498, %add3A_310 : vector<1x128xf32>
      %sub3A_500 = arith.subf %add3A_498, %add3A_310 : vector<1x128xf32>
      %abs3A_501 = math.absf %sub3A_500 : vector<1x128xf32>
      %neg3A_502 = arith.constant 0.000000e+00 : f32
      %neg3A_503 = vector.broadcast %neg3A_502 : f32 to vector<1x128xf32>
      %neg3A_504 = arith.subf %neg3A_503, %abs3A_501 : vector<1x128xf32>
      %exp3A_505 = math.exp %neg3A_504 : vector<1x128xf32>
      %log1p3A_506 = math.log1p %exp3A_505 : vector<1x128xf32>
      %add3A_507 = arith.addf %max3A_499, %log1p3A_506 : vector<1x128xf32>
      %add3A_508 = vector.broadcast %get3A_474 : f32 to vector<1x128xf32>
      %add3A_509 = arith.addf %add3A_332, %add3A_508 : vector<1x128xf32>
      %max3A_510 = arith.maximumf %add3A_509, %add3A_321 : vector<1x128xf32>
      %sub3A_511 = arith.subf %add3A_509, %add3A_321 : vector<1x128xf32>
      %abs3A_512 = math.absf %sub3A_511 : vector<1x128xf32>
      %neg3A_513 = arith.constant 0.000000e+00 : f32
      %neg3A_514 = vector.broadcast %neg3A_513 : f32 to vector<1x128xf32>
      %neg3A_515 = arith.subf %neg3A_514, %abs3A_512 : vector<1x128xf32>
      %exp3A_516 = math.exp %neg3A_515 : vector<1x128xf32>
      %log1p3A_517 = math.log1p %exp3A_516 : vector<1x128xf32>
      %add3A_518 = arith.addf %max3A_510, %log1p3A_517 : vector<1x128xf32>
      %add3A_519 = vector.broadcast %get3A_474 : f32 to vector<1x128xf32>
      %add3A_520 = arith.addf %add3A_343, %add3A_519 : vector<1x128xf32>
      %max3A_521 = arith.maximumf %add3A_520, %add3A_332 : vector<1x128xf32>
      %sub3A_522 = arith.subf %add3A_520, %add3A_332 : vector<1x128xf32>
      %abs3A_523 = math.absf %sub3A_522 : vector<1x128xf32>
      %neg3A_524 = arith.constant 0.000000e+00 : f32
      %neg3A_525 = vector.broadcast %neg3A_524 : f32 to vector<1x128xf32>
      %neg3A_526 = arith.subf %neg3A_525, %abs3A_523 : vector<1x128xf32>
      %exp3A_527 = math.exp %neg3A_526 : vector<1x128xf32>
      %log1p3A_528 = math.log1p %exp3A_527 : vector<1x128xf32>
      %add3A_529 = arith.addf %max3A_521, %log1p3A_528 : vector<1x128xf32>
      %add3A_530 = vector.broadcast %get3A_474 : f32 to vector<1x128xf32>
      %add3A_531 = arith.addf %add3A_354, %add3A_530 : vector<1x128xf32>
      %max3A_532 = arith.maximumf %add3A_531, %add3A_343 : vector<1x128xf32>
      %sub3A_533 = arith.subf %add3A_531, %add3A_343 : vector<1x128xf32>
      %abs3A_534 = math.absf %sub3A_533 : vector<1x128xf32>
      %neg3A_535 = arith.constant 0.000000e+00 : f32
      %neg3A_536 = vector.broadcast %neg3A_535 : f32 to vector<1x128xf32>
      %neg3A_537 = arith.subf %neg3A_536, %abs3A_534 : vector<1x128xf32>
      %exp3A_538 = math.exp %neg3A_537 : vector<1x128xf32>
      %log1p3A_539 = math.log1p %exp3A_538 : vector<1x128xf32>
      %add3A_540 = arith.addf %max3A_532, %log1p3A_539 : vector<1x128xf32>
      %add3A_541 = vector.broadcast %get3A_474 : f32 to vector<1x128xf32>
      %add3A_542 = arith.addf %add3A_365, %add3A_541 : vector<1x128xf32>
      %max3A_543 = arith.maximumf %add3A_542, %add3A_354 : vector<1x128xf32>
      %sub3A_544 = arith.subf %add3A_542, %add3A_354 : vector<1x128xf32>
      %abs3A_545 = math.absf %sub3A_544 : vector<1x128xf32>
      %neg3A_546 = arith.constant 0.000000e+00 : f32
      %neg3A_547 = vector.broadcast %neg3A_546 : f32 to vector<1x128xf32>
      %neg3A_548 = arith.subf %neg3A_547, %abs3A_545 : vector<1x128xf32>
      %exp3A_549 = math.exp %neg3A_548 : vector<1x128xf32>
      %log1p3A_550 = math.log1p %exp3A_549 : vector<1x128xf32>
      %add3A_551 = arith.addf %max3A_543, %log1p3A_550 : vector<1x128xf32>
      %add3A_552 = vector.broadcast %get3A_474 : f32 to vector<1x128xf32>
      %add3A_553 = arith.addf %add3A_376, %add3A_552 : vector<1x128xf32>
      %max3A_554 = arith.maximumf %add3A_553, %add3A_365 : vector<1x128xf32>
      %sub3A_555 = arith.subf %add3A_553, %add3A_365 : vector<1x128xf32>
      %abs3A_556 = math.absf %sub3A_555 : vector<1x128xf32>
      %neg3A_557 = arith.constant 0.000000e+00 : f32
      %neg3A_558 = vector.broadcast %neg3A_557 : f32 to vector<1x128xf32>
      %neg3A_559 = arith.subf %neg3A_558, %abs3A_556 : vector<1x128xf32>
      %exp3A_560 = math.exp %neg3A_559 : vector<1x128xf32>
      %log1p3A_561 = math.log1p %exp3A_560 : vector<1x128xf32>
      %add3A_562 = arith.addf %max3A_554, %log1p3A_561 : vector<1x128xf32>
      %add3A_563 = vector.broadcast %get3A_474 : f32 to vector<1x128xf32>
      %add3A_564 = arith.addf %add3A_387, %add3A_563 : vector<1x128xf32>
      %max3A_565 = arith.maximumf %add3A_564, %add3A_376 : vector<1x128xf32>
      %sub3A_566 = arith.subf %add3A_564, %add3A_376 : vector<1x128xf32>
      %abs3A_567 = math.absf %sub3A_566 : vector<1x128xf32>
      %neg3A_568 = arith.constant 0.000000e+00 : f32
      %neg3A_569 = vector.broadcast %neg3A_568 : f32 to vector<1x128xf32>
      %neg3A_570 = arith.subf %neg3A_569, %abs3A_567 : vector<1x128xf32>
      %exp3A_571 = math.exp %neg3A_570 : vector<1x128xf32>
      %log1p3A_572 = math.log1p %exp3A_571 : vector<1x128xf32>
      %add3A_573 = arith.addf %max3A_565, %log1p3A_572 : vector<1x128xf32>
      %add3A_574 = vector.broadcast %get3A_474 : f32 to vector<1x128xf32>
      %add3A_575 = arith.addf %add3A_398, %add3A_574 : vector<1x128xf32>
      %max3A_576 = arith.maximumf %add3A_575, %add3A_387 : vector<1x128xf32>
      %sub3A_577 = arith.subf %add3A_575, %add3A_387 : vector<1x128xf32>
      %abs3A_578 = math.absf %sub3A_577 : vector<1x128xf32>
      %neg3A_579 = arith.constant 0.000000e+00 : f32
      %neg3A_580 = vector.broadcast %neg3A_579 : f32 to vector<1x128xf32>
      %neg3A_581 = arith.subf %neg3A_580, %abs3A_578 : vector<1x128xf32>
      %exp3A_582 = math.exp %neg3A_581 : vector<1x128xf32>
      %log1p3A_583 = math.log1p %exp3A_582 : vector<1x128xf32>
      %add3A_584 = arith.addf %max3A_576, %log1p3A_583 : vector<1x128xf32>
      %add3A_585 = vector.broadcast %get3A_474 : f32 to vector<1x128xf32>
      %add3A_586 = arith.addf %add3A_409, %add3A_585 : vector<1x128xf32>
      %max3A_587 = arith.maximumf %add3A_586, %add3A_398 : vector<1x128xf32>
      %sub3A_588 = arith.subf %add3A_586, %add3A_398 : vector<1x128xf32>
      %abs3A_589 = math.absf %sub3A_588 : vector<1x128xf32>
      %neg3A_590 = arith.constant 0.000000e+00 : f32
      %neg3A_591 = vector.broadcast %neg3A_590 : f32 to vector<1x128xf32>
      %neg3A_592 = arith.subf %neg3A_591, %abs3A_589 : vector<1x128xf32>
      %exp3A_593 = math.exp %neg3A_592 : vector<1x128xf32>
      %log1p3A_594 = math.log1p %exp3A_593 : vector<1x128xf32>
      %add3A_595 = arith.addf %max3A_587, %log1p3A_594 : vector<1x128xf32>
      %add3A_596 = vector.broadcast %get3A_474 : f32 to vector<1x128xf32>
      %add3A_597 = arith.addf %add3A_420, %add3A_596 : vector<1x128xf32>
      %max3A_598 = arith.maximumf %add3A_597, %add3A_409 : vector<1x128xf32>
      %sub3A_599 = arith.subf %add3A_597, %add3A_409 : vector<1x128xf32>
      %abs3A_600 = math.absf %sub3A_599 : vector<1x128xf32>
      %neg3A_601 = arith.constant 0.000000e+00 : f32
      %neg3A_602 = vector.broadcast %neg3A_601 : f32 to vector<1x128xf32>
      %neg3A_603 = arith.subf %neg3A_602, %abs3A_600 : vector<1x128xf32>
      %exp3A_604 = math.exp %neg3A_603 : vector<1x128xf32>
      %log1p3A_605 = math.log1p %exp3A_604 : vector<1x128xf32>
      %add3A_606 = arith.addf %max3A_598, %log1p3A_605 : vector<1x128xf32>
      %add3A_607 = vector.broadcast %get3A_474 : f32 to vector<1x128xf32>
      %add3A_608 = arith.addf %add3A_431, %add3A_607 : vector<1x128xf32>
      %max3A_609 = arith.maximumf %add3A_608, %add3A_420 : vector<1x128xf32>
      %sub3A_610 = arith.subf %add3A_608, %add3A_420 : vector<1x128xf32>
      %abs3A_611 = math.absf %sub3A_610 : vector<1x128xf32>
      %neg3A_612 = arith.constant 0.000000e+00 : f32
      %neg3A_613 = vector.broadcast %neg3A_612 : f32 to vector<1x128xf32>
      %neg3A_614 = arith.subf %neg3A_613, %abs3A_611 : vector<1x128xf32>
      %exp3A_615 = math.exp %neg3A_614 : vector<1x128xf32>
      %log1p3A_616 = math.log1p %exp3A_615 : vector<1x128xf32>
      %add3A_617 = arith.addf %max3A_609, %log1p3A_616 : vector<1x128xf32>
      %add3A_618 = vector.broadcast %get3A_474 : f32 to vector<1x128xf32>
      %add3A_619 = arith.addf %add3A_442, %add3A_618 : vector<1x128xf32>
      %max3A_620 = arith.maximumf %add3A_619, %add3A_431 : vector<1x128xf32>
      %sub3A_621 = arith.subf %add3A_619, %add3A_431 : vector<1x128xf32>
      %abs3A_622 = math.absf %sub3A_621 : vector<1x128xf32>
      %neg3A_623 = arith.constant 0.000000e+00 : f32
      %neg3A_624 = vector.broadcast %neg3A_623 : f32 to vector<1x128xf32>
      %neg3A_625 = arith.subf %neg3A_624, %abs3A_622 : vector<1x128xf32>
      %exp3A_626 = math.exp %neg3A_625 : vector<1x128xf32>
      %log1p3A_627 = math.log1p %exp3A_626 : vector<1x128xf32>
      %add3A_628 = arith.addf %max3A_620, %log1p3A_627 : vector<1x128xf32>
      %sub3A_629 = arith.subf %add3A_476, %add3A_485 : vector<1x128xf32>
      %min3A_630 = arith.constant 3.000000e+01 : f32
      %min3A_631 = vector.broadcast %min3A_630 : f32 to vector<1x128xf32>
      %min3A_632 = arith.minimumf %sub3A_629, %min3A_631 : vector<1x128xf32>
      %exp3A_633 = math.exp %min3A_632 : vector<1x128xf32>
      %add3A_634 = arith.constant 1 : i32
      %add3A_635 = arith.addi %add3A_472, %add3A_634 : i32
      %ge3A_636 = vector.broadcast %add3A_635 : i32 to vector<1x128xi32>
      %ge3A_637 = arith.cmpi sge, %iota3A, %ge3A_636 : vector<1x128xi32>
      %jit3A_638 = arith.constant 1.000000e+00 : f32
      %broadcast_in_dim3A_639 = vector.broadcast %jit3A_638 : f32 to vector<1x128xf32>
      %select_n3A_640 = arith.select %ge3A_637, %broadcast_in_dim3A_639, %exp3A_633 : vector<1x128xi1>, vector<1x128xf32>
      %eq3A_641 = arith.constant 0 : i32
      %eq3A_642 = vector.broadcast %eq3A_641 : i32 to vector<1x128xi32>
      %eq3A_643 = arith.cmpi eq, %iota3A, %eq3A_642 : vector<1x128xi32>
      %jit3A_644 = arith.constant 0.000000e+00 : f32
      %broadcast_in_dim3A_645 = vector.broadcast %jit3A_644 : f32 to vector<1x128xf32>
      %select_n3A_646 = arith.select %eq3A_643, %broadcast_in_dim3A_645, %select_n3A_640 : vector<1x128xi1>, vector<1x128xf32>
      %eq3A_647 = arith.constant 33 : i32
      %eq3A_648 = vector.broadcast %eq3A_647 : i32 to vector<1x128xi32>
      %eq3A_649 = arith.cmpi eq, %iota3A, %eq3A_648 : vector<1x128xi32>
      %broadcast_in_dim3A_650 = vector.broadcast %get3A_474 : f32 to vector<1x128xf32>
      %select_n3A_651 = arith.select %eq3A_649, %broadcast_in_dim3A_650, %select_n3A_646 : vector<1x128xi1>, vector<1x128xf32>
      %swap3A_652 = arith.constant 13 : index
      %swap3A_653 = arith.constant 0 : index
      %swap3A_654 = vector.load %arg3[%swap3A_652, %swap3A_653] : memref<16x128xf32, #tpu.memory_space<vmem>>, vector<1x128xf32>
      tpu.vector_store %arg3[%swap3A_652, %swap3A_653], %select_n3A_651 {strides = array<i32>} : memref<16x128xf32, #tpu.memory_space<vmem>>, vector<1x128xf32>,
      %mul3A_655 = arith.constant 16 : i32
      %mul3A_656 = arith.muli %scan3A_11, %mul3A_655 : i32
      %add3A_657 = arith.constant 3 : i32
      %add3A_658 = arith.addi %mul3A_656, %add3A_657 : i32
      %get3A_659 = arith.index_cast %add3A_658 : i32 to index
      %get3A_660 = memref.load %arg0[%get3A_659] : memref<4096xf32, #tpu.memory_space<smem>>
      %add3A_661 = vector.broadcast %get3A_660 : f32 to vector<1x128xf32>
      %add3A_662 = arith.addf %add3A_496, %add3A_661 : vector<1x128xf32>
      %max3A_663 = arith.maximumf %add3A_662, %add3A_485 : vector<1x128xf32>
      %sub3A_664 = arith.subf %add3A_662, %add3A_485 : vector<1x128xf32>
      %abs3A_665 = math.absf %sub3A_664 : vector<1x128xf32>
      %neg3A_666 = arith.constant 0.000000e+00 : f32
      %neg3A_667 = vector.broadcast %neg3A_666 : f32 to vector<1x128xf32>
      %neg3A_668 = arith.subf %neg3A_667, %abs3A_665 : vector<1x128xf32>
      %exp3A_669 = math.exp %neg3A_668 : vector<1x128xf32>
      %log1p3A_670 = math.log1p %exp3A_669 : vector<1x128xf32>
      %add3A_671 = arith.addf %max3A_663, %log1p3A_670 : vector<1x128xf32>
      %add3A_672 = vector.broadcast %get3A_660 : f32 to vector<1x128xf32>
      %add3A_673 = arith.addf %add3A_507, %add3A_672 : vector<1x128xf32>
      %max3A_674 = arith.maximumf %add3A_673, %add3A_496 : vector<1x128xf32>
      %sub3A_675 = arith.subf %add3A_673, %add3A_496 : vector<1x128xf32>
      %abs3A_676 = math.absf %sub3A_675 : vector<1x128xf32>
      %neg3A_677 = arith.constant 0.000000e+00 : f32
      %neg3A_678 = vector.broadcast %neg3A_677 : f32 to vector<1x128xf32>
      %neg3A_679 = arith.subf %neg3A_678, %abs3A_676 : vector<1x128xf32>
      %exp3A_680 = math.exp %neg3A_679 : vector<1x128xf32>
      %log1p3A_681 = math.log1p %exp3A_680 : vector<1x128xf32>
      %add3A_682 = arith.addf %max3A_674, %log1p3A_681 : vector<1x128xf32>
      %add3A_683 = vector.broadcast %get3A_660 : f32 to vector<1x128xf32>
      %add3A_684 = arith.addf %add3A_518, %add3A_683 : vector<1x128xf32>
      %max3A_685 = arith.maximumf %add3A_684, %add3A_507 : vector<1x128xf32>
      %sub3A_686 = arith.subf %add3A_684, %add3A_507 : vector<1x128xf32>
      %abs3A_687 = math.absf %sub3A_686 : vector<1x128xf32>
      %neg3A_688 = arith.constant 0.000000e+00 : f32
      %neg3A_689 = vector.broadcast %neg3A_688 : f32 to vector<1x128xf32>
      %neg3A_690 = arith.subf %neg3A_689, %abs3A_687 : vector<1x128xf32>
      %exp3A_691 = math.exp %neg3A_690 : vector<1x128xf32>
      %log1p3A_692 = math.log1p %exp3A_691 : vector<1x128xf32>
      %add3A_693 = arith.addf %max3A_685, %log1p3A_692 : vector<1x128xf32>
      %add3A_694 = vector.broadcast %get3A_660 : f32 to vector<1x128xf32>
      %add3A_695 = arith.addf %add3A_529, %add3A_694 : vector<1x128xf32>
      %max3A_696 = arith.maximumf %add3A_695, %add3A_518 : vector<1x128xf32>
      %sub3A_697 = arith.subf %add3A_695, %add3A_518 : vector<1x128xf32>
      %abs3A_698 = math.absf %sub3A_697 : vector<1x128xf32>
      %neg3A_699 = arith.constant 0.000000e+00 : f32
      %neg3A_700 = vector.broadcast %neg3A_699 : f32 to vector<1x128xf32>
      %neg3A_701 = arith.subf %neg3A_700, %abs3A_698 : vector<1x128xf32>
      %exp3A_702 = math.exp %neg3A_701 : vector<1x128xf32>
      %log1p3A_703 = math.log1p %exp3A_702 : vector<1x128xf32>
      %add3A_704 = arith.addf %max3A_696, %log1p3A_703 : vector<1x128xf32>
      %add3A_705 = vector.broadcast %get3A_660 : f32 to vector<1x128xf32>
      %add3A_706 = arith.addf %add3A_540, %add3A_705 : vector<1x128xf32>
      %max3A_707 = arith.maximumf %add3A_706, %add3A_529 : vector<1x128xf32>
      %sub3A_708 = arith.subf %add3A_706, %add3A_529 : vector<1x128xf32>
      %abs3A_709 = math.absf %sub3A_708 : vector<1x128xf32>
      %neg3A_710 = arith.constant 0.000000e+00 : f32
      %neg3A_711 = vector.broadcast %neg3A_710 : f32 to vector<1x128xf32>
      %neg3A_712 = arith.subf %neg3A_711, %abs3A_709 : vector<1x128xf32>
      %exp3A_713 = math.exp %neg3A_712 : vector<1x128xf32>
      %log1p3A_714 = math.log1p %exp3A_713 : vector<1x128xf32>
      %add3A_715 = arith.addf %max3A_707, %log1p3A_714 : vector<1x128xf32>
      %add3A_716 = vector.broadcast %get3A_660 : f32 to vector<1x128xf32>
      %add3A_717 = arith.addf %add3A_551, %add3A_716 : vector<1x128xf32>
      %max3A_718 = arith.maximumf %add3A_717, %add3A_540 : vector<1x128xf32>
      %sub3A_719 = arith.subf %add3A_717, %add3A_540 : vector<1x128xf32>
      %abs3A_720 = math.absf %sub3A_719 : vector<1x128xf32>
      %neg3A_721 = arith.constant 0.000000e+00 : f32
      %neg3A_722 = vector.broadcast %neg3A_721 : f32 to vector<1x128xf32>
      %neg3A_723 = arith.subf %neg3A_722, %abs3A_720 : vector<1x128xf32>
      %exp3A_724 = math.exp %neg3A_723 : vector<1x128xf32>
      %log1p3A_725 = math.log1p %exp3A_724 : vector<1x128xf32>
      %add3A_726 = arith.addf %max3A_718, %log1p3A_725 : vector<1x128xf32>
      %add3A_727 = vector.broadcast %get3A_660 : f32 to vector<1x128xf32>
      %add3A_728 = arith.addf %add3A_562, %add3A_727 : vector<1x128xf32>
      %max3A_729 = arith.maximumf %add3A_728, %add3A_551 : vector<1x128xf32>
      %sub3A_730 = arith.subf %add3A_728, %add3A_551 : vector<1x128xf32>
      %abs3A_731 = math.absf %sub3A_730 : vector<1x128xf32>
      %neg3A_732 = arith.constant 0.000000e+00 : f32
      %neg3A_733 = vector.broadcast %neg3A_732 : f32 to vector<1x128xf32>
      %neg3A_734 = arith.subf %neg3A_733, %abs3A_731 : vector<1x128xf32>
      %exp3A_735 = math.exp %neg3A_734 : vector<1x128xf32>
      %log1p3A_736 = math.log1p %exp3A_735 : vector<1x128xf32>
      %add3A_737 = arith.addf %max3A_729, %log1p3A_736 : vector<1x128xf32>
      %add3A_738 = vector.broadcast %get3A_660 : f32 to vector<1x128xf32>
      %add3A_739 = arith.addf %add3A_573, %add3A_738 : vector<1x128xf32>
      %max3A_740 = arith.maximumf %add3A_739, %add3A_562 : vector<1x128xf32>
      %sub3A_741 = arith.subf %add3A_739, %add3A_562 : vector<1x128xf32>
      %abs3A_742 = math.absf %sub3A_741 : vector<1x128xf32>
      %neg3A_743 = arith.constant 0.000000e+00 : f32
      %neg3A_744 = vector.broadcast %neg3A_743 : f32 to vector<1x128xf32>
      %neg3A_745 = arith.subf %neg3A_744, %abs3A_742 : vector<1x128xf32>
      %exp3A_746 = math.exp %neg3A_745 : vector<1x128xf32>
      %log1p3A_747 = math.log1p %exp3A_746 : vector<1x128xf32>
      %add3A_748 = arith.addf %max3A_740, %log1p3A_747 : vector<1x128xf32>
      %add3A_749 = vector.broadcast %get3A_660 : f32 to vector<1x128xf32>
      %add3A_750 = arith.addf %add3A_584, %add3A_749 : vector<1x128xf32>
      %max3A_751 = arith.maximumf %add3A_750, %add3A_573 : vector<1x128xf32>
      %sub3A_752 = arith.subf %add3A_750, %add3A_573 : vector<1x128xf32>
      %abs3A_753 = math.absf %sub3A_752 : vector<1x128xf32>
      %neg3A_754 = arith.constant 0.000000e+00 : f32
      %neg3A_755 = vector.broadcast %neg3A_754 : f32 to vector<1x128xf32>
      %neg3A_756 = arith.subf %neg3A_755, %abs3A_753 : vector<1x128xf32>
      %exp3A_757 = math.exp %neg3A_756 : vector<1x128xf32>
      %log1p3A_758 = math.log1p %exp3A_757 : vector<1x128xf32>
      %add3A_759 = arith.addf %max3A_751, %log1p3A_758 : vector<1x128xf32>
      %add3A_760 = vector.broadcast %get3A_660 : f32 to vector<1x128xf32>
      %add3A_761 = arith.addf %add3A_595, %add3A_760 : vector<1x128xf32>
      %max3A_762 = arith.maximumf %add3A_761, %add3A_584 : vector<1x128xf32>
      %sub3A_763 = arith.subf %add3A_761, %add3A_584 : vector<1x128xf32>
      %abs3A_764 = math.absf %sub3A_763 : vector<1x128xf32>
      %neg3A_765 = arith.constant 0.000000e+00 : f32
      %neg3A_766 = vector.broadcast %neg3A_765 : f32 to vector<1x128xf32>
      %neg3A_767 = arith.subf %neg3A_766, %abs3A_764 : vector<1x128xf32>
      %exp3A_768 = math.exp %neg3A_767 : vector<1x128xf32>
      %log1p3A_769 = math.log1p %exp3A_768 : vector<1x128xf32>
      %add3A_770 = arith.addf %max3A_762, %log1p3A_769 : vector<1x128xf32>
      %add3A_771 = vector.broadcast %get3A_660 : f32 to vector<1x128xf32>
      %add3A_772 = arith.addf %add3A_606, %add3A_771 : vector<1x128xf32>
      %max3A_773 = arith.maximumf %add3A_772, %add3A_595 : vector<1x128xf32>
      %sub3A_774 = arith.subf %add3A_772, %add3A_595 : vector<1x128xf32>
      %abs3A_775 = math.absf %sub3A_774 : vector<1x128xf32>
      %neg3A_776 = arith.constant 0.000000e+00 : f32
      %neg3A_777 = vector.broadcast %neg3A_776 : f32 to vector<1x128xf32>
      %neg3A_778 = arith.subf %neg3A_777, %abs3A_775 : vector<1x128xf32>
      %exp3A_779 = math.exp %neg3A_778 : vector<1x128xf32>
      %log1p3A_780 = math.log1p %exp3A_779 : vector<1x128xf32>
      %add3A_781 = arith.addf %max3A_773, %log1p3A_780 : vector<1x128xf32>
      %add3A_782 = vector.broadcast %get3A_660 : f32 to vector<1x128xf32>
      %add3A_783 = arith.addf %add3A_617, %add3A_782 : vector<1x128xf32>
      %max3A_784 = arith.maximumf %add3A_783, %add3A_606 : vector<1x128xf32>
      %sub3A_785 = arith.subf %add3A_783, %add3A_606 : vector<1x128xf32>
      %abs3A_786 = math.absf %sub3A_785 : vector<1x128xf32>
      %neg3A_787 = arith.constant 0.000000e+00 : f32
      %neg3A_788 = vector.broadcast %neg3A_787 : f32 to vector<1x128xf32>
      %neg3A_789 = arith.subf %neg3A_788, %abs3A_786 : vector<1x128xf32>
      %exp3A_790 = math.exp %neg3A_789 : vector<1x128xf32>
      %log1p3A_791 = math.log1p %exp3A_790 : vector<1x128xf32>
      %add3A_792 = arith.addf %max3A_784, %log1p3A_791 : vector<1x128xf32>
      %add3A_793 = vector.broadcast %get3A_660 : f32 to vector<1x128xf32>
      %add3A_794 = arith.addf %add3A_628, %add3A_793 : vector<1x128xf32>
      %max3A_795 = arith.maximumf %add3A_794, %add3A_617 : vector<1x128xf32>
      %sub3A_796 = arith.subf %add3A_794, %add3A_617 : vector<1x128xf32>
      %abs3A_797 = math.absf %sub3A_796 : vector<1x128xf32>
      %neg3A_798 = arith.constant 0.000000e+00 : f32
      %neg3A_799 = vector.broadcast %neg3A_798 : f32 to vector<1x128xf32>
      %neg3A_800 = arith.subf %neg3A_799, %abs3A_797 : vector<1x128xf32>
      %exp3A_801 = math.exp %neg3A_800 : vector<1x128xf32>
      %log1p3A_802 = math.log1p %exp3A_801 : vector<1x128xf32>
      %add3A_803 = arith.addf %max3A_795, %log1p3A_802 : vector<1x128xf32>
      %sub3A_804 = arith.subf %add3A_662, %add3A_671 : vector<1x128xf32>
      %min3A_805 = arith.constant 3.000000e+01 : f32
      %min3A_806 = vector.broadcast %min3A_805 : f32 to vector<1x128xf32>
      %min3A_807 = arith.minimumf %sub3A_804, %min3A_806 : vector<1x128xf32>
      %exp3A_808 = math.exp %min3A_807 : vector<1x128xf32>
      %add3A_809 = arith.constant 1 : i32
      %add3A_810 = arith.addi %add3A_658, %add3A_809 : i32
      %ge3A_811 = vector.broadcast %add3A_810 : i32 to vector<1x128xi32>
      %ge3A_812 = arith.cmpi sge, %iota3A, %ge3A_811 : vector<1x128xi32>
      %jit3A_813 = arith.constant 1.000000e+00 : f32
      %broadcast_in_dim3A_814 = vector.broadcast %jit3A_813 : f32 to vector<1x128xf32>
      %select_n3A_815 = arith.select %ge3A_812, %broadcast_in_dim3A_814, %exp3A_808 : vector<1x128xi1>, vector<1x128xf32>
      %eq3A_816 = arith.constant 0 : i32
      %eq3A_817 = vector.broadcast %eq3A_816 : i32 to vector<1x128xi32>
      %eq3A_818 = arith.cmpi eq, %iota3A, %eq3A_817 : vector<1x128xi32>
      %jit3A_819 = arith.constant 0.000000e+00 : f32
      %broadcast_in_dim3A_820 = vector.broadcast %jit3A_819 : f32 to vector<1x128xf32>
      %select_n3A_821 = arith.select %eq3A_818, %broadcast_in_dim3A_820, %select_n3A_815 : vector<1x128xi1>, vector<1x128xf32>
      %eq3A_822 = arith.constant 33 : i32
      %eq3A_823 = vector.broadcast %eq3A_822 : i32 to vector<1x128xi32>
      %eq3A_824 = arith.cmpi eq, %iota3A, %eq3A_823 : vector<1x128xi32>
      %broadcast_in_dim3A_825 = vector.broadcast %get3A_660 : f32 to vector<1x128xf32>
      %select_n3A_826 = arith.select %eq3A_824, %broadcast_in_dim3A_825, %select_n3A_821 : vector<1x128xi1>, vector<1x128xf32>
      %swap3A_827 = arith.constant 12 : index
      %swap3A_828 = arith.constant 0 : index
      %swap3A_829 = vector.load %arg3[%swap3A_827, %swap3A_828] : memref<16x128xf32, #tpu.memory_space<vmem>>, vector<1x128xf32>
      tpu.vector_store %arg3[%swap3A_827, %swap3A_828], %select_n3A_826 {strides = array<i32>} : memref<16x128xf32, #tpu.memory_space<vmem>>, vector<1x128xf32>,
      %mul3A_830 = arith.constant 16 : i32
      %mul3A_831 = arith.muli %scan3A_11, %mul3A_830 : i32
      %add3A_832 = arith.constant 4 : i32
      %add3A_833 = arith.addi %mul3A_831, %add3A_832 : i32
      %get3A_834 = arith.index_cast %add3A_833 : i32 to index
      %get3A_835 = memref.load %arg0[%get3A_834] : memref<4096xf32, #tpu.memory_space<smem>>
      %add3A_836 = vector.broadcast %get3A_835 : f32 to vector<1x128xf32>
      %add3A_837 = arith.addf %add3A_682, %add3A_836 : vector<1x128xf32>
      %max3A_838 = arith.maximumf %add3A_837, %add3A_671 : vector<1x128xf32>
      %sub3A_839 = arith.subf %add3A_837, %add3A_671 : vector<1x128xf32>
      %abs3A_840 = math.absf %sub3A_839 : vector<1x128xf32>
      %neg3A_841 = arith.constant 0.000000e+00 : f32
      %neg3A_842 = vector.broadcast %neg3A_841 : f32 to vector<1x128xf32>
      %neg3A_843 = arith.subf %neg3A_842, %abs3A_840 : vector<1x128xf32>
      %exp3A_844 = math.exp %neg3A_843 : vector<1x128xf32>
      %log1p3A_845 = math.log1p %exp3A_844 : vector<1x128xf32>
      %add3A_846 = arith.addf %max3A_838, %log1p3A_845 : vector<1x128xf32>
      %add3A_847 = vector.broadcast %get3A_835 : f32 to vector<1x128xf32>
      %add3A_848 = arith.addf %add3A_693, %add3A_847 : vector<1x128xf32>
      %max3A_849 = arith.maximumf %add3A_848, %add3A_682 : vector<1x128xf32>
      %sub3A_850 = arith.subf %add3A_848, %add3A_682 : vector<1x128xf32>
      %abs3A_851 = math.absf %sub3A_850 : vector<1x128xf32>
      %neg3A_852 = arith.constant 0.000000e+00 : f32
      %neg3A_853 = vector.broadcast %neg3A_852 : f32 to vector<1x128xf32>
      %neg3A_854 = arith.subf %neg3A_853, %abs3A_851 : vector<1x128xf32>
      %exp3A_855 = math.exp %neg3A_854 : vector<1x128xf32>
      %log1p3A_856 = math.log1p %exp3A_855 : vector<1x128xf32>
      %add3A_857 = arith.addf %max3A_849, %log1p3A_856 : vector<1x128xf32>
      %add3A_858 = vector.broadcast %get3A_835 : f32 to vector<1x128xf32>
      %add3A_859 = arith.addf %add3A_704, %add3A_858 : vector<1x128xf32>
      %max3A_860 = arith.maximumf %add3A_859, %add3A_693 : vector<1x128xf32>
      %sub3A_861 = arith.subf %add3A_859, %add3A_693 : vector<1x128xf32>
      %abs3A_862 = math.absf %sub3A_861 : vector<1x128xf32>
      %neg3A_863 = arith.constant 0.000000e+00 : f32
      %neg3A_864 = vector.broadcast %neg3A_863 : f32 to vector<1x128xf32>
      %neg3A_865 = arith.subf %neg3A_864, %abs3A_862 : vector<1x128xf32>
      %exp3A_866 = math.exp %neg3A_865 : vector<1x128xf32>
      %log1p3A_867 = math.log1p %exp3A_866 : vector<1x128xf32>
      %add3A_868 = arith.addf %max3A_860, %log1p3A_867 : vector<1x128xf32>
      %add3A_869 = vector.broadcast %get3A_835 : f32 to vector<1x128xf32>
      %add3A_870 = arith.addf %add3A_715, %add3A_869 : vector<1x128xf32>
      %max3A_871 = arith.maximumf %add3A_870, %add3A_704 : vector<1x128xf32>
      %sub3A_872 = arith.subf %add3A_870, %add3A_704 : vector<1x128xf32>
      %abs3A_873 = math.absf %sub3A_872 : vector<1x128xf32>
      %neg3A_874 = arith.constant 0.000000e+00 : f32
      %neg3A_875 = vector.broadcast %neg3A_874 : f32 to vector<1x128xf32>
      %neg3A_876 = arith.subf %neg3A_875, %abs3A_873 : vector<1x128xf32>
      %exp3A_877 = math.exp %neg3A_876 : vector<1x128xf32>
      %log1p3A_878 = math.log1p %exp3A_877 : vector<1x128xf32>
      %add3A_879 = arith.addf %max3A_871, %log1p3A_878 : vector<1x128xf32>
      %add3A_880 = vector.broadcast %get3A_835 : f32 to vector<1x128xf32>
      %add3A_881 = arith.addf %add3A_726, %add3A_880 : vector<1x128xf32>
      %max3A_882 = arith.maximumf %add3A_881, %add3A_715 : vector<1x128xf32>
      %sub3A_883 = arith.subf %add3A_881, %add3A_715 : vector<1x128xf32>
      %abs3A_884 = math.absf %sub3A_883 : vector<1x128xf32>
      %neg3A_885 = arith.constant 0.000000e+00 : f32
      %neg3A_886 = vector.broadcast %neg3A_885 : f32 to vector<1x128xf32>
      %neg3A_887 = arith.subf %neg3A_886, %abs3A_884 : vector<1x128xf32>
      %exp3A_888 = math.exp %neg3A_887 : vector<1x128xf32>
      %log1p3A_889 = math.log1p %exp3A_888 : vector<1x128xf32>
      %add3A_890 = arith.addf %max3A_882, %log1p3A_889 : vector<1x128xf32>
      %add3A_891 = vector.broadcast %get3A_835 : f32 to vector<1x128xf32>
      %add3A_892 = arith.addf %add3A_737, %add3A_891 : vector<1x128xf32>
      %max3A_893 = arith.maximumf %add3A_892, %add3A_726 : vector<1x128xf32>
      %sub3A_894 = arith.subf %add3A_892, %add3A_726 : vector<1x128xf32>
      %abs3A_895 = math.absf %sub3A_894 : vector<1x128xf32>
      %neg3A_896 = arith.constant 0.000000e+00 : f32
      %neg3A_897 = vector.broadcast %neg3A_896 : f32 to vector<1x128xf32>
      %neg3A_898 = arith.subf %neg3A_897, %abs3A_895 : vector<1x128xf32>
      %exp3A_899 = math.exp %neg3A_898 : vector<1x128xf32>
      %log1p3A_900 = math.log1p %exp3A_899 : vector<1x128xf32>
      %add3A_901 = arith.addf %max3A_893, %log1p3A_900 : vector<1x128xf32>
      %add3A_902 = vector.broadcast %get3A_835 : f32 to vector<1x128xf32>
      %add3A_903 = arith.addf %add3A_748, %add3A_902 : vector<1x128xf32>
      %max3A_904 = arith.maximumf %add3A_903, %add3A_737 : vector<1x128xf32>
      %sub3A_905 = arith.subf %add3A_903, %add3A_737 : vector<1x128xf32>
      %abs3A_906 = math.absf %sub3A_905 : vector<1x128xf32>
      %neg3A_907 = arith.constant 0.000000e+00 : f32
      %neg3A_908 = vector.broadcast %neg3A_907 : f32 to vector<1x128xf32>
      %neg3A_909 = arith.subf %neg3A_908, %abs3A_906 : vector<1x128xf32>
      %exp3A_910 = math.exp %neg3A_909 : vector<1x128xf32>
      %log1p3A_911 = math.log1p %exp3A_910 : vector<1x128xf32>
      %add3A_912 = arith.addf %max3A_904, %log1p3A_911 : vector<1x128xf32>
      %add3A_913 = vector.broadcast %get3A_835 : f32 to vector<1x128xf32>
      %add3A_914 = arith.addf %add3A_759, %add3A_913 : vector<1x128xf32>
      %max3A_915 = arith.maximumf %add3A_914, %add3A_748 : vector<1x128xf32>
      %sub3A_916 = arith.subf %add3A_914, %add3A_748 : vector<1x128xf32>
      %abs3A_917 = math.absf %sub3A_916 : vector<1x128xf32>
      %neg3A_918 = arith.constant 0.000000e+00 : f32
      %neg3A_919 = vector.broadcast %neg3A_918 : f32 to vector<1x128xf32>
      %neg3A_920 = arith.subf %neg3A_919, %abs3A_917 : vector<1x128xf32>
      %exp3A_921 = math.exp %neg3A_920 : vector<1x128xf32>
      %log1p3A_922 = math.log1p %exp3A_921 : vector<1x128xf32>
      %add3A_923 = arith.addf %max3A_915, %log1p3A_922 : vector<1x128xf32>
      %add3A_924 = vector.broadcast %get3A_835 : f32 to vector<1x128xf32>
      %add3A_925 = arith.addf %add3A_770, %add3A_924 : vector<1x128xf32>
      %max3A_926 = arith.maximumf %add3A_925, %add3A_759 : vector<1x128xf32>
      %sub3A_927 = arith.subf %add3A_925, %add3A_759 : vector<1x128xf32>
      %abs3A_928 = math.absf %sub3A_927 : vector<1x128xf32>
      %neg3A_929 = arith.constant 0.000000e+00 : f32
      %neg3A_930 = vector.broadcast %neg3A_929 : f32 to vector<1x128xf32>
      %neg3A_931 = arith.subf %neg3A_930, %abs3A_928 : vector<1x128xf32>
      %exp3A_932 = math.exp %neg3A_931 : vector<1x128xf32>
      %log1p3A_933 = math.log1p %exp3A_932 : vector<1x128xf32>
      %add3A_934 = arith.addf %max3A_926, %log1p3A_933 : vector<1x128xf32>
      %add3A_935 = vector.broadcast %get3A_835 : f32 to vector<1x128xf32>
      %add3A_936 = arith.addf %add3A_781, %add3A_935 : vector<1x128xf32>
      %max3A_937 = arith.maximumf %add3A_936, %add3A_770 : vector<1x128xf32>
      %sub3A_938 = arith.subf %add3A_936, %add3A_770 : vector<1x128xf32>
      %abs3A_939 = math.absf %sub3A_938 : vector<1x128xf32>
      %neg3A_940 = arith.constant 0.000000e+00 : f32
      %neg3A_941 = vector.broadcast %neg3A_940 : f32 to vector<1x128xf32>
      %neg3A_942 = arith.subf %neg3A_941, %abs3A_939 : vector<1x128xf32>
      %exp3A_943 = math.exp %neg3A_942 : vector<1x128xf32>
      %log1p3A_944 = math.log1p %exp3A_943 : vector<1x128xf32>
      %add3A_945 = arith.addf %max3A_937, %log1p3A_944 : vector<1x128xf32>
      %add3A_946 = vector.broadcast %get3A_835 : f32 to vector<1x128xf32>
      %add3A_947 = arith.addf %add3A_792, %add3A_946 : vector<1x128xf32>
      %max3A_948 = arith.maximumf %add3A_947, %add3A_781 : vector<1x128xf32>
      %sub3A_949 = arith.subf %add3A_947, %add3A_781 : vector<1x128xf32>
      %abs3A_950 = math.absf %sub3A_949 : vector<1x128xf32>
      %neg3A_951 = arith.constant 0.000000e+00 : f32
      %neg3A_952 = vector.broadcast %neg3A_951 : f32 to vector<1x128xf32>
      %neg3A_953 = arith.subf %neg3A_952, %abs3A_950 : vector<1x128xf32>
      %exp3A_954 = math.exp %neg3A_953 : vector<1x128xf32>
      %log1p3A_955 = math.log1p %exp3A_954 : vector<1x128xf32>
      %add3A_956 = arith.addf %max3A_948, %log1p3A_955 : vector<1x128xf32>
      %add3A_957 = vector.broadcast %get3A_835 : f32 to vector<1x128xf32>
      %add3A_958 = arith.addf %add3A_803, %add3A_957 : vector<1x128xf32>
      %max3A_959 = arith.maximumf %add3A_958, %add3A_792 : vector<1x128xf32>
      %sub3A_960 = arith.subf %add3A_958, %add3A_792 : vector<1x128xf32>
      %abs3A_961 = math.absf %sub3A_960 : vector<1x128xf32>
      %neg3A_962 = arith.constant 0.000000e+00 : f32
      %neg3A_963 = vector.broadcast %neg3A_962 : f32 to vector<1x128xf32>
      %neg3A_964 = arith.subf %neg3A_963, %abs3A_961 : vector<1x128xf32>
      %exp3A_965 = math.exp %neg3A_964 : vector<1x128xf32>
      %log1p3A_966 = math.log1p %exp3A_965 : vector<1x128xf32>
      %add3A_967 = arith.addf %max3A_959, %log1p3A_966 : vector<1x128xf32>
      %sub3A_968 = arith.subf %add3A_837, %add3A_846 : vector<1x128xf32>
      %min3A_969 = arith.constant 3.000000e+01 : f32
      %min3A_970 = vector.broadcast %min3A_969 : f32 to vector<1x128xf32>
      %min3A_971 = arith.minimumf %sub3A_968, %min3A_970 : vector<1x128xf32>
      %exp3A_972 = math.exp %min3A_971 : vector<1x128xf32>
      %add3A_973 = arith.constant 1 : i32
      %add3A_974 = arith.addi %add3A_833, %add3A_973 : i32
      %ge3A_975 = vector.broadcast %add3A_974 : i32 to vector<1x128xi32>
      %ge3A_976 = arith.cmpi sge, %iota3A, %ge3A_975 : vector<1x128xi32>
      %jit3A_977 = arith.constant 1.000000e+00 : f32
      %broadcast_in_dim3A_978 = vector.broadcast %jit3A_977 : f32 to vector<1x128xf32>
      %select_n3A_979 = arith.select %ge3A_976, %broadcast_in_dim3A_978, %exp3A_972 : vector<1x128xi1>, vector<1x128xf32>
      %eq3A_980 = arith.constant 0 : i32
      %eq3A_981 = vector.broadcast %eq3A_980 : i32 to vector<1x128xi32>
      %eq3A_982 = arith.cmpi eq, %iota3A, %eq3A_981 : vector<1x128xi32>
      %jit3A_983 = arith.constant 0.000000e+00 : f32
      %broadcast_in_dim3A_984 = vector.broadcast %jit3A_983 : f32 to vector<1x128xf32>
      %select_n3A_985 = arith.select %eq3A_982, %broadcast_in_dim3A_984, %select_n3A_979 : vector<1x128xi1>, vector<1x128xf32>
      %eq3A_986 = arith.constant 33 : i32
      %eq3A_987 = vector.broadcast %eq3A_986 : i32 to vector<1x128xi32>
      %eq3A_988 = arith.cmpi eq, %iota3A, %eq3A_987 : vector<1x128xi32>
      %broadcast_in_dim3A_989 = vector.broadcast %get3A_835 : f32 to vector<1x128xf32>
      %select_n3A_990 = arith.select %eq3A_988, %broadcast_in_dim3A_989, %select_n3A_985 : vector<1x128xi1>, vector<1x128xf32>
      %swap3A_991 = arith.constant 11 : index
      %swap3A_992 = arith.constant 0 : index
      %swap3A_993 = vector.load %arg3[%swap3A_991, %swap3A_992] : memref<16x128xf32, #tpu.memory_space<vmem>>, vector<1x128xf32>
      tpu.vector_store %arg3[%swap3A_991, %swap3A_992], %select_n3A_990 {strides = array<i32>} : memref<16x128xf32, #tpu.memory_space<vmem>>, vector<1x128xf32>,
      %mul3A_994 = arith.constant 16 : i32
      %mul3A_995 = arith.muli %scan3A_11, %mul3A_994 : i32
      %add3A_996 = arith.constant 5 : i32
      %add3A_997 = arith.addi %mul3A_995, %add3A_996 : i32
      %get3A_998 = arith.index_cast %add3A_997 : i32 to index
      %get3A_999 = memref.load %arg0[%get3A_998] : memref<4096xf32, #tpu.memory_space<smem>>
      %add3A_1000 = vector.broadcast %get3A_999 : f32 to vector<1x128xf32>
      %add3A_1001 = arith.addf %add3A_857, %add3A_1000 : vector<1x128xf32>
      %max3A_1002 = arith.maximumf %add3A_1001, %add3A_846 : vector<1x128xf32>
      %sub3A_1003 = arith.subf %add3A_1001, %add3A_846 : vector<1x128xf32>
      %abs3A_1004 = math.absf %sub3A_1003 : vector<1x128xf32>
      %neg3A_1005 = arith.constant 0.000000e+00 : f32
      %neg3A_1006 = vector.broadcast %neg3A_1005 : f32 to vector<1x128xf32>
      %neg3A_1007 = arith.subf %neg3A_1006, %abs3A_1004 : vector<1x128xf32>
      %exp3A_1008 = math.exp %neg3A_1007 : vector<1x128xf32>
      %log1p3A_1009 = math.log1p %exp3A_1008 : vector<1x128xf32>
      %add3A_1010 = arith.addf %max3A_1002, %log1p3A_1009 : vector<1x128xf32>
      %add3A_1011 = vector.broadcast %get3A_999 : f32 to vector<1x128xf32>
      %add3A_1012 = arith.addf %add3A_868, %add3A_1011 : vector<1x128xf32>
      %max3A_1013 = arith.maximumf %add3A_1012, %add3A_857 : vector<1x128xf32>
      %sub3A_1014 = arith.subf %add3A_1012, %add3A_857 : vector<1x128xf32>
      %abs3A_1015 = math.absf %sub3A_1014 : vector<1x128xf32>
      %neg3A_1016 = arith.constant 0.000000e+00 : f32
      %neg3A_1017 = vector.broadcast %neg3A_1016 : f32 to vector<1x128xf32>
      %neg3A_1018 = arith.subf %neg3A_1017, %abs3A_1015 : vector<1x128xf32>
      %exp3A_1019 = math.exp %neg3A_1018 : vector<1x128xf32>
      %log1p3A_1020 = math.log1p %exp3A_1019 : vector<1x128xf32>
      %add3A_1021 = arith.addf %max3A_1013, %log1p3A_1020 : vector<1x128xf32>
      %add3A_1022 = vector.broadcast %get3A_999 : f32 to vector<1x128xf32>
      %add3A_1023 = arith.addf %add3A_879, %add3A_1022 : vector<1x128xf32>
      %max3A_1024 = arith.maximumf %add3A_1023, %add3A_868 : vector<1x128xf32>
      %sub3A_1025 = arith.subf %add3A_1023, %add3A_868 : vector<1x128xf32>
      %abs3A_1026 = math.absf %sub3A_1025 : vector<1x128xf32>
      %neg3A_1027 = arith.constant 0.000000e+00 : f32
      %neg3A_1028 = vector.broadcast %neg3A_1027 : f32 to vector<1x128xf32>
      %neg3A_1029 = arith.subf %neg3A_1028, %abs3A_1026 : vector<1x128xf32>
      %exp3A_1030 = math.exp %neg3A_1029 : vector<1x128xf32>
      %log1p3A_1031 = math.log1p %exp3A_1030 : vector<1x128xf32>
      %add3A_1032 = arith.addf %max3A_1024, %log1p3A_1031 : vector<1x128xf32>
      %add3A_1033 = vector.broadcast %get3A_999 : f32 to vector<1x128xf32>
      %add3A_1034 = arith.addf %add3A_890, %add3A_1033 : vector<1x128xf32>
      %max3A_1035 = arith.maximumf %add3A_1034, %add3A_879 : vector<1x128xf32>
      %sub3A_1036 = arith.subf %add3A_1034, %add3A_879 : vector<1x128xf32>
      %abs3A_1037 = math.absf %sub3A_1036 : vector<1x128xf32>
      %neg3A_1038 = arith.constant 0.000000e+00 : f32
      %neg3A_1039 = vector.broadcast %neg3A_1038 : f32 to vector<1x128xf32>
      %neg3A_1040 = arith.subf %neg3A_1039, %abs3A_1037 : vector<1x128xf32>
      %exp3A_1041 = math.exp %neg3A_1040 : vector<1x128xf32>
      %log1p3A_1042 = math.log1p %exp3A_1041 : vector<1x128xf32>
      %add3A_1043 = arith.addf %max3A_1035, %log1p3A_1042 : vector<1x128xf32>
      %add3A_1044 = vector.broadcast %get3A_999 : f32 to vector<1x128xf32>
      %add3A_1045 = arith.addf %add3A_901, %add3A_1044 : vector<1x128xf32>
      %max3A_1046 = arith.maximumf %add3A_1045, %add3A_890 : vector<1x128xf32>
      %sub3A_1047 = arith.subf %add3A_1045, %add3A_890 : vector<1x128xf32>
      %abs3A_1048 = math.absf %sub3A_1047 : vector<1x128xf32>
      %neg3A_1049 = arith.constant 0.000000e+00 : f32
      %neg3A_1050 = vector.broadcast %neg3A_1049 : f32 to vector<1x128xf32>
      %neg3A_1051 = arith.subf %neg3A_1050, %abs3A_1048 : vector<1x128xf32>
      %exp3A_1052 = math.exp %neg3A_1051 : vector<1x128xf32>
      %log1p3A_1053 = math.log1p %exp3A_1052 : vector<1x128xf32>
      %add3A_1054 = arith.addf %max3A_1046, %log1p3A_1053 : vector<1x128xf32>
      %add3A_1055 = vector.broadcast %get3A_999 : f32 to vector<1x128xf32>
      %add3A_1056 = arith.addf %add3A_912, %add3A_1055 : vector<1x128xf32>
      %max3A_1057 = arith.maximumf %add3A_1056, %add3A_901 : vector<1x128xf32>
      %sub3A_1058 = arith.subf %add3A_1056, %add3A_901 : vector<1x128xf32>
      %abs3A_1059 = math.absf %sub3A_1058 : vector<1x128xf32>
      %neg3A_1060 = arith.constant 0.000000e+00 : f32
      %neg3A_1061 = vector.broadcast %neg3A_1060 : f32 to vector<1x128xf32>
      %neg3A_1062 = arith.subf %neg3A_1061, %abs3A_1059 : vector<1x128xf32>
      %exp3A_1063 = math.exp %neg3A_1062 : vector<1x128xf32>
      %log1p3A_1064 = math.log1p %exp3A_1063 : vector<1x128xf32>
      %add3A_1065 = arith.addf %max3A_1057, %log1p3A_1064 : vector<1x128xf32>
      %add3A_1066 = vector.broadcast %get3A_999 : f32 to vector<1x128xf32>
      %add3A_1067 = arith.addf %add3A_923, %add3A_1066 : vector<1x128xf32>
      %max3A_1068 = arith.maximumf %add3A_1067, %add3A_912 : vector<1x128xf32>
      %sub3A_1069 = arith.subf %add3A_1067, %add3A_912 : vector<1x128xf32>
      %abs3A_1070 = math.absf %sub3A_1069 : vector<1x128xf32>
      %neg3A_1071 = arith.constant 0.000000e+00 : f32
      %neg3A_1072 = vector.broadcast %neg3A_1071 : f32 to vector<1x128xf32>
      %neg3A_1073 = arith.subf %neg3A_1072, %abs3A_1070 : vector<1x128xf32>
      %exp3A_1074 = math.exp %neg3A_1073 : vector<1x128xf32>
      %log1p3A_1075 = math.log1p %exp3A_1074 : vector<1x128xf32>
      %add3A_1076 = arith.addf %max3A_1068, %log1p3A_1075 : vector<1x128xf32>
      %add3A_1077 = vector.broadcast %get3A_999 : f32 to vector<1x128xf32>
      %add3A_1078 = arith.addf %add3A_934, %add3A_1077 : vector<1x128xf32>
      %max3A_1079 = arith.maximumf %add3A_1078, %add3A_923 : vector<1x128xf32>
      %sub3A_1080 = arith.subf %add3A_1078, %add3A_923 : vector<1x128xf32>
      %abs3A_1081 = math.absf %sub3A_1080 : vector<1x128xf32>
      %neg3A_1082 = arith.constant 0.000000e+00 : f32
      %neg3A_1083 = vector.broadcast %neg3A_1082 : f32 to vector<1x128xf32>
      %neg3A_1084 = arith.subf %neg3A_1083, %abs3A_1081 : vector<1x128xf32>
      %exp3A_1085 = math.exp %neg3A_1084 : vector<1x128xf32>
      %log1p3A_1086 = math.log1p %exp3A_1085 : vector<1x128xf32>
      %add3A_1087 = arith.addf %max3A_1079, %log1p3A_1086 : vector<1x128xf32>
      %add3A_1088 = vector.broadcast %get3A_999 : f32 to vector<1x128xf32>
      %add3A_1089 = arith.addf %add3A_945, %add3A_1088 : vector<1x128xf32>
      %max3A_1090 = arith.maximumf %add3A_1089, %add3A_934 : vector<1x128xf32>
      %sub3A_1091 = arith.subf %add3A_1089, %add3A_934 : vector<1x128xf32>
      %abs3A_1092 = math.absf %sub3A_1091 : vector<1x128xf32>
      %neg3A_1093 = arith.constant 0.000000e+00 : f32
      %neg3A_1094 = vector.broadcast %neg3A_1093 : f32 to vector<1x128xf32>
      %neg3A_1095 = arith.subf %neg3A_1094, %abs3A_1092 : vector<1x128xf32>
      %exp3A_1096 = math.exp %neg3A_1095 : vector<1x128xf32>
      %log1p3A_1097 = math.log1p %exp3A_1096 : vector<1x128xf32>
      %add3A_1098 = arith.addf %max3A_1090, %log1p3A_1097 : vector<1x128xf32>
      %add3A_1099 = vector.broadcast %get3A_999 : f32 to vector<1x128xf32>
      %add3A_1100 = arith.addf %add3A_956, %add3A_1099 : vector<1x128xf32>
      %max3A_1101 = arith.maximumf %add3A_1100, %add3A_945 : vector<1x128xf32>
      %sub3A_1102 = arith.subf %add3A_1100, %add3A_945 : vector<1x128xf32>
      %abs3A_1103 = math.absf %sub3A_1102 : vector<1x128xf32>
      %neg3A_1104 = arith.constant 0.000000e+00 : f32
      %neg3A_1105 = vector.broadcast %neg3A_1104 : f32 to vector<1x128xf32>
      %neg3A_1106 = arith.subf %neg3A_1105, %abs3A_1103 : vector<1x128xf32>
      %exp3A_1107 = math.exp %neg3A_1106 : vector<1x128xf32>
      %log1p3A_1108 = math.log1p %exp3A_1107 : vector<1x128xf32>
      %add3A_1109 = arith.addf %max3A_1101, %log1p3A_1108 : vector<1x128xf32>
      %add3A_1110 = vector.broadcast %get3A_999 : f32 to vector<1x128xf32>
      %add3A_1111 = arith.addf %add3A_967, %add3A_1110 : vector<1x128xf32>
      %max3A_1112 = arith.maximumf %add3A_1111, %add3A_956 : vector<1x128xf32>
      %sub3A_1113 = arith.subf %add3A_1111, %add3A_956 : vector<1x128xf32>
      %abs3A_1114 = math.absf %sub3A_1113 : vector<1x128xf32>
      %neg3A_1115 = arith.constant 0.000000e+00 : f32
      %neg3A_1116 = vector.broadcast %neg3A_1115 : f32 to vector<1x128xf32>
      %neg3A_1117 = arith.subf %neg3A_1116, %abs3A_1114 : vector<1x128xf32>
      %exp3A_1118 = math.exp %neg3A_1117 : vector<1x128xf32>
      %log1p3A_1119 = math.log1p %exp3A_1118 : vector<1x128xf32>
      %add3A_1120 = arith.addf %max3A_1112, %log1p3A_1119 : vector<1x128xf32>
      %sub3A_1121 = arith.subf %add3A_1001, %add3A_1010 : vector<1x128xf32>
      %min3A_1122 = arith.constant 3.000000e+01 : f32
      %min3A_1123 = vector.broadcast %min3A_1122 : f32 to vector<1x128xf32>
      %min3A_1124 = arith.minimumf %sub3A_1121, %min3A_1123 : vector<1x128xf32>
      %exp3A_1125 = math.exp %min3A_1124 : vector<1x128xf32>
      %add3A_1126 = arith.constant 1 : i32
      %add3A_1127 = arith.addi %add3A_997, %add3A_1126 : i32
      %ge3A_1128 = vector.broadcast %add3A_1127 : i32 to vector<1x128xi32>
      %ge3A_1129 = arith.cmpi sge, %iota3A, %ge3A_1128 : vector<1x128xi32>
      %jit3A_1130 = arith.constant 1.000000e+00 : f32
      %broadcast_in_dim3A_1131 = vector.broadcast %jit3A_1130 : f32 to vector<1x128xf32>
      %select_n3A_1132 = arith.select %ge3A_1129, %broadcast_in_dim3A_1131, %exp3A_1125 : vector<1x128xi1>, vector<1x128xf32>
      %eq3A_1133 = arith.constant 0 : i32
      %eq3A_1134 = vector.broadcast %eq3A_1133 : i32 to vector<1x128xi32>
      %eq3A_1135 = arith.cmpi eq, %iota3A, %eq3A_1134 : vector<1x128xi32>
      %jit3A_1136 = arith.constant 0.000000e+00 : f32
      %broadcast_in_dim3A_1137 = vector.broadcast %jit3A_1136 : f32 to vector<1x128xf32>
      %select_n3A_1138 = arith.select %eq3A_1135, %broadcast_in_dim3A_1137, %select_n3A_1132 : vector<1x128xi1>, vector<1x128xf32>
      %eq3A_1139 = arith.constant 33 : i32
      %eq3A_1140 = vector.broadcast %eq3A_1139 : i32 to vector<1x128xi32>
      %eq3A_1141 = arith.cmpi eq, %iota3A, %eq3A_1140 : vector<1x128xi32>
      %broadcast_in_dim3A_1142 = vector.broadcast %get3A_999 : f32 to vector<1x128xf32>
      %select_n3A_1143 = arith.select %eq3A_1141, %broadcast_in_dim3A_1142, %select_n3A_1138 : vector<1x128xi1>, vector<1x128xf32>
      %swap3A_1144 = arith.constant 10 : index
      %swap3A_1145 = arith.constant 0 : index
      %swap3A_1146 = vector.load %arg3[%swap3A_1144, %swap3A_1145] : memref<16x128xf32, #tpu.memory_space<vmem>>, vector<1x128xf32>
      tpu.vector_store %arg3[%swap3A_1144, %swap3A_1145], %select_n3A_1143 {strides = array<i32>} : memref<16x128xf32, #tpu.memory_space<vmem>>, vector<1x128xf32>,
      %mul3A_1147 = arith.constant 16 : i32
      %mul3A_1148 = arith.muli %scan3A_11, %mul3A_1147 : i32
      %add3A_1149 = arith.constant 6 : i32
      %add3A_1150 = arith.addi %mul3A_1148, %add3A_1149 : i32
      %get3A_1151 = arith.index_cast %add3A_1150 : i32 to index
      %get3A_1152 = memref.load %arg0[%get3A_1151] : memref<4096xf32, #tpu.memory_space<smem>>
      %add3A_1153 = vector.broadcast %get3A_1152 : f32 to vector<1x128xf32>
      %add3A_1154 = arith.addf %add3A_1021, %add3A_1153 : vector<1x128xf32>
      %max3A_1155 = arith.maximumf %add3A_1154, %add3A_1010 : vector<1x128xf32>
      %sub3A_1156 = arith.subf %add3A_1154, %add3A_1010 : vector<1x128xf32>
      %abs3A_1157 = math.absf %sub3A_1156 : vector<1x128xf32>
      %neg3A_1158 = arith.constant 0.000000e+00 : f32
      %neg3A_1159 = vector.broadcast %neg3A_1158 : f32 to vector<1x128xf32>
      %neg3A_1160 = arith.subf %neg3A_1159, %abs3A_1157 : vector<1x128xf32>
      %exp3A_1161 = math.exp %neg3A_1160 : vector<1x128xf32>
      %log1p3A_1162 = math.log1p %exp3A_1161 : vector<1x128xf32>
      %add3A_1163 = arith.addf %max3A_1155, %log1p3A_1162 : vector<1x128xf32>
      %add3A_1164 = vector.broadcast %get3A_1152 : f32 to vector<1x128xf32>
      %add3A_1165 = arith.addf %add3A_1032, %add3A_1164 : vector<1x128xf32>
      %max3A_1166 = arith.maximumf %add3A_1165, %add3A_1021 : vector<1x128xf32>
      %sub3A_1167 = arith.subf %add3A_1165, %add3A_1021 : vector<1x128xf32>
      %abs3A_1168 = math.absf %sub3A_1167 : vector<1x128xf32>
      %neg3A_1169 = arith.constant 0.000000e+00 : f32
      %neg3A_1170 = vector.broadcast %neg3A_1169 : f32 to vector<1x128xf32>
      %neg3A_1171 = arith.subf %neg3A_1170, %abs3A_1168 : vector<1x128xf32>
      %exp3A_1172 = math.exp %neg3A_1171 : vector<1x128xf32>
      %log1p3A_1173 = math.log1p %exp3A_1172 : vector<1x128xf32>
      %add3A_1174 = arith.addf %max3A_1166, %log1p3A_1173 : vector<1x128xf32>
      %add3A_1175 = vector.broadcast %get3A_1152 : f32 to vector<1x128xf32>
      %add3A_1176 = arith.addf %add3A_1043, %add3A_1175 : vector<1x128xf32>
      %max3A_1177 = arith.maximumf %add3A_1176, %add3A_1032 : vector<1x128xf32>
      %sub3A_1178 = arith.subf %add3A_1176, %add3A_1032 : vector<1x128xf32>
      %abs3A_1179 = math.absf %sub3A_1178 : vector<1x128xf32>
      %neg3A_1180 = arith.constant 0.000000e+00 : f32
      %neg3A_1181 = vector.broadcast %neg3A_1180 : f32 to vector<1x128xf32>
      %neg3A_1182 = arith.subf %neg3A_1181, %abs3A_1179 : vector<1x128xf32>
      %exp3A_1183 = math.exp %neg3A_1182 : vector<1x128xf32>
      %log1p3A_1184 = math.log1p %exp3A_1183 : vector<1x128xf32>
      %add3A_1185 = arith.addf %max3A_1177, %log1p3A_1184 : vector<1x128xf32>
      %add3A_1186 = vector.broadcast %get3A_1152 : f32 to vector<1x128xf32>
      %add3A_1187 = arith.addf %add3A_1054, %add3A_1186 : vector<1x128xf32>
      %max3A_1188 = arith.maximumf %add3A_1187, %add3A_1043 : vector<1x128xf32>
      %sub3A_1189 = arith.subf %add3A_1187, %add3A_1043 : vector<1x128xf32>
      %abs3A_1190 = math.absf %sub3A_1189 : vector<1x128xf32>
      %neg3A_1191 = arith.constant 0.000000e+00 : f32
      %neg3A_1192 = vector.broadcast %neg3A_1191 : f32 to vector<1x128xf32>
      %neg3A_1193 = arith.subf %neg3A_1192, %abs3A_1190 : vector<1x128xf32>
      %exp3A_1194 = math.exp %neg3A_1193 : vector<1x128xf32>
      %log1p3A_1195 = math.log1p %exp3A_1194 : vector<1x128xf32>
      %add3A_1196 = arith.addf %max3A_1188, %log1p3A_1195 : vector<1x128xf32>
      %add3A_1197 = vector.broadcast %get3A_1152 : f32 to vector<1x128xf32>
      %add3A_1198 = arith.addf %add3A_1065, %add3A_1197 : vector<1x128xf32>
      %max3A_1199 = arith.maximumf %add3A_1198, %add3A_1054 : vector<1x128xf32>
      %sub3A_1200 = arith.subf %add3A_1198, %add3A_1054 : vector<1x128xf32>
      %abs3A_1201 = math.absf %sub3A_1200 : vector<1x128xf32>
      %neg3A_1202 = arith.constant 0.000000e+00 : f32
      %neg3A_1203 = vector.broadcast %neg3A_1202 : f32 to vector<1x128xf32>
      %neg3A_1204 = arith.subf %neg3A_1203, %abs3A_1201 : vector<1x128xf32>
      %exp3A_1205 = math.exp %neg3A_1204 : vector<1x128xf32>
      %log1p3A_1206 = math.log1p %exp3A_1205 : vector<1x128xf32>
      %add3A_1207 = arith.addf %max3A_1199, %log1p3A_1206 : vector<1x128xf32>
      %add3A_1208 = vector.broadcast %get3A_1152 : f32 to vector<1x128xf32>
      %add3A_1209 = arith.addf %add3A_1076, %add3A_1208 : vector<1x128xf32>
      %max3A_1210 = arith.maximumf %add3A_1209, %add3A_1065 : vector<1x128xf32>
      %sub3A_1211 = arith.subf %add3A_1209, %add3A_1065 : vector<1x128xf32>
      %abs3A_1212 = math.absf %sub3A_1211 : vector<1x128xf32>
      %neg3A_1213 = arith.constant 0.000000e+00 : f32
      %neg3A_1214 = vector.broadcast %neg3A_1213 : f32 to vector<1x128xf32>
      %neg3A_1215 = arith.subf %neg3A_1214, %abs3A_1212 : vector<1x128xf32>
      %exp3A_1216 = math.exp %neg3A_1215 : vector<1x128xf32>
      %log1p3A_1217 = math.log1p %exp3A_1216 : vector<1x128xf32>
      %add3A_1218 = arith.addf %max3A_1210, %log1p3A_1217 : vector<1x128xf32>
      %add3A_1219 = vector.broadcast %get3A_1152 : f32 to vector<1x128xf32>
      %add3A_1220 = arith.addf %add3A_1087, %add3A_1219 : vector<1x128xf32>
      %max3A_1221 = arith.maximumf %add3A_1220, %add3A_1076 : vector<1x128xf32>
      %sub3A_1222 = arith.subf %add3A_1220, %add3A_1076 : vector<1x128xf32>
      %abs3A_1223 = math.absf %sub3A_1222 : vector<1x128xf32>
      %neg3A_1224 = arith.constant 0.000000e+00 : f32
      %neg3A_1225 = vector.broadcast %neg3A_1224 : f32 to vector<1x128xf32>
      %neg3A_1226 = arith.subf %neg3A_1225, %abs3A_1223 : vector<1x128xf32>
      %exp3A_1227 = math.exp %neg3A_1226 : vector<1x128xf32>
      %log1p3A_1228 = math.log1p %exp3A_1227 : vector<1x128xf32>
      %add3A_1229 = arith.addf %max3A_1221, %log1p3A_1228 : vector<1x128xf32>
      %add3A_1230 = vector.broadcast %get3A_1152 : f32 to vector<1x128xf32>
      %add3A_1231 = arith.addf %add3A_1098, %add3A_1230 : vector<1x128xf32>
      %max3A_1232 = arith.maximumf %add3A_1231, %add3A_1087 : vector<1x128xf32>
      %sub3A_1233 = arith.subf %add3A_1231, %add3A_1087 : vector<1x128xf32>
      %abs3A_1234 = math.absf %sub3A_1233 : vector<1x128xf32>
      %neg3A_1235 = arith.constant 0.000000e+00 : f32
      %neg3A_1236 = vector.broadcast %neg3A_1235 : f32 to vector<1x128xf32>
      %neg3A_1237 = arith.subf %neg3A_1236, %abs3A_1234 : vector<1x128xf32>
      %exp3A_1238 = math.exp %neg3A_1237 : vector<1x128xf32>
      %log1p3A_1239 = math.log1p %exp3A_1238 : vector<1x128xf32>
      %add3A_1240 = arith.addf %max3A_1232, %log1p3A_1239 : vector<1x128xf32>
      %add3A_1241 = vector.broadcast %get3A_1152 : f32 to vector<1x128xf32>
      %add3A_1242 = arith.addf %add3A_1109, %add3A_1241 : vector<1x128xf32>
      %max3A_1243 = arith.maximumf %add3A_1242, %add3A_1098 : vector<1x128xf32>
      %sub3A_1244 = arith.subf %add3A_1242, %add3A_1098 : vector<1x128xf32>
      %abs3A_1245 = math.absf %sub3A_1244 : vector<1x128xf32>
      %neg3A_1246 = arith.constant 0.000000e+00 : f32
      %neg3A_1247 = vector.broadcast %neg3A_1246 : f32 to vector<1x128xf32>
      %neg3A_1248 = arith.subf %neg3A_1247, %abs3A_1245 : vector<1x128xf32>
      %exp3A_1249 = math.exp %neg3A_1248 : vector<1x128xf32>
      %log1p3A_1250 = math.log1p %exp3A_1249 : vector<1x128xf32>
      %add3A_1251 = arith.addf %max3A_1243, %log1p3A_1250 : vector<1x128xf32>
      %add3A_1252 = vector.broadcast %get3A_1152 : f32 to vector<1x128xf32>
      %add3A_1253 = arith.addf %add3A_1120, %add3A_1252 : vector<1x128xf32>
      %max3A_1254 = arith.maximumf %add3A_1253, %add3A_1109 : vector<1x128xf32>
      %sub3A_1255 = arith.subf %add3A_1253, %add3A_1109 : vector<1x128xf32>
      %abs3A_1256 = math.absf %sub3A_1255 : vector<1x128xf32>
      %neg3A_1257 = arith.constant 0.000000e+00 : f32
      %neg3A_1258 = vector.broadcast %neg3A_1257 : f32 to vector<1x128xf32>
      %neg3A_1259 = arith.subf %neg3A_1258, %abs3A_1256 : vector<1x128xf32>
      %exp3A_1260 = math.exp %neg3A_1259 : vector<1x128xf32>
      %log1p3A_1261 = math.log1p %exp3A_1260 : vector<1x128xf32>
      %add3A_1262 = arith.addf %max3A_1254, %log1p3A_1261 : vector<1x128xf32>
      %sub3A_1263 = arith.subf %add3A_1154, %add3A_1163 : vector<1x128xf32>
      %min3A_1264 = arith.constant 3.000000e+01 : f32
      %min3A_1265 = vector.broadcast %min3A_1264 : f32 to vector<1x128xf32>
      %min3A_1266 = arith.minimumf %sub3A_1263, %min3A_1265 : vector<1x128xf32>
      %exp3A_1267 = math.exp %min3A_1266 : vector<1x128xf32>
      %add3A_1268 = arith.constant 1 : i32
      %add3A_1269 = arith.addi %add3A_1150, %add3A_1268 : i32
      %ge3A_1270 = vector.broadcast %add3A_1269 : i32 to vector<1x128xi32>
      %ge3A_1271 = arith.cmpi sge, %iota3A, %ge3A_1270 : vector<1x128xi32>
      %jit3A_1272 = arith.constant 1.000000e+00 : f32
      %broadcast_in_dim3A_1273 = vector.broadcast %jit3A_1272 : f32 to vector<1x128xf32>
      %select_n3A_1274 = arith.select %ge3A_1271, %broadcast_in_dim3A_1273, %exp3A_1267 : vector<1x128xi1>, vector<1x128xf32>
      %eq3A_1275 = arith.constant 0 : i32
      %eq3A_1276 = vector.broadcast %eq3A_1275 : i32 to vector<1x128xi32>
      %eq3A_1277 = arith.cmpi eq, %iota3A, %eq3A_1276 : vector<1x128xi32>
      %jit3A_1278 = arith.constant 0.000000e+00 : f32
      %broadcast_in_dim3A_1279 = vector.broadcast %jit3A_1278 : f32 to vector<1x128xf32>
      %select_n3A_1280 = arith.select %eq3A_1277, %broadcast_in_dim3A_1279, %select_n3A_1274 : vector<1x128xi1>, vector<1x128xf32>
      %eq3A_1281 = arith.constant 33 : i32
      %eq3A_1282 = vector.broadcast %eq3A_1281 : i32 to vector<1x128xi32>
      %eq3A_1283 = arith.cmpi eq, %iota3A, %eq3A_1282 : vector<1x128xi32>
      %broadcast_in_dim3A_1284 = vector.broadcast %get3A_1152 : f32 to vector<1x128xf32>
      %select_n3A_1285 = arith.select %eq3A_1283, %broadcast_in_dim3A_1284, %select_n3A_1280 : vector<1x128xi1>, vector<1x128xf32>
      %swap3A_1286 = arith.constant 9 : index
      %swap3A_1287 = arith.constant 0 : index
      %swap3A_1288 = vector.load %arg3[%swap3A_1286, %swap3A_1287] : memref<16x128xf32, #tpu.memory_space<vmem>>, vector<1x128xf32>
      tpu.vector_store %arg3[%swap3A_1286, %swap3A_1287], %select_n3A_1285 {strides = array<i32>} : memref<16x128xf32, #tpu.memory_space<vmem>>, vector<1x128xf32>,
      %mul3A_1289 = arith.constant 16 : i32
      %mul3A_1290 = arith.muli %scan3A_11, %mul3A_1289 : i32
      %add3A_1291 = arith.constant 7 : i32
      %add3A_1292 = arith.addi %mul3A_1290, %add3A_1291 : i32
      %get3A_1293 = arith.index_cast %add3A_1292 : i32 to index
      %get3A_1294 = memref.load %arg0[%get3A_1293] : memref<4096xf32, #tpu.memory_space<smem>>
      %add3A_1295 = vector.broadcast %get3A_1294 : f32 to vector<1x128xf32>
      %add3A_1296 = arith.addf %add3A_1174, %add3A_1295 : vector<1x128xf32>
      %max3A_1297 = arith.maximumf %add3A_1296, %add3A_1163 : vector<1x128xf32>
      %sub3A_1298 = arith.subf %add3A_1296, %add3A_1163 : vector<1x128xf32>
      %abs3A_1299 = math.absf %sub3A_1298 : vector<1x128xf32>
      %neg3A_1300 = arith.constant 0.000000e+00 : f32
      %neg3A_1301 = vector.broadcast %neg3A_1300 : f32 to vector<1x128xf32>
      %neg3A_1302 = arith.subf %neg3A_1301, %abs3A_1299 : vector<1x128xf32>
      %exp3A_1303 = math.exp %neg3A_1302 : vector<1x128xf32>
      %log1p3A_1304 = math.log1p %exp3A_1303 : vector<1x128xf32>
      %add3A_1305 = arith.addf %max3A_1297, %log1p3A_1304 : vector<1x128xf32>
      %add3A_1306 = vector.broadcast %get3A_1294 : f32 to vector<1x128xf32>
      %add3A_1307 = arith.addf %add3A_1185, %add3A_1306 : vector<1x128xf32>
      %max3A_1308 = arith.maximumf %add3A_1307, %add3A_1174 : vector<1x128xf32>
      %sub3A_1309 = arith.subf %add3A_1307, %add3A_1174 : vector<1x128xf32>
      %abs3A_1310 = math.absf %sub3A_1309 : vector<1x128xf32>
      %neg3A_1311 = arith.constant 0.000000e+00 : f32
      %neg3A_1312 = vector.broadcast %neg3A_1311 : f32 to vector<1x128xf32>
      %neg3A_1313 = arith.subf %neg3A_1312, %abs3A_1310 : vector<1x128xf32>
      %exp3A_1314 = math.exp %neg3A_1313 : vector<1x128xf32>
      %log1p3A_1315 = math.log1p %exp3A_1314 : vector<1x128xf32>
      %add3A_1316 = arith.addf %max3A_1308, %log1p3A_1315 : vector<1x128xf32>
      %add3A_1317 = vector.broadcast %get3A_1294 : f32 to vector<1x128xf32>
      %add3A_1318 = arith.addf %add3A_1196, %add3A_1317 : vector<1x128xf32>
      %max3A_1319 = arith.maximumf %add3A_1318, %add3A_1185 : vector<1x128xf32>
      %sub3A_1320 = arith.subf %add3A_1318, %add3A_1185 : vector<1x128xf32>
      %abs3A_1321 = math.absf %sub3A_1320 : vector<1x128xf32>
      %neg3A_1322 = arith.constant 0.000000e+00 : f32
      %neg3A_1323 = vector.broadcast %neg3A_1322 : f32 to vector<1x128xf32>
      %neg3A_1324 = arith.subf %neg3A_1323, %abs3A_1321 : vector<1x128xf32>
      %exp3A_1325 = math.exp %neg3A_1324 : vector<1x128xf32>
      %log1p3A_1326 = math.log1p %exp3A_1325 : vector<1x128xf32>
      %add3A_1327 = arith.addf %max3A_1319, %log1p3A_1326 : vector<1x128xf32>
      %add3A_1328 = vector.broadcast %get3A_1294 : f32 to vector<1x128xf32>
      %add3A_1329 = arith.addf %add3A_1207, %add3A_1328 : vector<1x128xf32>
      %max3A_1330 = arith.maximumf %add3A_1329, %add3A_1196 : vector<1x128xf32>
      %sub3A_1331 = arith.subf %add3A_1329, %add3A_1196 : vector<1x128xf32>
      %abs3A_1332 = math.absf %sub3A_1331 : vector<1x128xf32>
      %neg3A_1333 = arith.constant 0.000000e+00 : f32
      %neg3A_1334 = vector.broadcast %neg3A_1333 : f32 to vector<1x128xf32>
      %neg3A_1335 = arith.subf %neg3A_1334, %abs3A_1332 : vector<1x128xf32>
      %exp3A_1336 = math.exp %neg3A_1335 : vector<1x128xf32>
      %log1p3A_1337 = math.log1p %exp3A_1336 : vector<1x128xf32>
      %add3A_1338 = arith.addf %max3A_1330, %log1p3A_1337 : vector<1x128xf32>
      %add3A_1339 = vector.broadcast %get3A_1294 : f32 to vector<1x128xf32>
      %add3A_1340 = arith.addf %add3A_1218, %add3A_1339 : vector<1x128xf32>
      %max3A_1341 = arith.maximumf %add3A_1340, %add3A_1207 : vector<1x128xf32>
      %sub3A_1342 = arith.subf %add3A_1340, %add3A_1207 : vector<1x128xf32>
      %abs3A_1343 = math.absf %sub3A_1342 : vector<1x128xf32>
      %neg3A_1344 = arith.constant 0.000000e+00 : f32
      %neg3A_1345 = vector.broadcast %neg3A_1344 : f32 to vector<1x128xf32>
      %neg3A_1346 = arith.subf %neg3A_1345, %abs3A_1343 : vector<1x128xf32>
      %exp3A_1347 = math.exp %neg3A_1346 : vector<1x128xf32>
      %log1p3A_1348 = math.log1p %exp3A_1347 : vector<1x128xf32>
      %add3A_1349 = arith.addf %max3A_1341, %log1p3A_1348 : vector<1x128xf32>
      %add3A_1350 = vector.broadcast %get3A_1294 : f32 to vector<1x128xf32>
      %add3A_1351 = arith.addf %add3A_1229, %add3A_1350 : vector<1x128xf32>
      %max3A_1352 = arith.maximumf %add3A_1351, %add3A_1218 : vector<1x128xf32>
      %sub3A_1353 = arith.subf %add3A_1351, %add3A_1218 : vector<1x128xf32>
      %abs3A_1354 = math.absf %sub3A_1353 : vector<1x128xf32>
      %neg3A_1355 = arith.constant 0.000000e+00 : f32
      %neg3A_1356 = vector.broadcast %neg3A_1355 : f32 to vector<1x128xf32>
      %neg3A_1357 = arith.subf %neg3A_1356, %abs3A_1354 : vector<1x128xf32>
      %exp3A_1358 = math.exp %neg3A_1357 : vector<1x128xf32>
      %log1p3A_1359 = math.log1p %exp3A_1358 : vector<1x128xf32>
      %add3A_1360 = arith.addf %max3A_1352, %log1p3A_1359 : vector<1x128xf32>
      %add3A_1361 = vector.broadcast %get3A_1294 : f32 to vector<1x128xf32>
      %add3A_1362 = arith.addf %add3A_1240, %add3A_1361 : vector<1x128xf32>
      %max3A_1363 = arith.maximumf %add3A_1362, %add3A_1229 : vector<1x128xf32>
      %sub3A_1364 = arith.subf %add3A_1362, %add3A_1229 : vector<1x128xf32>
      %abs3A_1365 = math.absf %sub3A_1364 : vector<1x128xf32>
      %neg3A_1366 = arith.constant 0.000000e+00 : f32
      %neg3A_1367 = vector.broadcast %neg3A_1366 : f32 to vector<1x128xf32>
      %neg3A_1368 = arith.subf %neg3A_1367, %abs3A_1365 : vector<1x128xf32>
      %exp3A_1369 = math.exp %neg3A_1368 : vector<1x128xf32>
      %log1p3A_1370 = math.log1p %exp3A_1369 : vector<1x128xf32>
      %add3A_1371 = arith.addf %max3A_1363, %log1p3A_1370 : vector<1x128xf32>
      %add3A_1372 = vector.broadcast %get3A_1294 : f32 to vector<1x128xf32>
      %add3A_1373 = arith.addf %add3A_1251, %add3A_1372 : vector<1x128xf32>
      %max3A_1374 = arith.maximumf %add3A_1373, %add3A_1240 : vector<1x128xf32>
      %sub3A_1375 = arith.subf %add3A_1373, %add3A_1240 : vector<1x128xf32>
      %abs3A_1376 = math.absf %sub3A_1375 : vector<1x128xf32>
      %neg3A_1377 = arith.constant 0.000000e+00 : f32
      %neg3A_1378 = vector.broadcast %neg3A_1377 : f32 to vector<1x128xf32>
      %neg3A_1379 = arith.subf %neg3A_1378, %abs3A_1376 : vector<1x128xf32>
      %exp3A_1380 = math.exp %neg3A_1379 : vector<1x128xf32>
      %log1p3A_1381 = math.log1p %exp3A_1380 : vector<1x128xf32>
      %add3A_1382 = arith.addf %max3A_1374, %log1p3A_1381 : vector<1x128xf32>
      %add3A_1383 = vector.broadcast %get3A_1294 : f32 to vector<1x128xf32>
      %add3A_1384 = arith.addf %add3A_1262, %add3A_1383 : vector<1x128xf32>
      %max3A_1385 = arith.maximumf %add3A_1384, %add3A_1251 : vector<1x128xf32>
      %sub3A_1386 = arith.subf %add3A_1384, %add3A_1251 : vector<1x128xf32>
      %abs3A_1387 = math.absf %sub3A_1386 : vector<1x128xf32>
      %neg3A_1388 = arith.constant 0.000000e+00 : f32
      %neg3A_1389 = vector.broadcast %neg3A_1388 : f32 to vector<1x128xf32>
      %neg3A_1390 = arith.subf %neg3A_1389, %abs3A_1387 : vector<1x128xf32>
      %exp3A_1391 = math.exp %neg3A_1390 : vector<1x128xf32>
      %log1p3A_1392 = math.log1p %exp3A_1391 : vector<1x128xf32>
      %add3A_1393 = arith.addf %max3A_1385, %log1p3A_1392 : vector<1x128xf32>
      %sub3A_1394 = arith.subf %add3A_1296, %add3A_1305 : vector<1x128xf32>
      %min3A_1395 = arith.constant 3.000000e+01 : f32
      %min3A_1396 = vector.broadcast %min3A_1395 : f32 to vector<1x128xf32>
      %min3A_1397 = arith.minimumf %sub3A_1394, %min3A_1396 : vector<1x128xf32>
      %exp3A_1398 = math.exp %min3A_1397 : vector<1x128xf32>
      %add3A_1399 = arith.constant 1 : i32
      %add3A_1400 = arith.addi %add3A_1292, %add3A_1399 : i32
      %ge3A_1401 = vector.broadcast %add3A_1400 : i32 to vector<1x128xi32>
      %ge3A_1402 = arith.cmpi sge, %iota3A, %ge3A_1401 : vector<1x128xi32>
      %jit3A_1403 = arith.constant 1.000000e+00 : f32
      %broadcast_in_dim3A_1404 = vector.broadcast %jit3A_1403 : f32 to vector<1x128xf32>
      %select_n3A_1405 = arith.select %ge3A_1402, %broadcast_in_dim3A_1404, %exp3A_1398 : vector<1x128xi1>, vector<1x128xf32>
      %eq3A_1406 = arith.constant 0 : i32
      %eq3A_1407 = vector.broadcast %eq3A_1406 : i32 to vector<1x128xi32>
      %eq3A_1408 = arith.cmpi eq, %iota3A, %eq3A_1407 : vector<1x128xi32>
      %jit3A_1409 = arith.constant 0.000000e+00 : f32
      %broadcast_in_dim3A_1410 = vector.broadcast %jit3A_1409 : f32 to vector<1x128xf32>
      %select_n3A_1411 = arith.select %eq3A_1408, %broadcast_in_dim3A_1410, %select_n3A_1405 : vector<1x128xi1>, vector<1x128xf32>
      %eq3A_1412 = arith.constant 33 : i32
      %eq3A_1413 = vector.broadcast %eq3A_1412 : i32 to vector<1x128xi32>
      %eq3A_1414 = arith.cmpi eq, %iota3A, %eq3A_1413 : vector<1x128xi32>
      %broadcast_in_dim3A_1415 = vector.broadcast %get3A_1294 : f32 to vector<1x128xf32>
      %select_n3A_1416 = arith.select %eq3A_1414, %broadcast_in_dim3A_1415, %select_n3A_1411 : vector<1x128xi1>, vector<1x128xf32>
      %swap3A_1417 = arith.constant 8 : index
      %swap3A_1418 = arith.constant 0 : index
      %swap3A_1419 = vector.load %arg3[%swap3A_1417, %swap3A_1418] : memref<16x128xf32, #tpu.memory_space<vmem>>, vector<1x128xf32>
      tpu.vector_store %arg3[%swap3A_1417, %swap3A_1418], %select_n3A_1416 {strides = array<i32>} : memref<16x128xf32, #tpu.memory_space<vmem>>, vector<1x128xf32>,
      %mul3A_1420 = arith.constant 16 : i32
      %mul3A_1421 = arith.muli %scan3A_11, %mul3A_1420 : i32
      %add3A_1422 = arith.constant 8 : i32
      %add3A_1423 = arith.addi %mul3A_1421, %add3A_1422 : i32
      %get3A_1424 = arith.index_cast %add3A_1423 : i32 to index
      %get3A_1425 = memref.load %arg0[%get3A_1424] : memref<4096xf32, #tpu.memory_space<smem>>
      %add3A_1426 = vector.broadcast %get3A_1425 : f32 to vector<1x128xf32>
      %add3A_1427 = arith.addf %add3A_1316, %add3A_1426 : vector<1x128xf32>
      %max3A_1428 = arith.maximumf %add3A_1427, %add3A_1305 : vector<1x128xf32>
      %sub3A_1429 = arith.subf %add3A_1427, %add3A_1305 : vector<1x128xf32>
      %abs3A_1430 = math.absf %sub3A_1429 : vector<1x128xf32>
      %neg3A_1431 = arith.constant 0.000000e+00 : f32
      %neg3A_1432 = vector.broadcast %neg3A_1431 : f32 to vector<1x128xf32>
      %neg3A_1433 = arith.subf %neg3A_1432, %abs3A_1430 : vector<1x128xf32>
      %exp3A_1434 = math.exp %neg3A_1433 : vector<1x128xf32>
      %log1p3A_1435 = math.log1p %exp3A_1434 : vector<1x128xf32>
      %add3A_1436 = arith.addf %max3A_1428, %log1p3A_1435 : vector<1x128xf32>
      %add3A_1437 = vector.broadcast %get3A_1425 : f32 to vector<1x128xf32>
      %add3A_1438 = arith.addf %add3A_1327, %add3A_1437 : vector<1x128xf32>
      %max3A_1439 = arith.maximumf %add3A_1438, %add3A_1316 : vector<1x128xf32>
      %sub3A_1440 = arith.subf %add3A_1438, %add3A_1316 : vector<1x128xf32>
      %abs3A_1441 = math.absf %sub3A_1440 : vector<1x128xf32>
      %neg3A_1442 = arith.constant 0.000000e+00 : f32
      %neg3A_1443 = vector.broadcast %neg3A_1442 : f32 to vector<1x128xf32>
      %neg3A_1444 = arith.subf %neg3A_1443, %abs3A_1441 : vector<1x128xf32>
      %exp3A_1445 = math.exp %neg3A_1444 : vector<1x128xf32>
      %log1p3A_1446 = math.log1p %exp3A_1445 : vector<1x128xf32>
      %add3A_1447 = arith.addf %max3A_1439, %log1p3A_1446 : vector<1x128xf32>
      %add3A_1448 = vector.broadcast %get3A_1425 : f32 to vector<1x128xf32>
      %add3A_1449 = arith.addf %add3A_1338, %add3A_1448 : vector<1x128xf32>
      %max3A_1450 = arith.maximumf %add3A_1449, %add3A_1327 : vector<1x128xf32>
      %sub3A_1451 = arith.subf %add3A_1449, %add3A_1327 : vector<1x128xf32>
      %abs3A_1452 = math.absf %sub3A_1451 : vector<1x128xf32>
      %neg3A_1453 = arith.constant 0.000000e+00 : f32
      %neg3A_1454 = vector.broadcast %neg3A_1453 : f32 to vector<1x128xf32>
      %neg3A_1455 = arith.subf %neg3A_1454, %abs3A_1452 : vector<1x128xf32>
      %exp3A_1456 = math.exp %neg3A_1455 : vector<1x128xf32>
      %log1p3A_1457 = math.log1p %exp3A_1456 : vector<1x128xf32>
      %add3A_1458 = arith.addf %max3A_1450, %log1p3A_1457 : vector<1x128xf32>
      %add3A_1459 = vector.broadcast %get3A_1425 : f32 to vector<1x128xf32>
      %add3A_1460 = arith.addf %add3A_1349, %add3A_1459 : vector<1x128xf32>
      %max3A_1461 = arith.maximumf %add3A_1460, %add3A_1338 : vector<1x128xf32>
      %sub3A_1462 = arith.subf %add3A_1460, %add3A_1338 : vector<1x128xf32>
      %abs3A_1463 = math.absf %sub3A_1462 : vector<1x128xf32>
      %neg3A_1464 = arith.constant 0.000000e+00 : f32
      %neg3A_1465 = vector.broadcast %neg3A_1464 : f32 to vector<1x128xf32>
      %neg3A_1466 = arith.subf %neg3A_1465, %abs3A_1463 : vector<1x128xf32>
      %exp3A_1467 = math.exp %neg3A_1466 : vector<1x128xf32>
      %log1p3A_1468 = math.log1p %exp3A_1467 : vector<1x128xf32>
      %add3A_1469 = arith.addf %max3A_1461, %log1p3A_1468 : vector<1x128xf32>
      %add3A_1470 = vector.broadcast %get3A_1425 : f32 to vector<1x128xf32>
      %add3A_1471 = arith.addf %add3A_1360, %add3A_1470 : vector<1x128xf32>
      %max3A_1472 = arith.maximumf %add3A_1471, %add3A_1349 : vector<1x128xf32>
      %sub3A_1473 = arith.subf %add3A_1471, %add3A_1349 : vector<1x128xf32>
      %abs3A_1474 = math.absf %sub3A_1473 : vector<1x128xf32>
      %neg3A_1475 = arith.constant 0.000000e+00 : f32
      %neg3A_1476 = vector.broadcast %neg3A_1475 : f32 to vector<1x128xf32>
      %neg3A_1477 = arith.subf %neg3A_1476, %abs3A_1474 : vector<1x128xf32>
      %exp3A_1478 = math.exp %neg3A_1477 : vector<1x128xf32>
      %log1p3A_1479 = math.log1p %exp3A_1478 : vector<1x128xf32>
      %add3A_1480 = arith.addf %max3A_1472, %log1p3A_1479 : vector<1x128xf32>
      %add3A_1481 = vector.broadcast %get3A_1425 : f32 to vector<1x128xf32>
      %add3A_1482 = arith.addf %add3A_1371, %add3A_1481 : vector<1x128xf32>
      %max3A_1483 = arith.maximumf %add3A_1482, %add3A_1360 : vector<1x128xf32>
      %sub3A_1484 = arith.subf %add3A_1482, %add3A_1360 : vector<1x128xf32>
      %abs3A_1485 = math.absf %sub3A_1484 : vector<1x128xf32>
      %neg3A_1486 = arith.constant 0.000000e+00 : f32
      %neg3A_1487 = vector.broadcast %neg3A_1486 : f32 to vector<1x128xf32>
      %neg3A_1488 = arith.subf %neg3A_1487, %abs3A_1485 : vector<1x128xf32>
      %exp3A_1489 = math.exp %neg3A_1488 : vector<1x128xf32>
      %log1p3A_1490 = math.log1p %exp3A_1489 : vector<1x128xf32>
      %add3A_1491 = arith.addf %max3A_1483, %log1p3A_1490 : vector<1x128xf32>
      %add3A_1492 = vector.broadcast %get3A_1425 : f32 to vector<1x128xf32>
      %add3A_1493 = arith.addf %add3A_1382, %add3A_1492 : vector<1x128xf32>
      %max3A_1494 = arith.maximumf %add3A_1493, %add3A_1371 : vector<1x128xf32>
      %sub3A_1495 = arith.subf %add3A_1493, %add3A_1371 : vector<1x128xf32>
      %abs3A_1496 = math.absf %sub3A_1495 : vector<1x128xf32>
      %neg3A_1497 = arith.constant 0.000000e+00 : f32
      %neg3A_1498 = vector.broadcast %neg3A_1497 : f32 to vector<1x128xf32>
      %neg3A_1499 = arith.subf %neg3A_1498, %abs3A_1496 : vector<1x128xf32>
      %exp3A_1500 = math.exp %neg3A_1499 : vector<1x128xf32>
      %log1p3A_1501 = math.log1p %exp3A_1500 : vector<1x128xf32>
      %add3A_1502 = arith.addf %max3A_1494, %log1p3A_1501 : vector<1x128xf32>
      %add3A_1503 = vector.broadcast %get3A_1425 : f32 to vector<1x128xf32>
      %add3A_1504 = arith.addf %add3A_1393, %add3A_1503 : vector<1x128xf32>
      %max3A_1505 = arith.maximumf %add3A_1504, %add3A_1382 : vector<1x128xf32>
      %sub3A_1506 = arith.subf %add3A_1504, %add3A_1382 : vector<1x128xf32>
      %abs3A_1507 = math.absf %sub3A_1506 : vector<1x128xf32>
      %neg3A_1508 = arith.constant 0.000000e+00 : f32
      %neg3A_1509 = vector.broadcast %neg3A_1508 : f32 to vector<1x128xf32>
      %neg3A_1510 = arith.subf %neg3A_1509, %abs3A_1507 : vector<1x128xf32>
      %exp3A_1511 = math.exp %neg3A_1510 : vector<1x128xf32>
      %log1p3A_1512 = math.log1p %exp3A_1511 : vector<1x128xf32>
      %add3A_1513 = arith.addf %max3A_1505, %log1p3A_1512 : vector<1x128xf32>
      %sub3A_1514 = arith.subf %add3A_1427, %add3A_1436 : vector<1x128xf32>
      %min3A_1515 = arith.constant 3.000000e+01 : f32
      %min3A_1516 = vector.broadcast %min3A_1515 : f32 to vector<1x128xf32>
      %min3A_1517 = arith.minimumf %sub3A_1514, %min3A_1516 : vector<1x128xf32>
      %exp3A_1518 = math.exp %min3A_1517 : vector<1x128xf32>
      %add3A_1519 = arith.constant 1 : i32
      %add3A_1520 = arith.addi %add3A_1423, %add3A_1519 : i32
      %ge3A_1521 = vector.broadcast %add3A_1520 : i32 to vector<1x128xi32>
      %ge3A_1522 = arith.cmpi sge, %iota3A, %ge3A_1521 : vector<1x128xi32>
      %jit3A_1523 = arith.constant 1.000000e+00 : f32
      %broadcast_in_dim3A_1524 = vector.broadcast %jit3A_1523 : f32 to vector<1x128xf32>
      %select_n3A_1525 = arith.select %ge3A_1522, %broadcast_in_dim3A_1524, %exp3A_1518 : vector<1x128xi1>, vector<1x128xf32>
      %eq3A_1526 = arith.constant 0 : i32
      %eq3A_1527 = vector.broadcast %eq3A_1526 : i32 to vector<1x128xi32>
      %eq3A_1528 = arith.cmpi eq, %iota3A, %eq3A_1527 : vector<1x128xi32>
      %jit3A_1529 = arith.constant 0.000000e+00 : f32
      %broadcast_in_dim3A_1530 = vector.broadcast %jit3A_1529 : f32 to vector<1x128xf32>
      %select_n3A_1531 = arith.select %eq3A_1528, %broadcast_in_dim3A_1530, %select_n3A_1525 : vector<1x128xi1>, vector<1x128xf32>
      %eq3A_1532 = arith.constant 33 : i32
      %eq3A_1533 = vector.broadcast %eq3A_1532 : i32 to vector<1x128xi32>
      %eq3A_1534 = arith.cmpi eq, %iota3A, %eq3A_1533 : vector<1x128xi32>
      %broadcast_in_dim3A_1535 = vector.broadcast %get3A_1425 : f32 to vector<1x128xf32>
      %select_n3A_1536 = arith.select %eq3A_1534, %broadcast_in_dim3A_1535, %select_n3A_1531 : vector<1x128xi1>, vector<1x128xf32>
      %swap3A_1537 = arith.constant 7 : index
      %swap3A_1538 = arith.constant 0 : index
      %swap3A_1539 = vector.load %arg3[%swap3A_1537, %swap3A_1538] : memref<16x128xf32, #tpu.memory_space<vmem>>, vector<1x128xf32>
      tpu.vector_store %arg3[%swap3A_1537, %swap3A_1538], %select_n3A_1536 {strides = array<i32>} : memref<16x128xf32, #tpu.memory_space<vmem>>, vector<1x128xf32>,
      %mul3A_1540 = arith.constant 16 : i32
      %mul3A_1541 = arith.muli %scan3A_11, %mul3A_1540 : i32
      %add3A_1542 = arith.constant 9 : i32
      %add3A_1543 = arith.addi %mul3A_1541, %add3A_1542 : i32
      %get3A_1544 = arith.index_cast %add3A_1543 : i32 to index
      %get3A_1545 = memref.load %arg0[%get3A_1544] : memref<4096xf32, #tpu.memory_space<smem>>
      %add3A_1546 = vector.broadcast %get3A_1545 : f32 to vector<1x128xf32>
      %add3A_1547 = arith.addf %add3A_1447, %add3A_1546 : vector<1x128xf32>
      %max3A_1548 = arith.maximumf %add3A_1547, %add3A_1436 : vector<1x128xf32>
      %sub3A_1549 = arith.subf %add3A_1547, %add3A_1436 : vector<1x128xf32>
      %abs3A_1550 = math.absf %sub3A_1549 : vector<1x128xf32>
      %neg3A_1551 = arith.constant 0.000000e+00 : f32
      %neg3A_1552 = vector.broadcast %neg3A_1551 : f32 to vector<1x128xf32>
      %neg3A_1553 = arith.subf %neg3A_1552, %abs3A_1550 : vector<1x128xf32>
      %exp3A_1554 = math.exp %neg3A_1553 : vector<1x128xf32>
      %log1p3A_1555 = math.log1p %exp3A_1554 : vector<1x128xf32>
      %add3A_1556 = arith.addf %max3A_1548, %log1p3A_1555 : vector<1x128xf32>
      %add3A_1557 = vector.broadcast %get3A_1545 : f32 to vector<1x128xf32>
      %add3A_1558 = arith.addf %add3A_1458, %add3A_1557 : vector<1x128xf32>
      %max3A_1559 = arith.maximumf %add3A_1558, %add3A_1447 : vector<1x128xf32>
      %sub3A_1560 = arith.subf %add3A_1558, %add3A_1447 : vector<1x128xf32>
      %abs3A_1561 = math.absf %sub3A_1560 : vector<1x128xf32>
      %neg3A_1562 = arith.constant 0.000000e+00 : f32
      %neg3A_1563 = vector.broadcast %neg3A_1562 : f32 to vector<1x128xf32>
      %neg3A_1564 = arith.subf %neg3A_1563, %abs3A_1561 : vector<1x128xf32>
      %exp3A_1565 = math.exp %neg3A_1564 : vector<1x128xf32>
      %log1p3A_1566 = math.log1p %exp3A_1565 : vector<1x128xf32>
      %add3A_1567 = arith.addf %max3A_1559, %log1p3A_1566 : vector<1x128xf32>
      %add3A_1568 = vector.broadcast %get3A_1545 : f32 to vector<1x128xf32>
      %add3A_1569 = arith.addf %add3A_1469, %add3A_1568 : vector<1x128xf32>
      %max3A_1570 = arith.maximumf %add3A_1569, %add3A_1458 : vector<1x128xf32>
      %sub3A_1571 = arith.subf %add3A_1569, %add3A_1458 : vector<1x128xf32>
      %abs3A_1572 = math.absf %sub3A_1571 : vector<1x128xf32>
      %neg3A_1573 = arith.constant 0.000000e+00 : f32
      %neg3A_1574 = vector.broadcast %neg3A_1573 : f32 to vector<1x128xf32>
      %neg3A_1575 = arith.subf %neg3A_1574, %abs3A_1572 : vector<1x128xf32>
      %exp3A_1576 = math.exp %neg3A_1575 : vector<1x128xf32>
      %log1p3A_1577 = math.log1p %exp3A_1576 : vector<1x128xf32>
      %add3A_1578 = arith.addf %max3A_1570, %log1p3A_1577 : vector<1x128xf32>
      %add3A_1579 = vector.broadcast %get3A_1545 : f32 to vector<1x128xf32>
      %add3A_1580 = arith.addf %add3A_1480, %add3A_1579 : vector<1x128xf32>
      %max3A_1581 = arith.maximumf %add3A_1580, %add3A_1469 : vector<1x128xf32>
      %sub3A_1582 = arith.subf %add3A_1580, %add3A_1469 : vector<1x128xf32>
      %abs3A_1583 = math.absf %sub3A_1582 : vector<1x128xf32>
      %neg3A_1584 = arith.constant 0.000000e+00 : f32
      %neg3A_1585 = vector.broadcast %neg3A_1584 : f32 to vector<1x128xf32>
      %neg3A_1586 = arith.subf %neg3A_1585, %abs3A_1583 : vector<1x128xf32>
      %exp3A_1587 = math.exp %neg3A_1586 : vector<1x128xf32>
      %log1p3A_1588 = math.log1p %exp3A_1587 : vector<1x128xf32>
      %add3A_1589 = arith.addf %max3A_1581, %log1p3A_1588 : vector<1x128xf32>
      %add3A_1590 = vector.broadcast %get3A_1545 : f32 to vector<1x128xf32>
      %add3A_1591 = arith.addf %add3A_1491, %add3A_1590 : vector<1x128xf32>
      %max3A_1592 = arith.maximumf %add3A_1591, %add3A_1480 : vector<1x128xf32>
      %sub3A_1593 = arith.subf %add3A_1591, %add3A_1480 : vector<1x128xf32>
      %abs3A_1594 = math.absf %sub3A_1593 : vector<1x128xf32>
      %neg3A_1595 = arith.constant 0.000000e+00 : f32
      %neg3A_1596 = vector.broadcast %neg3A_1595 : f32 to vector<1x128xf32>
      %neg3A_1597 = arith.subf %neg3A_1596, %abs3A_1594 : vector<1x128xf32>
      %exp3A_1598 = math.exp %neg3A_1597 : vector<1x128xf32>
      %log1p3A_1599 = math.log1p %exp3A_1598 : vector<1x128xf32>
      %add3A_1600 = arith.addf %max3A_1592, %log1p3A_1599 : vector<1x128xf32>
      %add3A_1601 = vector.broadcast %get3A_1545 : f32 to vector<1x128xf32>
      %add3A_1602 = arith.addf %add3A_1502, %add3A_1601 : vector<1x128xf32>
      %max3A_1603 = arith.maximumf %add3A_1602, %add3A_1491 : vector<1x128xf32>
      %sub3A_1604 = arith.subf %add3A_1602, %add3A_1491 : vector<1x128xf32>
      %abs3A_1605 = math.absf %sub3A_1604 : vector<1x128xf32>
      %neg3A_1606 = arith.constant 0.000000e+00 : f32
      %neg3A_1607 = vector.broadcast %neg3A_1606 : f32 to vector<1x128xf32>
      %neg3A_1608 = arith.subf %neg3A_1607, %abs3A_1605 : vector<1x128xf32>
      %exp3A_1609 = math.exp %neg3A_1608 : vector<1x128xf32>
      %log1p3A_1610 = math.log1p %exp3A_1609 : vector<1x128xf32>
      %add3A_1611 = arith.addf %max3A_1603, %log1p3A_1610 : vector<1x128xf32>
      %add3A_1612 = vector.broadcast %get3A_1545 : f32 to vector<1x128xf32>
      %add3A_1613 = arith.addf %add3A_1513, %add3A_1612 : vector<1x128xf32>
      %max3A_1614 = arith.maximumf %add3A_1613, %add3A_1502 : vector<1x128xf32>
      %sub3A_1615 = arith.subf %add3A_1613, %add3A_1502 : vector<1x128xf32>
      %abs3A_1616 = math.absf %sub3A_1615 : vector<1x128xf32>
      %neg3A_1617 = arith.constant 0.000000e+00 : f32
      %neg3A_1618 = vector.broadcast %neg3A_1617 : f32 to vector<1x128xf32>
      %neg3A_1619 = arith.subf %neg3A_1618, %abs3A_1616 : vector<1x128xf32>
      %exp3A_1620 = math.exp %neg3A_1619 : vector<1x128xf32>
      %log1p3A_1621 = math.log1p %exp3A_1620 : vector<1x128xf32>
      %add3A_1622 = arith.addf %max3A_1614, %log1p3A_1621 : vector<1x128xf32>
      %sub3A_1623 = arith.subf %add3A_1547, %add3A_1556 : vector<1x128xf32>
      %min3A_1624 = arith.constant 3.000000e+01 : f32
      %min3A_1625 = vector.broadcast %min3A_1624 : f32 to vector<1x128xf32>
      %min3A_1626 = arith.minimumf %sub3A_1623, %min3A_1625 : vector<1x128xf32>
      %exp3A_1627 = math.exp %min3A_1626 : vector<1x128xf32>
      %add3A_1628 = arith.constant 1 : i32
      %add3A_1629 = arith.addi %add3A_1543, %add3A_1628 : i32
      %ge3A_1630 = vector.broadcast %add3A_1629 : i32 to vector<1x128xi32>
      %ge3A_1631 = arith.cmpi sge, %iota3A, %ge3A_1630 : vector<1x128xi32>
      %jit3A_1632 = arith.constant 1.000000e+00 : f32
      %broadcast_in_dim3A_1633 = vector.broadcast %jit3A_1632 : f32 to vector<1x128xf32>
      %select_n3A_1634 = arith.select %ge3A_1631, %broadcast_in_dim3A_1633, %exp3A_1627 : vector<1x128xi1>, vector<1x128xf32>
      %eq3A_1635 = arith.constant 0 : i32
      %eq3A_1636 = vector.broadcast %eq3A_1635 : i32 to vector<1x128xi32>
      %eq3A_1637 = arith.cmpi eq, %iota3A, %eq3A_1636 : vector<1x128xi32>
      %jit3A_1638 = arith.constant 0.000000e+00 : f32
      %broadcast_in_dim3A_1639 = vector.broadcast %jit3A_1638 : f32 to vector<1x128xf32>
      %select_n3A_1640 = arith.select %eq3A_1637, %broadcast_in_dim3A_1639, %select_n3A_1634 : vector<1x128xi1>, vector<1x128xf32>
      %eq3A_1641 = arith.constant 33 : i32
      %eq3A_1642 = vector.broadcast %eq3A_1641 : i32 to vector<1x128xi32>
      %eq3A_1643 = arith.cmpi eq, %iota3A, %eq3A_1642 : vector<1x128xi32>
      %broadcast_in_dim3A_1644 = vector.broadcast %get3A_1545 : f32 to vector<1x128xf32>
      %select_n3A_1645 = arith.select %eq3A_1643, %broadcast_in_dim3A_1644, %select_n3A_1640 : vector<1x128xi1>, vector<1x128xf32>
      %swap3A_1646 = arith.constant 6 : index
      %swap3A_1647 = arith.constant 0 : index
      %swap3A_1648 = vector.load %arg3[%swap3A_1646, %swap3A_1647] : memref<16x128xf32, #tpu.memory_space<vmem>>, vector<1x128xf32>
      tpu.vector_store %arg3[%swap3A_1646, %swap3A_1647], %select_n3A_1645 {strides = array<i32>} : memref<16x128xf32, #tpu.memory_space<vmem>>, vector<1x128xf32>,
      %mul3A_1649 = arith.constant 16 : i32
      %mul3A_1650 = arith.muli %scan3A_11, %mul3A_1649 : i32
      %add3A_1651 = arith.constant 10 : i32
      %add3A_1652 = arith.addi %mul3A_1650, %add3A_1651 : i32
      %get3A_1653 = arith.index_cast %add3A_1652 : i32 to index
      %get3A_1654 = memref.load %arg0[%get3A_1653] : memref<4096xf32, #tpu.memory_space<smem>>
      %add3A_1655 = vector.broadcast %get3A_1654 : f32 to vector<1x128xf32>
      %add3A_1656 = arith.addf %add3A_1567, %add3A_1655 : vector<1x128xf32>
      %max3A_1657 = arith.maximumf %add3A_1656, %add3A_1556 : vector<1x128xf32>
      %sub3A_1658 = arith.subf %add3A_1656, %add3A_1556 : vector<1x128xf32>
      %abs3A_1659 = math.absf %sub3A_1658 : vector<1x128xf32>
      %neg3A_1660 = arith.constant 0.000000e+00 : f32
      %neg3A_1661 = vector.broadcast %neg3A_1660 : f32 to vector<1x128xf32>
      %neg3A_1662 = arith.subf %neg3A_1661, %abs3A_1659 : vector<1x128xf32>
      %exp3A_1663 = math.exp %neg3A_1662 : vector<1x128xf32>
      %log1p3A_1664 = math.log1p %exp3A_1663 : vector<1x128xf32>
      %add3A_1665 = arith.addf %max3A_1657, %log1p3A_1664 : vector<1x128xf32>
      %add3A_1666 = vector.broadcast %get3A_1654 : f32 to vector<1x128xf32>
      %add3A_1667 = arith.addf %add3A_1578, %add3A_1666 : vector<1x128xf32>
      %max3A_1668 = arith.maximumf %add3A_1667, %add3A_1567 : vector<1x128xf32>
      %sub3A_1669 = arith.subf %add3A_1667, %add3A_1567 : vector<1x128xf32>
      %abs3A_1670 = math.absf %sub3A_1669 : vector<1x128xf32>
      %neg3A_1671 = arith.constant 0.000000e+00 : f32
      %neg3A_1672 = vector.broadcast %neg3A_1671 : f32 to vector<1x128xf32>
      %neg3A_1673 = arith.subf %neg3A_1672, %abs3A_1670 : vector<1x128xf32>
      %exp3A_1674 = math.exp %neg3A_1673 : vector<1x128xf32>
      %log1p3A_1675 = math.log1p %exp3A_1674 : vector<1x128xf32>
      %add3A_1676 = arith.addf %max3A_1668, %log1p3A_1675 : vector<1x128xf32>
      %add3A_1677 = vector.broadcast %get3A_1654 : f32 to vector<1x128xf32>
      %add3A_1678 = arith.addf %add3A_1589, %add3A_1677 : vector<1x128xf32>
      %max3A_1679 = arith.maximumf %add3A_1678, %add3A_1578 : vector<1x128xf32>
      %sub3A_1680 = arith.subf %add3A_1678, %add3A_1578 : vector<1x128xf32>
      %abs3A_1681 = math.absf %sub3A_1680 : vector<1x128xf32>
      %neg3A_1682 = arith.constant 0.000000e+00 : f32
      %neg3A_1683 = vector.broadcast %neg3A_1682 : f32 to vector<1x128xf32>
      %neg3A_1684 = arith.subf %neg3A_1683, %abs3A_1681 : vector<1x128xf32>
      %exp3A_1685 = math.exp %neg3A_1684 : vector<1x128xf32>
      %log1p3A_1686 = math.log1p %exp3A_1685 : vector<1x128xf32>
      %add3A_1687 = arith.addf %max3A_1679, %log1p3A_1686 : vector<1x128xf32>
      %add3A_1688 = vector.broadcast %get3A_1654 : f32 to vector<1x128xf32>
      %add3A_1689 = arith.addf %add3A_1600, %add3A_1688 : vector<1x128xf32>
      %max3A_1690 = arith.maximumf %add3A_1689, %add3A_1589 : vector<1x128xf32>
      %sub3A_1691 = arith.subf %add3A_1689, %add3A_1589 : vector<1x128xf32>
      %abs3A_1692 = math.absf %sub3A_1691 : vector<1x128xf32>
      %neg3A_1693 = arith.constant 0.000000e+00 : f32
      %neg3A_1694 = vector.broadcast %neg3A_1693 : f32 to vector<1x128xf32>
      %neg3A_1695 = arith.subf %neg3A_1694, %abs3A_1692 : vector<1x128xf32>
      %exp3A_1696 = math.exp %neg3A_1695 : vector<1x128xf32>
      %log1p3A_1697 = math.log1p %exp3A_1696 : vector<1x128xf32>
      %add3A_1698 = arith.addf %max3A_1690, %log1p3A_1697 : vector<1x128xf32>
      %add3A_1699 = vector.broadcast %get3A_1654 : f32 to vector<1x128xf32>
      %add3A_1700 = arith.addf %add3A_1611, %add3A_1699 : vector<1x128xf32>
      %max3A_1701 = arith.maximumf %add3A_1700, %add3A_1600 : vector<1x128xf32>
      %sub3A_1702 = arith.subf %add3A_1700, %add3A_1600 : vector<1x128xf32>
      %abs3A_1703 = math.absf %sub3A_1702 : vector<1x128xf32>
      %neg3A_1704 = arith.constant 0.000000e+00 : f32
      %neg3A_1705 = vector.broadcast %neg3A_1704 : f32 to vector<1x128xf32>
      %neg3A_1706 = arith.subf %neg3A_1705, %abs3A_1703 : vector<1x128xf32>
      %exp3A_1707 = math.exp %neg3A_1706 : vector<1x128xf32>
      %log1p3A_1708 = math.log1p %exp3A_1707 : vector<1x128xf32>
      %add3A_1709 = arith.addf %max3A_1701, %log1p3A_1708 : vector<1x128xf32>
      %add3A_1710 = vector.broadcast %get3A_1654 : f32 to vector<1x128xf32>
      %add3A_1711 = arith.addf %add3A_1622, %add3A_1710 : vector<1x128xf32>
      %max3A_1712 = arith.maximumf %add3A_1711, %add3A_1611 : vector<1x128xf32>
      %sub3A_1713 = arith.subf %add3A_1711, %add3A_1611 : vector<1x128xf32>
      %abs3A_1714 = math.absf %sub3A_1713 : vector<1x128xf32>
      %neg3A_1715 = arith.constant 0.000000e+00 : f32
      %neg3A_1716 = vector.broadcast %neg3A_1715 : f32 to vector<1x128xf32>
      %neg3A_1717 = arith.subf %neg3A_1716, %abs3A_1714 : vector<1x128xf32>
      %exp3A_1718 = math.exp %neg3A_1717 : vector<1x128xf32>
      %log1p3A_1719 = math.log1p %exp3A_1718 : vector<1x128xf32>
      %add3A_1720 = arith.addf %max3A_1712, %log1p3A_1719 : vector<1x128xf32>
      %sub3A_1721 = arith.subf %add3A_1656, %add3A_1665 : vector<1x128xf32>
      %min3A_1722 = arith.constant 3.000000e+01 : f32
      %min3A_1723 = vector.broadcast %min3A_1722 : f32 to vector<1x128xf32>
      %min3A_1724 = arith.minimumf %sub3A_1721, %min3A_1723 : vector<1x128xf32>
      %exp3A_1725 = math.exp %min3A_1724 : vector<1x128xf32>
      %add3A_1726 = arith.constant 1 : i32
      %add3A_1727 = arith.addi %add3A_1652, %add3A_1726 : i32
      %ge3A_1728 = vector.broadcast %add3A_1727 : i32 to vector<1x128xi32>
      %ge3A_1729 = arith.cmpi sge, %iota3A, %ge3A_1728 : vector<1x128xi32>
      %jit3A_1730 = arith.constant 1.000000e+00 : f32
      %broadcast_in_dim3A_1731 = vector.broadcast %jit3A_1730 : f32 to vector<1x128xf32>
      %select_n3A_1732 = arith.select %ge3A_1729, %broadcast_in_dim3A_1731, %exp3A_1725 : vector<1x128xi1>, vector<1x128xf32>
      %eq3A_1733 = arith.constant 0 : i32
      %eq3A_1734 = vector.broadcast %eq3A_1733 : i32 to vector<1x128xi32>
      %eq3A_1735 = arith.cmpi eq, %iota3A, %eq3A_1734 : vector<1x128xi32>
      %jit3A_1736 = arith.constant 0.000000e+00 : f32
      %broadcast_in_dim3A_1737 = vector.broadcast %jit3A_1736 : f32 to vector<1x128xf32>
      %select_n3A_1738 = arith.select %eq3A_1735, %broadcast_in_dim3A_1737, %select_n3A_1732 : vector<1x128xi1>, vector<1x128xf32>
      %eq3A_1739 = arith.constant 33 : i32
      %eq3A_1740 = vector.broadcast %eq3A_1739 : i32 to vector<1x128xi32>
      %eq3A_1741 = arith.cmpi eq, %iota3A, %eq3A_1740 : vector<1x128xi32>
      %broadcast_in_dim3A_1742 = vector.broadcast %get3A_1654 : f32 to vector<1x128xf32>
      %select_n3A_1743 = arith.select %eq3A_1741, %broadcast_in_dim3A_1742, %select_n3A_1738 : vector<1x128xi1>, vector<1x128xf32>
      %swap3A_1744 = arith.constant 5 : index
      %swap3A_1745 = arith.constant 0 : index
      %swap3A_1746 = vector.load %arg3[%swap3A_1744, %swap3A_1745] : memref<16x128xf32, #tpu.memory_space<vmem>>, vector<1x128xf32>
      tpu.vector_store %arg3[%swap3A_1744, %swap3A_1745], %select_n3A_1743 {strides = array<i32>} : memref<16x128xf32, #tpu.memory_space<vmem>>, vector<1x128xf32>,
      %mul3A_1747 = arith.constant 16 : i32
      %mul3A_1748 = arith.muli %scan3A_11, %mul3A_1747 : i32
      %add3A_1749 = arith.constant 11 : i32
      %add3A_1750 = arith.addi %mul3A_1748, %add3A_1749 : i32
      %get3A_1751 = arith.index_cast %add3A_1750 : i32 to index
      %get3A_1752 = memref.load %arg0[%get3A_1751] : memref<4096xf32, #tpu.memory_space<smem>>
      %add3A_1753 = vector.broadcast %get3A_1752 : f32 to vector<1x128xf32>
      %add3A_1754 = arith.addf %add3A_1676, %add3A_1753 : vector<1x128xf32>
      %max3A_1755 = arith.maximumf %add3A_1754, %add3A_1665 : vector<1x128xf32>
      %sub3A_1756 = arith.subf %add3A_1754, %add3A_1665 : vector<1x128xf32>
      %abs3A_1757 = math.absf %sub3A_1756 : vector<1x128xf32>
      %neg3A_1758 = arith.constant 0.000000e+00 : f32
      %neg3A_1759 = vector.broadcast %neg3A_1758 : f32 to vector<1x128xf32>
      %neg3A_1760 = arith.subf %neg3A_1759, %abs3A_1757 : vector<1x128xf32>
      %exp3A_1761 = math.exp %neg3A_1760 : vector<1x128xf32>
      %log1p3A_1762 = math.log1p %exp3A_1761 : vector<1x128xf32>
      %add3A_1763 = arith.addf %max3A_1755, %log1p3A_1762 : vector<1x128xf32>
      %add3A_1764 = vector.broadcast %get3A_1752 : f32 to vector<1x128xf32>
      %add3A_1765 = arith.addf %add3A_1687, %add3A_1764 : vector<1x128xf32>
      %max3A_1766 = arith.maximumf %add3A_1765, %add3A_1676 : vector<1x128xf32>
      %sub3A_1767 = arith.subf %add3A_1765, %add3A_1676 : vector<1x128xf32>
      %abs3A_1768 = math.absf %sub3A_1767 : vector<1x128xf32>
      %neg3A_1769 = arith.constant 0.000000e+00 : f32
      %neg3A_1770 = vector.broadcast %neg3A_1769 : f32 to vector<1x128xf32>
      %neg3A_1771 = arith.subf %neg3A_1770, %abs3A_1768 : vector<1x128xf32>
      %exp3A_1772 = math.exp %neg3A_1771 : vector<1x128xf32>
      %log1p3A_1773 = math.log1p %exp3A_1772 : vector<1x128xf32>
      %add3A_1774 = arith.addf %max3A_1766, %log1p3A_1773 : vector<1x128xf32>
      %add3A_1775 = vector.broadcast %get3A_1752 : f32 to vector<1x128xf32>
      %add3A_1776 = arith.addf %add3A_1698, %add3A_1775 : vector<1x128xf32>
      %max3A_1777 = arith.maximumf %add3A_1776, %add3A_1687 : vector<1x128xf32>
      %sub3A_1778 = arith.subf %add3A_1776, %add3A_1687 : vector<1x128xf32>
      %abs3A_1779 = math.absf %sub3A_1778 : vector<1x128xf32>
      %neg3A_1780 = arith.constant 0.000000e+00 : f32
      %neg3A_1781 = vector.broadcast %neg3A_1780 : f32 to vector<1x128xf32>
      %neg3A_1782 = arith.subf %neg3A_1781, %abs3A_1779 : vector<1x128xf32>
      %exp3A_1783 = math.exp %neg3A_1782 : vector<1x128xf32>
      %log1p3A_1784 = math.log1p %exp3A_1783 : vector<1x128xf32>
      %add3A_1785 = arith.addf %max3A_1777, %log1p3A_1784 : vector<1x128xf32>
      %add3A_1786 = vector.broadcast %get3A_1752 : f32 to vector<1x128xf32>
      %add3A_1787 = arith.addf %add3A_1709, %add3A_1786 : vector<1x128xf32>
      %max3A_1788 = arith.maximumf %add3A_1787, %add3A_1698 : vector<1x128xf32>
      %sub3A_1789 = arith.subf %add3A_1787, %add3A_1698 : vector<1x128xf32>
      %abs3A_1790 = math.absf %sub3A_1789 : vector<1x128xf32>
      %neg3A_1791 = arith.constant 0.000000e+00 : f32
      %neg3A_1792 = vector.broadcast %neg3A_1791 : f32 to vector<1x128xf32>
      %neg3A_1793 = arith.subf %neg3A_1792, %abs3A_1790 : vector<1x128xf32>
      %exp3A_1794 = math.exp %neg3A_1793 : vector<1x128xf32>
      %log1p3A_1795 = math.log1p %exp3A_1794 : vector<1x128xf32>
      %add3A_1796 = arith.addf %max3A_1788, %log1p3A_1795 : vector<1x128xf32>
      %add3A_1797 = vector.broadcast %get3A_1752 : f32 to vector<1x128xf32>
      %add3A_1798 = arith.addf %add3A_1720, %add3A_1797 : vector<1x128xf32>
      %max3A_1799 = arith.maximumf %add3A_1798, %add3A_1709 : vector<1x128xf32>
      %sub3A_1800 = arith.subf %add3A_1798, %add3A_1709 : vector<1x128xf32>
      %abs3A_1801 = math.absf %sub3A_1800 : vector<1x128xf32>
      %neg3A_1802 = arith.constant 0.000000e+00 : f32
      %neg3A_1803 = vector.broadcast %neg3A_1802 : f32 to vector<1x128xf32>
      %neg3A_1804 = arith.subf %neg3A_1803, %abs3A_1801 : vector<1x128xf32>
      %exp3A_1805 = math.exp %neg3A_1804 : vector<1x128xf32>
      %log1p3A_1806 = math.log1p %exp3A_1805 : vector<1x128xf32>
      %add3A_1807 = arith.addf %max3A_1799, %log1p3A_1806 : vector<1x128xf32>
      %sub3A_1808 = arith.subf %add3A_1754, %add3A_1763 : vector<1x128xf32>
      %min3A_1809 = arith.constant 3.000000e+01 : f32
      %min3A_1810 = vector.broadcast %min3A_1809 : f32 to vector<1x128xf32>
      %min3A_1811 = arith.minimumf %sub3A_1808, %min3A_1810 : vector<1x128xf32>
      %exp3A_1812 = math.exp %min3A_1811 : vector<1x128xf32>
      %add3A_1813 = arith.constant 1 : i32
      %add3A_1814 = arith.addi %add3A_1750, %add3A_1813 : i32
      %ge3A_1815 = vector.broadcast %add3A_1814 : i32 to vector<1x128xi32>
      %ge3A_1816 = arith.cmpi sge, %iota3A, %ge3A_1815 : vector<1x128xi32>
      %jit3A_1817 = arith.constant 1.000000e+00 : f32
      %broadcast_in_dim3A_1818 = vector.broadcast %jit3A_1817 : f32 to vector<1x128xf32>
      %select_n3A_1819 = arith.select %ge3A_1816, %broadcast_in_dim3A_1818, %exp3A_1812 : vector<1x128xi1>, vector<1x128xf32>
      %eq3A_1820 = arith.constant 0 : i32
      %eq3A_1821 = vector.broadcast %eq3A_1820 : i32 to vector<1x128xi32>
      %eq3A_1822 = arith.cmpi eq, %iota3A, %eq3A_1821 : vector<1x128xi32>
      %jit3A_1823 = arith.constant 0.000000e+00 : f32
      %broadcast_in_dim3A_1824 = vector.broadcast %jit3A_1823 : f32 to vector<1x128xf32>
      %select_n3A_1825 = arith.select %eq3A_1822, %broadcast_in_dim3A_1824, %select_n3A_1819 : vector<1x128xi1>, vector<1x128xf32>
      %eq3A_1826 = arith.constant 33 : i32
      %eq3A_1827 = vector.broadcast %eq3A_1826 : i32 to vector<1x128xi32>
      %eq3A_1828 = arith.cmpi eq, %iota3A, %eq3A_1827 : vector<1x128xi32>
      %broadcast_in_dim3A_1829 = vector.broadcast %get3A_1752 : f32 to vector<1x128xf32>
      %select_n3A_1830 = arith.select %eq3A_1828, %broadcast_in_dim3A_1829, %select_n3A_1825 : vector<1x128xi1>, vector<1x128xf32>
      %swap3A_1831 = arith.constant 4 : index
      %swap3A_1832 = arith.constant 0 : index
      %swap3A_1833 = vector.load %arg3[%swap3A_1831, %swap3A_1832] : memref<16x128xf32, #tpu.memory_space<vmem>>, vector<1x128xf32>
      tpu.vector_store %arg3[%swap3A_1831, %swap3A_1832], %select_n3A_1830 {strides = array<i32>} : memref<16x128xf32, #tpu.memory_space<vmem>>, vector<1x128xf32>,
      %mul3A_1834 = arith.constant 16 : i32
      %mul3A_1835 = arith.muli %scan3A_11, %mul3A_1834 : i32
      %add3A_1836 = arith.constant 12 : i32
      %add3A_1837 = arith.addi %mul3A_1835, %add3A_1836 : i32
      %get3A_1838 = arith.index_cast %add3A_1837 : i32 to index
      %get3A_1839 = memref.load %arg0[%get3A_1838] : memref<4096xf32, #tpu.memory_space<smem>>
      %add3A_1840 = vector.broadcast %get3A_1839 : f32 to vector<1x128xf32>
      %add3A_1841 = arith.addf %add3A_1774, %add3A_1840 : vector<1x128xf32>
      %max3A_1842 = arith.maximumf %add3A_1841, %add3A_1763 : vector<1x128xf32>
      %sub3A_1843 = arith.subf %add3A_1841, %add3A_1763 : vector<1x128xf32>
      %abs3A_1844 = math.absf %sub3A_1843 : vector<1x128xf32>
      %neg3A_1845 = arith.constant 0.000000e+00 : f32
      %neg3A_1846 = vector.broadcast %neg3A_1845 : f32 to vector<1x128xf32>
      %neg3A_1847 = arith.subf %neg3A_1846, %abs3A_1844 : vector<1x128xf32>
      %exp3A_1848 = math.exp %neg3A_1847 : vector<1x128xf32>
      %log1p3A_1849 = math.log1p %exp3A_1848 : vector<1x128xf32>
      %add3A_1850 = arith.addf %max3A_1842, %log1p3A_1849 : vector<1x128xf32>
      %add3A_1851 = vector.broadcast %get3A_1839 : f32 to vector<1x128xf32>
      %add3A_1852 = arith.addf %add3A_1785, %add3A_1851 : vector<1x128xf32>
      %max3A_1853 = arith.maximumf %add3A_1852, %add3A_1774 : vector<1x128xf32>
      %sub3A_1854 = arith.subf %add3A_1852, %add3A_1774 : vector<1x128xf32>
      %abs3A_1855 = math.absf %sub3A_1854 : vector<1x128xf32>
      %neg3A_1856 = arith.constant 0.000000e+00 : f32
      %neg3A_1857 = vector.broadcast %neg3A_1856 : f32 to vector<1x128xf32>
      %neg3A_1858 = arith.subf %neg3A_1857, %abs3A_1855 : vector<1x128xf32>
      %exp3A_1859 = math.exp %neg3A_1858 : vector<1x128xf32>
      %log1p3A_1860 = math.log1p %exp3A_1859 : vector<1x128xf32>
      %add3A_1861 = arith.addf %max3A_1853, %log1p3A_1860 : vector<1x128xf32>
      %add3A_1862 = vector.broadcast %get3A_1839 : f32 to vector<1x128xf32>
      %add3A_1863 = arith.addf %add3A_1796, %add3A_1862 : vector<1x128xf32>
      %max3A_1864 = arith.maximumf %add3A_1863, %add3A_1785 : vector<1x128xf32>
      %sub3A_1865 = arith.subf %add3A_1863, %add3A_1785 : vector<1x128xf32>
      %abs3A_1866 = math.absf %sub3A_1865 : vector<1x128xf32>
      %neg3A_1867 = arith.constant 0.000000e+00 : f32
      %neg3A_1868 = vector.broadcast %neg3A_1867 : f32 to vector<1x128xf32>
      %neg3A_1869 = arith.subf %neg3A_1868, %abs3A_1866 : vector<1x128xf32>
      %exp3A_1870 = math.exp %neg3A_1869 : vector<1x128xf32>
      %log1p3A_1871 = math.log1p %exp3A_1870 : vector<1x128xf32>
      %add3A_1872 = arith.addf %max3A_1864, %log1p3A_1871 : vector<1x128xf32>
      %add3A_1873 = vector.broadcast %get3A_1839 : f32 to vector<1x128xf32>
      %add3A_1874 = arith.addf %add3A_1807, %add3A_1873 : vector<1x128xf32>
      %max3A_1875 = arith.maximumf %add3A_1874, %add3A_1796 : vector<1x128xf32>
      %sub3A_1876 = arith.subf %add3A_1874, %add3A_1796 : vector<1x128xf32>
      %abs3A_1877 = math.absf %sub3A_1876 : vector<1x128xf32>
      %neg3A_1878 = arith.constant 0.000000e+00 : f32
      %neg3A_1879 = vector.broadcast %neg3A_1878 : f32 to vector<1x128xf32>
      %neg3A_1880 = arith.subf %neg3A_1879, %abs3A_1877 : vector<1x128xf32>
      %exp3A_1881 = math.exp %neg3A_1880 : vector<1x128xf32>
      %log1p3A_1882 = math.log1p %exp3A_1881 : vector<1x128xf32>
      %add3A_1883 = arith.addf %max3A_1875, %log1p3A_1882 : vector<1x128xf32>
      %sub3A_1884 = arith.subf %add3A_1841, %add3A_1850 : vector<1x128xf32>
      %min3A_1885 = arith.constant 3.000000e+01 : f32
      %min3A_1886 = vector.broadcast %min3A_1885 : f32 to vector<1x128xf32>
      %min3A_1887 = arith.minimumf %sub3A_1884, %min3A_1886 : vector<1x128xf32>
      %exp3A_1888 = math.exp %min3A_1887 : vector<1x128xf32>
      %add3A_1889 = arith.constant 1 : i32
      %add3A_1890 = arith.addi %add3A_1837, %add3A_1889 : i32
      %ge3A_1891 = vector.broadcast %add3A_1890 : i32 to vector<1x128xi32>
      %ge3A_1892 = arith.cmpi sge, %iota3A, %ge3A_1891 : vector<1x128xi32>
      %jit3A_1893 = arith.constant 1.000000e+00 : f32
      %broadcast_in_dim3A_1894 = vector.broadcast %jit3A_1893 : f32 to vector<1x128xf32>
      %select_n3A_1895 = arith.select %ge3A_1892, %broadcast_in_dim3A_1894, %exp3A_1888 : vector<1x128xi1>, vector<1x128xf32>
      %eq3A_1896 = arith.constant 0 : i32
      %eq3A_1897 = vector.broadcast %eq3A_1896 : i32 to vector<1x128xi32>
      %eq3A_1898 = arith.cmpi eq, %iota3A, %eq3A_1897 : vector<1x128xi32>
      %jit3A_1899 = arith.constant 0.000000e+00 : f32
      %broadcast_in_dim3A_1900 = vector.broadcast %jit3A_1899 : f32 to vector<1x128xf32>
      %select_n3A_1901 = arith.select %eq3A_1898, %broadcast_in_dim3A_1900, %select_n3A_1895 : vector<1x128xi1>, vector<1x128xf32>
      %eq3A_1902 = arith.constant 33 : i32
      %eq3A_1903 = vector.broadcast %eq3A_1902 : i32 to vector<1x128xi32>
      %eq3A_1904 = arith.cmpi eq, %iota3A, %eq3A_1903 : vector<1x128xi32>
      %broadcast_in_dim3A_1905 = vector.broadcast %get3A_1839 : f32 to vector<1x128xf32>
      %select_n3A_1906 = arith.select %eq3A_1904, %broadcast_in_dim3A_1905, %select_n3A_1901 : vector<1x128xi1>, vector<1x128xf32>
      %swap3A_1907 = arith.constant 3 : index
      %swap3A_1908 = arith.constant 0 : index
      %swap3A_1909 = vector.load %arg3[%swap3A_1907, %swap3A_1908] : memref<16x128xf32, #tpu.memory_space<vmem>>, vector<1x128xf32>
      tpu.vector_store %arg3[%swap3A_1907, %swap3A_1908], %select_n3A_1906 {strides = array<i32>} : memref<16x128xf32, #tpu.memory_space<vmem>>, vector<1x128xf32>,
      %mul3A_1910 = arith.constant 16 : i32
      %mul3A_1911 = arith.muli %scan3A_11, %mul3A_1910 : i32
      %add3A_1912 = arith.constant 13 : i32
      %add3A_1913 = arith.addi %mul3A_1911, %add3A_1912 : i32
      %get3A_1914 = arith.index_cast %add3A_1913 : i32 to index
      %get3A_1915 = memref.load %arg0[%get3A_1914] : memref<4096xf32, #tpu.memory_space<smem>>
      %add3A_1916 = vector.broadcast %get3A_1915 : f32 to vector<1x128xf32>
      %add3A_1917 = arith.addf %add3A_1861, %add3A_1916 : vector<1x128xf32>
      %max3A_1918 = arith.maximumf %add3A_1917, %add3A_1850 : vector<1x128xf32>
      %sub3A_1919 = arith.subf %add3A_1917, %add3A_1850 : vector<1x128xf32>
      %abs3A_1920 = math.absf %sub3A_1919 : vector<1x128xf32>
      %neg3A_1921 = arith.constant 0.000000e+00 : f32
      %neg3A_1922 = vector.broadcast %neg3A_1921 : f32 to vector<1x128xf32>
      %neg3A_1923 = arith.subf %neg3A_1922, %abs3A_1920 : vector<1x128xf32>
      %exp3A_1924 = math.exp %neg3A_1923 : vector<1x128xf32>
      %log1p3A_1925 = math.log1p %exp3A_1924 : vector<1x128xf32>
      %add3A_1926 = arith.addf %max3A_1918, %log1p3A_1925 : vector<1x128xf32>
      %add3A_1927 = vector.broadcast %get3A_1915 : f32 to vector<1x128xf32>
      %add3A_1928 = arith.addf %add3A_1872, %add3A_1927 : vector<1x128xf32>
      %max3A_1929 = arith.maximumf %add3A_1928, %add3A_1861 : vector<1x128xf32>
      %sub3A_1930 = arith.subf %add3A_1928, %add3A_1861 : vector<1x128xf32>
      %abs3A_1931 = math.absf %sub3A_1930 : vector<1x128xf32>
      %neg3A_1932 = arith.constant 0.000000e+00 : f32
      %neg3A_1933 = vector.broadcast %neg3A_1932 : f32 to vector<1x128xf32>
      %neg3A_1934 = arith.subf %neg3A_1933, %abs3A_1931 : vector<1x128xf32>
      %exp3A_1935 = math.exp %neg3A_1934 : vector<1x128xf32>
      %log1p3A_1936 = math.log1p %exp3A_1935 : vector<1x128xf32>
      %add3A_1937 = arith.addf %max3A_1929, %log1p3A_1936 : vector<1x128xf32>
      %add3A_1938 = vector.broadcast %get3A_1915 : f32 to vector<1x128xf32>
      %add3A_1939 = arith.addf %add3A_1883, %add3A_1938 : vector<1x128xf32>
      %max3A_1940 = arith.maximumf %add3A_1939, %add3A_1872 : vector<1x128xf32>
      %sub3A_1941 = arith.subf %add3A_1939, %add3A_1872 : vector<1x128xf32>
      %abs3A_1942 = math.absf %sub3A_1941 : vector<1x128xf32>
      %neg3A_1943 = arith.constant 0.000000e+00 : f32
      %neg3A_1944 = vector.broadcast %neg3A_1943 : f32 to vector<1x128xf32>
      %neg3A_1945 = arith.subf %neg3A_1944, %abs3A_1942 : vector<1x128xf32>
      %exp3A_1946 = math.exp %neg3A_1945 : vector<1x128xf32>
      %log1p3A_1947 = math.log1p %exp3A_1946 : vector<1x128xf32>
      %add3A_1948 = arith.addf %max3A_1940, %log1p3A_1947 : vector<1x128xf32>
      %sub3A_1949 = arith.subf %add3A_1917, %add3A_1926 : vector<1x128xf32>
      %min3A_1950 = arith.constant 3.000000e+01 : f32
      %min3A_1951 = vector.broadcast %min3A_1950 : f32 to vector<1x128xf32>
      %min3A_1952 = arith.minimumf %sub3A_1949, %min3A_1951 : vector<1x128xf32>
      %exp3A_1953 = math.exp %min3A_1952 : vector<1x128xf32>
      %add3A_1954 = arith.constant 1 : i32
      %add3A_1955 = arith.addi %add3A_1913, %add3A_1954 : i32
      %ge3A_1956 = vector.broadcast %add3A_1955 : i32 to vector<1x128xi32>
      %ge3A_1957 = arith.cmpi sge, %iota3A, %ge3A_1956 : vector<1x128xi32>
      %jit3A_1958 = arith.constant 1.000000e+00 : f32
      %broadcast_in_dim3A_1959 = vector.broadcast %jit3A_1958 : f32 to vector<1x128xf32>
      %select_n3A_1960 = arith.select %ge3A_1957, %broadcast_in_dim3A_1959, %exp3A_1953 : vector<1x128xi1>, vector<1x128xf32>
      %eq3A_1961 = arith.constant 0 : i32
      %eq3A_1962 = vector.broadcast %eq3A_1961 : i32 to vector<1x128xi32>
      %eq3A_1963 = arith.cmpi eq, %iota3A, %eq3A_1962 : vector<1x128xi32>
      %jit3A_1964 = arith.constant 0.000000e+00 : f32
      %broadcast_in_dim3A_1965 = vector.broadcast %jit3A_1964 : f32 to vector<1x128xf32>
      %select_n3A_1966 = arith.select %eq3A_1963, %broadcast_in_dim3A_1965, %select_n3A_1960 : vector<1x128xi1>, vector<1x128xf32>
      %eq3A_1967 = arith.constant 33 : i32
      %eq3A_1968 = vector.broadcast %eq3A_1967 : i32 to vector<1x128xi32>
      %eq3A_1969 = arith.cmpi eq, %iota3A, %eq3A_1968 : vector<1x128xi32>
      %broadcast_in_dim3A_1970 = vector.broadcast %get3A_1915 : f32 to vector<1x128xf32>
      %select_n3A_1971 = arith.select %eq3A_1969, %broadcast_in_dim3A_1970, %select_n3A_1966 : vector<1x128xi1>, vector<1x128xf32>
      %swap3A_1972 = arith.constant 2 : index
      %swap3A_1973 = arith.constant 0 : index
      %swap3A_1974 = vector.load %arg3[%swap3A_1972, %swap3A_1973] : memref<16x128xf32, #tpu.memory_space<vmem>>, vector<1x128xf32>
      tpu.vector_store %arg3[%swap3A_1972, %swap3A_1973], %select_n3A_1971 {strides = array<i32>} : memref<16x128xf32, #tpu.memory_space<vmem>>, vector<1x128xf32>,
      %mul3A_1975 = arith.constant 16 : i32
      %mul3A_1976 = arith.muli %scan3A_11, %mul3A_1975 : i32
      %add3A_1977 = arith.constant 14 : i32
      %add3A_1978 = arith.addi %mul3A_1976, %add3A_1977 : i32
      %get3A_1979 = arith.index_cast %add3A_1978 : i32 to index
      %get3A_1980 = memref.load %arg0[%get3A_1979] : memref<4096xf32, #tpu.memory_space<smem>>
      %add3A_1981 = vector.broadcast %get3A_1980 : f32 to vector<1x128xf32>
      %add3A_1982 = arith.addf %add3A_1937, %add3A_1981 : vector<1x128xf32>
      %max3A_1983 = arith.maximumf %add3A_1982, %add3A_1926 : vector<1x128xf32>
      %sub3A_1984 = arith.subf %add3A_1982, %add3A_1926 : vector<1x128xf32>
      %abs3A_1985 = math.absf %sub3A_1984 : vector<1x128xf32>
      %neg3A_1986 = arith.constant 0.000000e+00 : f32
      %neg3A_1987 = vector.broadcast %neg3A_1986 : f32 to vector<1x128xf32>
      %neg3A_1988 = arith.subf %neg3A_1987, %abs3A_1985 : vector<1x128xf32>
      %exp3A_1989 = math.exp %neg3A_1988 : vector<1x128xf32>
      %log1p3A_1990 = math.log1p %exp3A_1989 : vector<1x128xf32>
      %add3A_1991 = arith.addf %max3A_1983, %log1p3A_1990 : vector<1x128xf32>
      %add3A_1992 = vector.broadcast %get3A_1980 : f32 to vector<1x128xf32>
      %add3A_1993 = arith.addf %add3A_1948, %add3A_1992 : vector<1x128xf32>
      %max3A_1994 = arith.maximumf %add3A_1993, %add3A_1937 : vector<1x128xf32>
      %sub3A_1995 = arith.subf %add3A_1993, %add3A_1937 : vector<1x128xf32>
      %abs3A_1996 = math.absf %sub3A_1995 : vector<1x128xf32>
      %neg3A_1997 = arith.constant 0.000000e+00 : f32
      %neg3A_1998 = vector.broadcast %neg3A_1997 : f32 to vector<1x128xf32>
      %neg3A_1999 = arith.subf %neg3A_1998, %abs3A_1996 : vector<1x128xf32>
      %exp3A_2000 = math.exp %neg3A_1999 : vector<1x128xf32>
      %log1p3A_2001 = math.log1p %exp3A_2000 : vector<1x128xf32>
      %add3A_2002 = arith.addf %max3A_1994, %log1p3A_2001 : vector<1x128xf32>
      %sub3A_2003 = arith.subf %add3A_1982, %add3A_1991 : vector<1x128xf32>
      %min3A_2004 = arith.constant 3.000000e+01 : f32
      %min3A_2005 = vector.broadcast %min3A_2004 : f32 to vector<1x128xf32>
      %min3A_2006 = arith.minimumf %sub3A_2003, %min3A_2005 : vector<1x128xf32>
      %exp3A_2007 = math.exp %min3A_2006 : vector<1x128xf32>
      %add3A_2008 = arith.constant 1 : i32
      %add3A_2009 = arith.addi %add3A_1978, %add3A_2008 : i32
      %ge3A_2010 = vector.broadcast %add3A_2009 : i32 to vector<1x128xi32>
      %ge3A_2011 = arith.cmpi sge, %iota3A, %ge3A_2010 : vector<1x128xi32>
      %jit3A_2012 = arith.constant 1.000000e+00 : f32
      %broadcast_in_dim3A_2013 = vector.broadcast %jit3A_2012 : f32 to vector<1x128xf32>
      %select_n3A_2014 = arith.select %ge3A_2011, %broadcast_in_dim3A_2013, %exp3A_2007 : vector<1x128xi1>, vector<1x128xf32>
      %eq3A_2015 = arith.constant 0 : i32
      %eq3A_2016 = vector.broadcast %eq3A_2015 : i32 to vector<1x128xi32>
      %eq3A_2017 = arith.cmpi eq, %iota3A, %eq3A_2016 : vector<1x128xi32>
      %jit3A_2018 = arith.constant 0.000000e+00 : f32
      %broadcast_in_dim3A_2019 = vector.broadcast %jit3A_2018 : f32 to vector<1x128xf32>
      %select_n3A_2020 = arith.select %eq3A_2017, %broadcast_in_dim3A_2019, %select_n3A_2014 : vector<1x128xi1>, vector<1x128xf32>
      %eq3A_2021 = arith.constant 33 : i32
      %eq3A_2022 = vector.broadcast %eq3A_2021 : i32 to vector<1x128xi32>
      %eq3A_2023 = arith.cmpi eq, %iota3A, %eq3A_2022 : vector<1x128xi32>
      %broadcast_in_dim3A_2024 = vector.broadcast %get3A_1980 : f32 to vector<1x128xf32>
      %select_n3A_2025 = arith.select %eq3A_2023, %broadcast_in_dim3A_2024, %select_n3A_2020 : vector<1x128xi1>, vector<1x128xf32>
      %swap3A_2026 = arith.constant 1 : index
      %swap3A_2027 = arith.constant 0 : index
      %swap3A_2028 = vector.load %arg3[%swap3A_2026, %swap3A_2027] : memref<16x128xf32, #tpu.memory_space<vmem>>, vector<1x128xf32>
      tpu.vector_store %arg3[%swap3A_2026, %swap3A_2027], %select_n3A_2025 {strides = array<i32>} : memref<16x128xf32, #tpu.memory_space<vmem>>, vector<1x128xf32>,
      %mul3A_2029 = arith.constant 16 : i32
      %mul3A_2030 = arith.muli %scan3A_11, %mul3A_2029 : i32
      %add3A_2031 = arith.constant 15 : i32
      %add3A_2032 = arith.addi %mul3A_2030, %add3A_2031 : i32
      %get3A_2033 = arith.index_cast %add3A_2032 : i32 to index
      %get3A_2034 = memref.load %arg0[%get3A_2033] : memref<4096xf32, #tpu.memory_space<smem>>
      %add3A_2035 = vector.broadcast %get3A_2034 : f32 to vector<1x128xf32>
      %add3A_2036 = arith.addf %add3A_2002, %add3A_2035 : vector<1x128xf32>
      %max3A_2037 = arith.maximumf %add3A_2036, %add3A_1991 : vector<1x128xf32>
      %sub3A_2038 = arith.subf %add3A_2036, %add3A_1991 : vector<1x128xf32>
      %abs3A_2039 = math.absf %sub3A_2038 : vector<1x128xf32>
      %neg3A_2040 = arith.constant 0.000000e+00 : f32
      %neg3A_2041 = vector.broadcast %neg3A_2040 : f32 to vector<1x128xf32>
      %neg3A_2042 = arith.subf %neg3A_2041, %abs3A_2039 : vector<1x128xf32>
      %exp3A_2043 = math.exp %neg3A_2042 : vector<1x128xf32>
      %log1p3A_2044 = math.log1p %exp3A_2043 : vector<1x128xf32>
      %add3A_2045 = arith.addf %max3A_2037, %log1p3A_2044 : vector<1x128xf32>
      %sub3A_2046 = arith.subf %add3A_2036, %add3A_2045 : vector<1x128xf32>
      %min3A_2047 = arith.constant 3.000000e+01 : f32
      %min3A_2048 = vector.broadcast %min3A_2047 : f32 to vector<1x128xf32>
      %min3A_2049 = arith.minimumf %sub3A_2046, %min3A_2048 : vector<1x128xf32>
      %exp3A_2050 = math.exp %min3A_2049 : vector<1x128xf32>
      %add3A_2051 = arith.constant 1 : i32
      %add3A_2052 = arith.addi %add3A_2032, %add3A_2051 : i32
      %ge3A_2053 = vector.broadcast %add3A_2052 : i32 to vector<1x128xi32>
      %ge3A_2054 = arith.cmpi sge, %iota3A, %ge3A_2053 : vector<1x128xi32>
      %jit3A_2055 = arith.constant 1.000000e+00 : f32
      %broadcast_in_dim3A_2056 = vector.broadcast %jit3A_2055 : f32 to vector<1x128xf32>
      %select_n3A_2057 = arith.select %ge3A_2054, %broadcast_in_dim3A_2056, %exp3A_2050 : vector<1x128xi1>, vector<1x128xf32>
      %eq3A_2058 = arith.constant 0 : i32
      %eq3A_2059 = vector.broadcast %eq3A_2058 : i32 to vector<1x128xi32>
      %eq3A_2060 = arith.cmpi eq, %iota3A, %eq3A_2059 : vector<1x128xi32>
      %jit3A_2061 = arith.constant 0.000000e+00 : f32
      %broadcast_in_dim3A_2062 = vector.broadcast %jit3A_2061 : f32 to vector<1x128xf32>
      %select_n3A_2063 = arith.select %eq3A_2060, %broadcast_in_dim3A_2062, %select_n3A_2057 : vector<1x128xi1>, vector<1x128xf32>
      %eq3A_2064 = arith.constant 33 : i32
      %eq3A_2065 = vector.broadcast %eq3A_2064 : i32 to vector<1x128xi32>
      %eq3A_2066 = arith.cmpi eq, %iota3A, %eq3A_2065 : vector<1x128xi32>
      %broadcast_in_dim3A_2067 = vector.broadcast %get3A_2034 : f32 to vector<1x128xf32>
      %select_n3A_2068 = arith.select %eq3A_2066, %broadcast_in_dim3A_2067, %select_n3A_2063 : vector<1x128xi1>, vector<1x128xf32>
      %swap3A_2069 = arith.constant 0 : index
      %swap3A_2070 = arith.constant 0 : index
      %swap3A_2071 = vector.load %arg3[%swap3A_2069, %swap3A_2070] : memref<16x128xf32, #tpu.memory_space<vmem>>, vector<1x128xf32>
      tpu.vector_store %arg3[%swap3A_2069, %swap3A_2070], %select_n3A_2068 {strides = array<i32>} : memref<16x128xf32, #tpu.memory_space<vmem>>, vector<1x128xf32>,
      %get3A_2072 = arith.constant 0 : index
      %get3A_2073 = arith.constant 0 : index
      %get3A_2074 = vector.load %arg3[%get3A_2072, %get3A_2073] : memref<16x128xf32, #tpu.memory_space<vmem>>, vector<16x128xf32>
      %mul3A_2075 = arith.constant 16 : i32
      %mul3A_2076 = arith.muli %scan3A_11, %mul3A_2075 : i32
      %sub3A_2077 = arith.constant 4080 : i32
      %sub3A_2078 = arith.subi %sub3A_2077, %mul3A_2076 : i32
      %swap3A_2079 = arith.index_cast %sub3A_2078 : i32 to index
      %swap3A_2080 = arith.constant 0 : index
      %swap3A_2081 = vector.load %arg1[%swap3A_2079, %swap3A_2080] : memref<4096x128xf32, #tpu.memory_space<vmem>>, vector<16x128xf32>
      tpu.vector_store %arg1[%swap3A_2079, %swap3A_2080], %get3A_2074 {strides = array<i32>} : memref<4096x128xf32, #tpu.memory_space<vmem>>, vector<16x128xf32>,
      scf.yield %add3A_2045 : vector<1x128xf32>
    }
    %scan3A_8 = arith.constant 256 : i32
    %swap3A = arith.constant 0 : index
    %swap3A_9 = arith.constant 0 : index
    %swap3A_10 = vector.load %arg2[%swap3A, %swap3A_9] : memref<8x128xf32, #tpu.memory_space<vmem>>, vector<1x128xf32>
    tpu.vector_store %arg2[%swap3A, %swap3A_9], %scan3A_7 {strides = array<i32>} : memref<8x128xf32, #tpu.memory_space<vmem>>, vector<1x128xf32>,
    return
  }
}

</mosaic_0001>

<sc_bundles>
// kernel: kernel.4.cloned.1.call-start
scs
__scs_entry_jumppad:
0x0: {  	(pc) =	sbr.rel $0x88, $3  }
0x1: {  	(tag) =	ssettag $0x0;
	lr =	simm.s32 $0x1  }
0x2: {  	[smem:$0x3F9E] =	sst lr;
	_ =	strace $0xD0000000  }
0x3: {  	_ = 	snop  }
0x4: {  	_ = 	snop  }
0x5: {  	_ = 	snop  }
0x6: {  	_ = 	snop  }
0x7: {  	_ = 	snop  }
__scs_overlays_trampoline_lowered:
0x8: {  	[smem:$0x3FAD] =	sst s0  }
0x9: {  	[smem:$0x3FAE] =	sst s1  }
0xa: {  	[smem:$0x3FAF] =	sst s2  }
0xb: {  	[smem:$0x3FB0] =	sst s3  }
0xc: {  	[smem:$0x3FB1] =	sst s4  }
0xd: {  	[smem:$0x3FB2] =	sst s5  }
0xe: {  	[smem:$0x3FB3] =	sst s6  }
0xf: {  	[smem:$0x3FB4] =	sst s7  }
0x10: {  	[smem:$0x3FB5] =	sst s8  }
0x11: {  	[smem:$0x3FB6] =	sst s9;
	s0 =	simm.s32 @!p0 $0x0  }
0x12: {  	s1 =	sld [smem:$0x3F9C];
	s0 =	simm.s32 @p0 $0x1  }
0x13: {  	[smem:$0x3FB7] =	sst s0;
	s0 =	simm.s32 @!p1 $0x0  }
0x14: {  	s2 =	sld [smem:$0x3F9B];
	s0 =	simm.s32 @p1 $0x1  }
0x15: {  	[smem:$0x3FB8] =	sst s0;
	s0 =	simm.s32 @!p2 $0x0  }
0x16: {  	s3 =	sld [smem:$0x3FDB];
	s0 =	simm.s32 @p2 $0x1  }
0x17: {  	s4 =	simm.s32 $0x1BF5;
	[smem:$0x3FBA] =	sst s0  }
0x18: {  	s0 =	sld [smem:$0x3F9D];
	_ =	swait.ge [sflag:s4], $0x0  }
0x19: {  	s7 =	sld [smem:$0x3F9E]  }
0x1a: {  	s8 =	sadd.s32 $0xFFFFE003, lr  }
0x1b: {  	s9 =	sadd.s32 $0xFFFFFEF7, lr;
	s5 =	simm.s32 $0xFFFFFFFF;
	p2 =	slt.u32 s8, $0xFFFFF086  }
0x1c: {  	p1 =	slt.u32 s9, $0xF7A;
	s5 =	simm.s32 @!p2 $0x0  }
0x1d: {  	s5 =	simm.s32 @p1 $0x1;
	p0 =	seq.s32 s7, s2  }
0x1e: {  	s7 =	smul.u32 @!p0 $0xF7A, s2;
	p2 =	seq.s32 @!p0 s5, $0x0  }
0x1f: {  	s9 =	smul.u32 $0xF7A, s1;
	s8 =	simm.s32 @!p0 $0x1BF5;
	p2 =	por !p2, p0  }
0x20: {  	[sflag:s8] =	ssyncset.s32 @!p0 $0xFFFFF086;
	s6 =	sadd.s32 @!p0 s3, s7;
	s7 =	simm.s32 @!p0 $0x108  }
0x21: {  	s3 =	sadd.s32 s3, s9;
	s6 =	sadd.s32 @!p0 $0x88, s6;
	s7 =	simm.s32 @p2 $0x1082  }
0x22: {  	[simem:s7], [sflag:s8] =	dma.local @!p0 [hbm:s6], $0xF7A  }
0x23: {  	s9 =	sor.u32 $0xD0000000, s2;
	s6 =	simm.s32 $0x108;
	_ =	swait.ge @!p0 [sflag:s8], $0x0  }
0x24: {  	s3 =	sadd.s32 $0x88, s3;
	s6 =	simm.s32 @!p1 $0x1082;
	[sflag:s4] =	ssyncset.s32 $0xFFFFF086  }
0x25: {  	[simem:s6], [sflag:s4] =	dma.local [hbm:s3], $0xF7A  }
0x26: {  	[smem:$0x3F9E] =	sst s1;
	(tag) =	ssettag s2;
	_ =	strace s9  }
0x27: {  	s1 =	sld [smem:$0x3FAE]  }
0x28: {  	s2 =	sld [smem:$0x3FAF]  }
0x29: {  	s4 =	sld [smem:$0x3FB1]  }
0x2a: {  	p0 =	seq.s32 s5, $0x0;
	s5 =	sld [smem:$0x3FB2]  }
0x2b: {  	s6 =	sld [smem:$0x3FB3]  }
0x2c: {  	s7 =	sld [smem:$0x3FB4]  }
0x2d: {  	s3 =	simm.s32 $0x108;
	s8 =	sld [smem:$0x3FB5]  }
0x2e: {  	s3 =	simm.s32 @!p0 $0x1082;
	s9 =	sld [smem:$0x3FB6]  }
0x2f: {  	lr =	sadd.s32 s0, s3;
	s0 =	sld [smem:$0x3FAD]  }
0x30: {  	s3 =	sld [smem:$0x3FB0]  }
0x31: {  	[smem:$0x3FB9] =	sst s10  }
0x32: {  	s10 =	sld [smem:$0x3FB7];
	_ =	sdelay $0x3  }
0x33: {  	p0 =	seq.s32 s10, $0x1;
	s10 =	sld [smem:$0x3FB9];
	_ =	sdelay $0x3  }
0x34: {  	[smem:$0x3FB9] =	sst s10  }
0x35: {  	s10 =	sld [smem:$0x3FB8];
	_ =	sdelay $0x3  }
0x36: {  	p1 =	seq.s32 s10, $0x1;
	s10 =	sld [smem:$0x3FB9];
	_ =	sdelay $0x3  }
0x37: {  	[smem:$0x3FB9] =	sst s10  }
0x38: {  	s10 =	sld [smem:$0x3FBA]  }
0x39: {  	_ = 	snop;
	(pc) =	sbr.ind lr, $3  }
0x3a: {  	_ = 	snop  }
0x3b: {  	_ = 	snop  }
0x3c: {  	p2 =	seq.s32 s10, $0x1;
	s10 =	sld [smem:$0x3FB9]  }
0x3d: {  	_ =	shalt  }
0x3e: {  	_ =	shalt  }
0x3f: {  	_ =	shalt  }
0x40: {  	_ =	shalt  }
0x41: {  	_ =	shalt  }
0x42: {  	_ =	shalt  }
0x43: {  	_ =	shalt  }
0x44: {  	_ =	shalt  }
0x45: {  	_ =	shalt  }
0x46: {  	_ =	shalt  }
0x47: {  	_ =	shalt  }
0x48: {  	_ =	shalt  }
0x49: {  	_ =	shalt  }
0x4a: {  	_ =	shalt  }
0x4b: {  	_ =	shalt  }
0x4c: {  	_ =	shalt  }
0x4d: {  	_ =	shalt  }
0x4e: {  	_ =	shalt  }
0x4f: {  	_ =	shalt  }
0x50: {  	_ =	shalt  }
0x51: {  	_ =	shalt  }
0x52: {  	_ =	shalt  }
0x53: {  	_ =	shalt  }
0x54: {  	_ =	shalt  }
0x55: {  	_ =	shalt  }
0x56: {  	_ =	shalt  }
0x57: {  	_ =	shalt  }
0x58: {  	_ =	shalt  }
0x59: {  	_ =	shalt  }
0x5a: {  	_ =	shalt  }
0x5b: {  	_ =	shalt  }
0x5c: {  	_ =	shalt  }
0x5d: {  	_ =	shalt  }
0x5e: {  	_ =	shalt  }
0x5f: {  	_ =	shalt  }
0x60: {  	_ =	shalt  }
0x61: {  	_ =	shalt  }
0x62: {  	_ =	shalt  }
0x63: {  	_ =	shalt  }
0x64: {  	_ =	shalt  }
0x65: {  	_ =	shalt  }
0x66: {  	_ =	shalt  }
0x67: {  	_ =	shalt  }
0x68: {  	_ =	shalt  }
0x69: {  	_ =	shalt  }
0x6a: {  	_ =	shalt  }
0x6b: {  	_ =	shalt  }
0x6c: {  	_ =	shalt  }
0x6d: {  	_ =	shalt  }
0x6e: {  	_ =	shalt  }
0x6f: {  	_ =	shalt  }
0x70: {  	_ =	shalt  }
0x71: {  	_ =	shalt  }
0x72: {  	_ =	shalt  }
0x73: {  	_ =	shalt  }
0x74: {  	_ =	shalt  }
0x75: {  	_ =	shalt  }
0x76: {  	_ =	shalt  }
0x77: {  	_ =	shalt  }
0x78: {  	_ =	shalt  }
0x79: {  	_ =	shalt  }
0x7a: {  	_ =	shalt  }
0x7b: {  	_ =	shalt  }
0x7c: {  	_ =	shalt  }
0x7d: {  	_ =	shalt  }
0x7e: {  	_ =	shalt  }
0x7f: {  	_ =	shalt  }
0x80: {  	_ =	shalt  }
0x81: {  	_ =	shalt  }
0x82: {  	_ =	shalt  }
0x83: {  	_ =	shalt  }
0x84: {  	_ =	shalt  }
0x85: {  	_ =	shalt  }
0x86: {  	_ =	shalt  }
0x87: {  	_ =	shalt  }
.Lfunc_end0:
.L_simem_size_0:
called_computation_lowered:
.L_overlay_start_0:
0x88: {  	s2 =	sld [smem:$0x3FD9]  }
0x89: {  	s3 =	sld [smem:$0x3FFE];
	_ =	sdelay $0x1  }
0x8a: {  	s1 =	srdreg.scid  }
0x8b: {  	s0 =	sand.u32 $0x1, s1  }
0x8c: {  	s14 =	sshll.u32 s0, $0xA;
	s2 =	sadd.s32 s3, s2  }
0x8d: {  	s2 =	sadd.s32 s2, s14  }
0x8e: {  	[smem:$0x3FC5] =	sst s2  }
0x8f: {  	_ = 	snop  }
0x90: {  	s2 =	sld [smem:$0x3FD0];
	_ =	sdelay $0x2  }
0x91: {  	s4 =	simm.s32 $0xA;
	s5 =	simm.s32 $0x10;
	s15 =	sld [smem:$0x3FC7]  }
0x92: {  	[smem:s5], [sflag:s4] =	dma.local [hbm:s2], $0x1  }
0x93: {  	_ =	swait.eq [sflag:s4], $0x1  }
0x94: {  	[sflag:s4] =	ssyncset.done $0x0  }
0x95: {  	s16 =	sld [smem:$0x10];
	[sflag:s4] =	ssyncadd.s32 $0xFFFFFFFF  }
0x96: {  	s17 =	sld [smem:$0x11];
	(tm) =	ssettm $0x1  }
0x97: {  	s18 =	sld [smem:$0x3FFB];
	_ =	sdelay $0x3  }
0x98: {  	_ =	strace s18  }
0x99: {  	s5 =	sld [smem:$0x3FFC];
	_ =	sdelay $0x3  }
0x9a: {  	_ =	strace s5  }
0x9b: {  	s5 =	sld [smem:$0x3FFD];
	_ =	sdelay $0x3  }
0x9c: {  	_ =	strace s5  }
0x9d: {  	_ =	strace $0x8FFFFFFF  }
0x9e: {  	s19 =	sld [smem:$0x3FDB];
	_ =	sdelay $0x1  }
0x9f: {  	s6 =	simm.s32 $_scs_section_size  }
0xa0: {  	s7 =	simm.s32 $_size__tile_overlayer_lowered;
	s8 =	simm.s32 $_tile_overlayer_lowered  }
0xa1: {  	s22 =	simm.s32 $0x1BFF;
	s21 =	sshll.u32 s8, $0x1;
	s5 =	sadd.s32 s6, s19  }
0xa2: {  	s9 =	simm.s32 $0x0;
	s20 =	sshll.u32 s7, $0x1;
	s7 =	sadd.s32 s21, s5  }
0xa3: {  	[timem:s9], [sflag:s22] =	dma.local [hbm:s7], s20  }
0xa4: {  	_ =	swait.ge [sflag:s22], s20  }
0xa5: {  	s6 =	ssub.s32 $0x0, s20;
	[sflag:s22] =	ssyncset.done $0x0  }
0xa6: {  	[sflag:s22] =	ssyncadd.s32 s6;
	_ =	sdelay $0x1  }
0xa7: {  	s23 =	simm.s32 $0x1B8B  }
0xa8: {  	_ =	swait.ge [sflag:s23], $0x1  }
0xa9: {  	[sflag:s23] =	ssyncset.done $0x0  }
0xaa: {  	s25 =	simm.s32 $0x1B8E;
	s24 =	sld [smem:$0x3FFE];
	[sflag:s23] =	ssyncadd.s32 $0xFFFFFFFF  }
0xab: {  	s26 =	simm.s32 $execute0_lowered;
	[smem:$0x3FD2] =	sst s25  }
0xac: {  	s7 =	sshll.u32 s26, $0x1;
	_ =	strace $0x80000046;
	[dreg:$0x1] =	wrdreg $0xFFFFFFFF  }
0xad: {  	s28 =	simm.s32 $_size_execute0_lowered;
	s5 =	sadd.s32 s5, s7;
	[dreg:$0x0] =	wrdreg $0x0  }
0xae: {  	s7 =	sshll.u32 s28, $0x1;
	[dreg:$0x2] =	wrdreg s5  }
0xaf: {  	[dreg:$0x3] =	wrdreg s7  }
0xb0: {  	[dreg:$0x4] =	wrdreg $0xC0  }
0xb1: {  	_ =	task [dreg:s9], $0x5FFFF  }
0xb2: {  	[dreg:$0x1] =	wrdreg $0xFFFFFFFF  }
0xb3: {  	[dreg:$0x0] =	wrdreg $0x60  }
0xb4: {  	[dreg:$0x2] =	wrdreg s17  }
0xb5: {  	[dreg:$0x3] =	wrdreg s16  }
0xb6: {  	[dreg:$0x4] =	wrdreg s15  }
0xb7: {  	[dreg:$0x5] =	wrdreg s24  }
0xb8: {  	[dreg:$0x6] =	wrdreg $0x9  }
0xb9: {  	_ =	task.clear_ibuf [dreg:s9], $0x7FFFF;
	_ =	strace $0x90000046  }
0xba: {  	s29 =	simm.s32 $0x9;
	_ =	strace $0x80000048  }
0xbb: {  	_ =	swait.ge [sflag:s29], $0x1  }
0xbc: {  	[sflag:s29] =	ssyncadd.s32 $0xFFFFFFFF  }
0xbd: {  	_ =	strace $0x90000048  }
0xbe: {  	_ =	sfence  }
0xbf: {  	s30 =	sld [smem:$0x0];
	_ =	sdelay $0x2  }
0xc0: {  	s31 =	sshll.u32 s1, $0xD;
	s1 =	sshrl.u32 s1, $0x2  }
0xc1: {  	s3 =	sand.u32 $0x4000, s31;
	s1 =	sadd.s32 s1, s30  }
0xc2: {  	s0 =	sor.u32 s3, s0;
	s1 =	sshll.u32 s1, $0x11  }
0xc3: {  	s0 =	sor.u32 s1, s0  }
0xc4: {  	s0 =	sadd.s32 $0x8F2B, s0  }
0xc5: {  	[sflag:s0] =	ssyncadd.remote.s32 $0x1  }
0xc6: {  	_ =	sfence.sel $0xFFFF  }
0xc7: {  	[dreg:$0x0] =	wrdreg $0xFFFFFFFF;
	(pc) =	sbr.abs _section_cstart, $3  }
0xc8: {  	[dreg:$0x1] =	wrdreg $0xFFFFFFFF  }
0xc9: {  	_ =	task.clear_ibuf [dreg:s9], $0x2FFFF;
	_ =	strace $0x9FFFFFFF  }
0xca: {  	(tm) =	ssettm $0x7FFFFFFF  }
0xcb: {  	_ =	shalt  }
tec
execute0_lowered:
.L_overlay_start_1:
0x0: {  	(tag) =	ssettag $0x1  }
0x1: {  	s0 =	srdreg.scid  }
0x2: {  	s0 =	sand.u32 $0x1, s0  }
0x3: {  	s5 =	stileid.u32;
	s3 =	sshll.u32 s0, $0x4  }
0x4: {  	s3 =	sor.u32 s5, s3  }
0x5: {  	p0 =	sgt.u32 s3, $0x7  }
.Ltmp0:
0x6: {  	_ = 	snop;
	(pc) =	sbr.rel @p0 .LBB2_19-.Ltmp0, $4  }
0x7: {  	_ = 	snop  }
0x8: {  	s1 =	rddreg [dreg:$0x2];
	s4 =	simm.s32 $0x0  }
0x9: {  	[smem:$0x7FF] =	sst s4  }
0xa: {  	s2 =	rddreg [dreg:$0x3];
	_ =	strace $0x80000047  }
0xb: {  	s5 =	stileid.u32;
	s24 =	rddreg [dreg:$0x1]  }
0xc: {  	s0 =	ssub.s32 $0x2, s0;
	s31 =	simm.s32 $0x8850;
	s3 =	sshll.u32 s5, $0xD  }
0xd: {  	s6 =	sshll.u32 s5, $0x1;
	s25 =	sadd.s32 $0x880, s24;
	s8 =	sadd.s32 $0x1100, s24  }
0xe: {  	s11 =	sadd.s32 $0x1980, s24;
	s14 =	sadd.s32 $0x2200, s24;
	[dreg:$0x5] =	wrdreg s25  }
0xf: {  	s17 =	sadd.s32 $0x2A80, s24;
	s21 =	sadd.s32 $0x3300, s24;
	[dreg:$0x8] =	wrdreg s8  }
0x10: {  	s24 =	sadd.s32 $0x3B80, s24;
	s18 =	sshrl.u32 s0, $0x1;
	[dreg:$0xb] =	wrdreg s11  }
0x11: {  	s3 =	sadd.s32 s3, s2;
	s5 =	sadd.s32 s1, s6;
	[dreg:$0xe] =	wrdreg s14  }
0x12: {  	s1 =	sadd.s32 s6, s2;
	[dreg:$0x11] =	wrdreg s17;
	s0 =	ssub.s32 s0, s18  }
0x13: {  	s2 =	simm.s32 $0x5;
	s6 =	simm.s32 $0x3;
	s8 =	simm.s32 $0xA850  }
0x14: {  	s11 =	simm.s32 $0x1000;
	s14 =	simm.s32 $0xE850;
	s26 =	sadd.s32 $0x2000, s5  }
0x15: {  	s7 =	sadd.s32 $0xFC0, s3;
	s9 =	sadd.s32 $0x4000, s5;
	s10 =	sadd.s32 $0xF80, s3  }
0x16: {  	s12 =	sadd.s32 $0x6000, s5;
	s13 =	sadd.s32 $0xF40, s3;
	[dreg:$0x6] =	wrdreg s26  }
0x17: {  	s15 =	sadd.s32 $0x8000, s5;
	s16 =	sadd.s32 $0xF00, s3;
	[dreg:$0x7] =	wrdreg s7  }
0x18: {  	s19 =	sadd.s32 $0xA000, s5;
	s20 =	sadd.s32 $0xEC0, s3;
	[dreg:$0x9] =	wrdreg s9  }
0x19: {  	s22 =	sadd.s32 $0xC000, s5;
	s23 =	sadd.s32 $0xE80, s3;
	[dreg:$0xa] =	wrdreg s10  }
0x1a: {  	s25 =	sadd.s32 $0xE000, s5;
	s28 =	sadd.s32 $0xE00, s3;
	[dreg:$0xc] =	wrdreg s12  }
0x1b: {  	s29 =	sadd.s32 $0x10E00, s1;
	s30 =	smax.u32 s0, $0x1;
	[dreg:$0xd] =	wrdreg s13  }
0x1c: {  	s0 =	simm.s32 $0x80;
	s1 =	simm.s32 $0x1;
	[dreg:$0xf] =	wrdreg s15  }
0x1d: {  	[dreg:$0x10] =	wrdreg s16;
	s26 =	sadd.s32 $0xE40, s3;
	s3 =	simm.s32 $0x10  }
0x1e: {  	v1 =	vlaneseq.u32;
	s7 =	simm.s32 $0x4428;
	s9 =	simm.s32 $0xC850;
	s10 =	simm.s32 $0x200  }
0x1f: {  	v0 =	vimm.s32 $0x0;
	v1 =	vmul.u32 $0x200, v1;
	s12 =	simm.s32 $0x2;
	s13 =	simm.s32 $0x4;
	s15 =	simm.s32 $0x0  }
.LBB2_2:
0x20: {  	s16 =	simm.s32 $0x0;
	s17 =	rddreg [dreg:$0x0];
	s18 =	simm.s32 $0x10850  }
0x21: {  	[tilespmem:s18], [sflag:$0x5] =	stream.linear.gather [hbm4b:s17+s16], $0x10, $0x38;
	[tilespmem:$0x10870] =	vst v63  }
0x22: {  	_ =	swait.ge [sflag:s2], $0x10  }
0x23: {  	[sflag:s2] =	ssyncset.done $0x0  }
0x24: {  	[sflag:s2] =	ssyncadd.s32 $0xFFFFFFF0  }
0x25: {  	s18 =	rddreg [dreg:$0x1]  }
0x26: {  	v2 =	vld [tilespmem:$0x10850];
	[tilespmem:s16], [sflag:$0x1] =	stream.linear.gather [hbm4b:s18+s16], $0x4400, $0x38  }
0x27: {  	_ = 	snop  }
0x28: {  	[tilespmem:s31], [sflag:$0x3] =	stream.strided.gather [hbm4b:s5+s3], $0x2000, s0, s3, $0x38;
	[tilespmem:$0x10870] =	vst v63  }
0x29: {  	_ =	swait.ge [sflag:s1], $0x4400  }
0x2a: {  	[sflag:s1] =	ssyncset.done $0x0  }
0x2b: {  	[sflag:s1] =	ssyncadd.s32 $0xFFFFBC00  }
0x2c: {  	_ =	swait.ge [sflag:s6], $0x2000  }
0x2d: {  	v3 =	vadd.s32 v2, v0;
	[sflag:s6] =	ssyncset.done $0x0  }
0x2e: {  	s18 =	rddreg [dreg:$0x5];
	[sflag:s6] =	ssyncadd.s32 $0xFFFFE000  }
0x2f: {  	[tilespmem:s7], [sflag:$0x2] =	stream.linear.gather [hbm4b:s18+s16], $0x4400, $0x38;
	[tilespmem:$0x10870] =	vst v63  }
0x30: {  	s17 =	rddreg [dreg:$0x6]  }
0x31: {  	[tilespmem:s8], [sflag:$0x4] =	stream.strided.gather [hbm4b:s17+s3], $0x2000, s0, s3, $0x38;
	[tilespmem:$0x10870] =	vst v63  }
0x32: {  	s18 =	simm.s32 $0x0;
	v3 =	vld.idx.msk [tilespmem:v3+s4+$0x0], $0xffff  }
0x33: {  	v4 =	vld [tilespmem:s18+$0x8850];
	_ =	sdelay $0x1  }
0x34: {  	v5 =	vimm.s32 $0x1FF;
	v6 =	vadd.s32 $0x21, v0  }
0x35: {  	v7 =	vadd.s32 v1, v5;
	_ =	sdelay $0x1  }
0x36: {  	vm0 =	vlt.f32 v4, v3  }
0x37: {  	v8 =	vsel vm0, $0x1, v0  }
0x38: {  	v4 =	vld.idx.msk [tilespmem:v6+s4+$0x0], $0xffff;
	v6 =	vadd.s32 $0x22, v0;
	v3 =	vsub.s32 v2, v8  }
0x39: {  	s16 =	simm.s32 $0x40;
	s17 =	simm.s32 $0x80;
	[tilespmem:v7+s9+$0x0] =	vst.idx.msk $0xffff, v8;
	v2 =	vimm.f32 $0.0e+00;
	v7 =	vadd.s32 v3, v6  }
.LBB2_3:
0x3a: {  	p0 =	sne.s32 s17, $0x7FC0;
	_ =	sdelay $0x3  }
0x3b: {  	s18 =	sshra.s32 s16, $0x2;
	s16 =	smov.u32 s17;
	v4 =	vnsel vm0, $0x0, v4;
	v7 =	vld.idx.msk [tilespmem:v7+s4+$0x0], $0xffff  }
0x3c: {  	v2 =	vadd.f32 v4, v2;
	v8 =	vld [tilespmem:s18+$0x8850]  }
0x3d: {  	v5 =	vadd.s32 $0xFFFFFFFF, v5  }
0x3e: {  	v9 =	vadd.s32 v1, v5;
	v4 =	vadd.s32 $0x21, v6;
	_ =	sdelay $0x1  }
.Ltmp1:
0x3f: {  	(pc) =	sbr.rel @p0 .LBB2_3-.Ltmp1, $4  }
0x40: {  	vm0 =	vlt.f32 v8, v7  }
0x41: {  	v7 =	vsel vm0, $0x1, v0  }
0x42: {  	v6 =	vadd.s32 $0x22, v6;
	v4 =	vld.idx.msk [tilespmem:v4+s4+$0x0], $0xffff;
	[tilespmem:v9+s9+$0x0] =	vst.idx.msk $0xffff, v7;
	v3 =	vsub.s32 v3, v7  }
0x43: {  	s17 =	sadd.s32 $0x40, s17;
	v7 =	vadd.s32 v3, v6  }
0x44: {  	_ =	sdelay $0x3  }
0x45: {  	v7 =	vld.idx.msk [tilespmem:v7+s4+$0x0], $0xffff;
	s16 =	sshra.s32 s16, $0x2  }
0x46: {  	v8 =	vld [tilespmem:s16+$0x8850]  }
0x47: {  	v5 =	vadd.s32 $0xFFFFFFFF, v5  }
0x48: {  	v6 =	vadd.s32 $0x21, v6;
	v5 =	vadd.s32 v1, v5;
	_ =	sdelay $0x2  }
0x49: {  	vm1 =	vlt.f32 v8, v7  }
0x4a: {  	v7 =	vsel vm1, $0x1, v0  }
0x4b: {  	s17 =	rddreg [dreg:$0x7];
	v6 =	vld.idx.msk [tilespmem:v6+s4+$0x0], $0xffff;
	[tilespmem:v5+s9+$0x0] =	vst.idx.msk $0xffff, v7  }
0x4c: {  	[hbm4b:s17+s10] =	stream.strided.scatter [tilespmem:s9], [sflag:$0x5], $0x2000, s11, s10, $0x38;
	[tilespmem:$0x10870] =	vst v63  }
0x4d: {  	_ =	swait.ge [sflag:s2], $0x2000  }
0x4e: {  	[sflag:s2] =	ssyncset.done $0x0  }
0x4f: {  	[sflag:s2] =	ssyncadd.s32 $0xFFFFE000  }
0x50: {  	_ =	swait.ge [sflag:s12], $0x4400  }
0x51: {  	[sflag:s12] =	ssyncset.done $0x0  }
0x52: {  	[sflag:s12] =	ssyncadd.s32 $0xFFFFBC00  }
0x53: {  	v3 =	vsub.s32 v3, v7;
	v7 =	vimm.s32 $0x0;
	_ =	swait.ge [sflag:s13], $0x2000  }
0x54: {  	v5 =	vadd.s32 v3, v7;
	[sflag:s13] =	ssyncset.done $0x0  }
0x55: {  	s18 =	simm.s32 $0x0;
	s17 =	rddreg [dreg:$0x8];
	[sflag:s13] =	ssyncadd.s32 $0xFFFFE000  }
0x56: {  	[tilespmem:s18], [sflag:$0x1] =	stream.linear.gather [hbm4b:s17+s18], $0x4400, $0x38;
	[tilespmem:$0x10870] =	vst v63  }
0x57: {  	s17 =	rddreg [dreg:$0x9]  }
0x58: {  	[tilespmem:s31], [sflag:$0x3] =	stream.strided.gather [hbm4b:s17+s3], $0x2000, s0, s3, $0x38;
	[tilespmem:$0x10870] =	vst v63  }
0x59: {  	s18 =	simm.s32 $0x0;
	v8 =	vld.idx.msk [tilespmem:v5+s7+$0x0], $0xffff  }
0x5a: {  	v9 =	vld [tilespmem:s18+$0xA850];
	_ =	sdelay $0x1  }
0x5b: {  	v5 =	vimm.s32 $0x1FF  }
0x5c: {  	v10 =	vadd.s32 $0x21, v7;
	v11 =	vadd.s32 v1, v5;
	_ =	sdelay $0x1  }
0x5d: {  	v4 =	vnsel vm0, $0x0, v4;
	vm0 =	vlt.f32 v9, v8  }
0x5e: {  	v2 =	vadd.f32 v4, v2;
	v8 =	vsel vm0, $0x1, v0  }
0x5f: {  	v63 =	vnsel vm1, $0x0, v6;
	v6 =	vadd.s32 $0x22, v7;
	v3 =	vsub.s32 v3, v8  }
0x60: {  	s16 =	simm.s32 $0x40;
	v2 =	vadd.f32 v63, v2;
	s17 =	simm.s32 $0x80;
	v4 =	vld.idx.msk [tilespmem:v10+s7+$0x0], $0xffff;
	[tilespmem:v11+s14+$0x0] =	vst.idx.msk $0xffff, v8;
	v7 =	vadd.s32 v3, v6  }
.LBB2_5:
0x61: {  	p0 =	sne.s32 s17, $0x7FC0;
	_ =	sdelay $0x3  }
0x62: {  	s18 =	sshra.s32 s16, $0x2;
	s16 =	smov.u32 s17;
	v4 =	vnsel vm0, $0x0, v4;
	v7 =	vld.idx.msk [tilespmem:v7+s7+$0x0], $0xffff  }
0x63: {  	v2 =	vadd.f32 v4, v2;
	v8 =	vld [tilespmem:s18+$0xA850]  }
0x64: {  	v5 =	vadd.s32 $0xFFFFFFFF, v5  }
0x65: {  	v9 =	vadd.s32 v1, v5;
	v4 =	vadd.s32 $0x21, v6;
	_ =	sdelay $0x1  }
.Ltmp2:
0x66: {  	(pc) =	sbr.rel @p0 .LBB2_5-.Ltmp2, $4  }
0x67: {  	vm0 =	vlt.f32 v8, v7  }
0x68: {  	v7 =	vsel vm0, $0x1, v0  }
0x69: {  	v6 =	vadd.s32 $0x22, v6;
	v4 =	vld.idx.msk [tilespmem:v4+s7+$0x0], $0xffff;
	[tilespmem:v9+s14+$0x0] =	vst.idx.msk $0xffff, v7;
	v3 =	vsub.s32 v3, v7  }
0x6a: {  	s17 =	sadd.s32 $0x40, s17;
	v7 =	vadd.s32 v3, v6  }
0x6b: {  	_ =	sdelay $0x3  }
0x6c: {  	v7 =	vld.idx.msk [tilespmem:v7+s7+$0x0], $0xffff;
	s16 =	sshra.s32 s16, $0x2  }
0x6d: {  	v8 =	vld [tilespmem:s16+$0xA850]  }
0x6e: {  	v5 =	vadd.s32 $0xFFFFFFFF, v5  }
0x6f: {  	v6 =	vadd.s32 $0x21, v6;
	v5 =	vadd.s32 v1, v5;
	_ =	sdelay $0x2  }
0x70: {  	vm1 =	vlt.f32 v8, v7  }
0x71: {  	v7 =	vsel vm1, $0x1, v0  }
0x72: {  	s17 =	rddreg [dreg:$0xa];
	v6 =	vld.idx.msk [tilespmem:v6+s7+$0x0], $0xffff;
	[tilespmem:v5+s14+$0x0] =	vst.idx.msk $0xffff, v7  }
0x73: {  	[hbm4b:s17+s10] =	stream.strided.scatter [tilespmem:s14], [sflag:$0x5], $0x2000, s11, s10, $0x38;
	[tilespmem:$0x10870] =	vst v63  }
0x74: {  	_ =	swait.ge [sflag:s2], $0x2000  }
0x75: {  	[sflag:s2] =	ssyncset.done $0x0  }
0x76: {  	[sflag:s2] =	ssyncadd.s32 $0xFFFFE000  }
0x77: {  	_ =	swait.ge [sflag:s1], $0x4400  }
0x78: {  	[sflag:s1] =	ssyncset.done $0x0  }
0x79: {  	[sflag:s1] =	ssyncadd.s32 $0xFFFFBC00  }
0x7a: {  	v3 =	vsub.s32 v3, v7;
	v7 =	vimm.s32 $0x0;
	_ =	swait.ge [sflag:s6], $0x2000  }
0x7b: {  	v5 =	vadd.s32 v3, v7;
	[sflag:s6] =	ssyncset.done $0x0  }
0x7c: {  	s18 =	simm.s32 $0x0;
	s17 =	rddreg [dreg:$0xb];
	[sflag:s6] =	ssyncadd.s32 $0xFFFFE000  }
0x7d: {  	[tilespmem:s7], [sflag:$0x2] =	stream.linear.gather [hbm4b:s17+s18], $0x4400, $0x38;
	[tilespmem:$0x10870] =	vst v63  }
0x7e: {  	s17 =	rddreg [dreg:$0xc]  }
0x7f: {  	[tilespmem:s8], [sflag:$0x4] =	stream.strided.gather [hbm4b:s17+s3], $0x2000, s0, s3, $0x38;
	[tilespmem:$0x10870] =	vst v63  }
0x80: {  	s18 =	simm.s32 $0x0;
	v8 =	vld.idx.msk [tilespmem:v5+s4+$0x0], $0xffff  }
0x81: {  	v9 =	vld [tilespmem:s18+$0x8850];
	_ =	sdelay $0x1  }
0x82: {  	v5 =	vimm.s32 $0x1FF  }
0x83: {  	v10 =	vadd.s32 $0x21, v7;
	v11 =	vadd.s32 v1, v5;
	_ =	sdelay $0x1  }
0x84: {  	v4 =	vnsel vm0, $0x0, v4;
	vm0 =	vlt.f32 v9, v8  }
0x85: {  	v2 =	vadd.f32 v4, v2;
	v8 =	vsel vm0, $0x1, v0  }
0x86: {  	v63 =	vnsel vm1, $0x0, v6;
	v6 =	vadd.s32 $0x22, v7;
	v3 =	vsub.s32 v3, v8  }
0x87: {  	s16 =	simm.s32 $0x40;
	v2 =	vadd.f32 v63, v2;
	s17 =	simm.s32 $0x80;
	v4 =	vld.idx.msk [tilespmem:v10+s4+$0x0], $0xffff;
	[tilespmem:v11+s9+$0x0] =	vst.idx.msk $0xffff, v8;
	v7 =	vadd.s32 v3, v6  }
.LBB2_7:
0x88: {  	p0 =	sne.s32 s17, $0x7FC0;
	_ =	sdelay $0x3  }
0x89: {  	s18 =	sshra.s32 s16, $0x2;
	s16 =	smov.u32 s17;
	v4 =	vnsel vm0, $0x0, v4;
	v7 =	vld.idx.msk [tilespmem:v7+s4+$0x0], $0xffff  }
0x8a: {  	v2 =	vadd.f32 v4, v2;
	v8 =	vld [tilespmem:s18+$0x8850]  }
0x8b: {  	v5 =	vadd.s32 $0xFFFFFFFF, v5  }
0x8c: {  	v9 =	vadd.s32 v1, v5;
	v4 =	vadd.s32 $0x21, v6;
	_ =	sdelay $0x1  }
.Ltmp3:
0x8d: {  	(pc) =	sbr.rel @p0 .LBB2_7-.Ltmp3, $4  }
0x8e: {  	vm0 =	vlt.f32 v8, v7  }
0x8f: {  	v7 =	vsel vm0, $0x1, v0  }
0x90: {  	v6 =	vadd.s32 $0x22, v6;
	v4 =	vld.idx.msk [tilespmem:v4+s4+$0x0], $0xffff;
	[tilespmem:v9+s9+$0x0] =	vst.idx.msk $0xffff, v7;
	v3 =	vsub.s32 v3, v7  }
0x91: {  	s17 =	sadd.s32 $0x40, s17;
	v7 =	vadd.s32 v3, v6  }
0x92: {  	_ =	sdelay $0x3  }
0x93: {  	v7 =	vld.idx.msk [tilespmem:v7+s4+$0x0], $0xffff;
	s16 =	sshra.s32 s16, $0x2  }
0x94: {  	v8 =	vld [tilespmem:s16+$0x8850]  }
0x95: {  	v5 =	vadd.s32 $0xFFFFFFFF, v5  }
0x96: {  	v6 =	vadd.s32 $0x21, v6;
	v5 =	vadd.s32 v1, v5;
	_ =	sdelay $0x2  }
0x97: {  	vm1 =	vlt.f32 v8, v7  }
0x98: {  	v7 =	vsel vm1, $0x1, v0  }
0x99: {  	s17 =	rddreg [dreg:$0xd];
	v6 =	vld.idx.msk [tilespmem:v6+s4+$0x0], $0xffff;
	[tilespmem:v5+s9+$0x0] =	vst.idx.msk $0xffff, v7  }
0x9a: {  	[hbm4b:s17+s10] =	stream.strided.scatter [tilespmem:s9], [sflag:$0x5], $0x2000, s11, s10, $0x38;
	[tilespmem:$0x10870] =	vst v63  }
0x9b: {  	_ =	swait.ge [sflag:s2], $0x2000  }
0x9c: {  	[sflag:s2] =	ssyncset.done $0x0  }
0x9d: {  	[sflag:s2] =	ssyncadd.s32 $0xFFFFE000  }
0x9e: {  	_ =	swait.ge [sflag:s12], $0x4400  }
0x9f: {  	[sflag:s12] =	ssyncset.done $0x0  }
0xa0: {  	[sflag:s12] =	ssyncadd.s32 $0xFFFFBC00  }
0xa1: {  	v3 =	vsub.s32 v3, v7;
	v7 =	vimm.s32 $0x0;
	_ =	swait.ge [sflag:s13], $0x2000  }
0xa2: {  	v5 =	vadd.s32 v3, v7;
	[sflag:s13] =	ssyncset.done $0x0  }
0xa3: {  	s18 =	simm.s32 $0x0;
	s17 =	rddreg [dreg:$0xe];
	[sflag:s13] =	ssyncadd.s32 $0xFFFFE000  }
0xa4: {  	[tilespmem:s18], [sflag:$0x1] =	stream.linear.gather [hbm4b:s17+s18], $0x4400, $0x38;
	[tilespmem:$0x10870] =	vst v63  }
0xa5: {  	s17 =	rddreg [dreg:$0xf]  }
0xa6: {  	[tilespmem:s31], [sflag:$0x3] =	stream.strided.gather [hbm4b:s17+s3], $0x2000, s0, s3, $0x38;
	[tilespmem:$0x10870] =	vst v63  }
0xa7: {  	s18 =	simm.s32 $0x0;
	v8 =	vld.idx.msk [tilespmem:v5+s7+$0x0], $0xffff  }
0xa8: {  	v9 =	vld [tilespmem:s18+$0xA850];
	_ =	sdelay $0x1  }
0xa9: {  	v5 =	vimm.s32 $0x1FF  }
0xaa: {  	v10 =	vadd.s32 $0x21, v7;
	v11 =	vadd.s32 v1, v5;
	_ =	sdelay $0x1  }
0xab: {  	v4 =	vnsel vm0, $0x0, v4;
	vm0 =	vlt.f32 v9, v8  }
0xac: {  	v2 =	vadd.f32 v4, v2;
	v8 =	vsel vm0, $0x1, v0  }
0xad: {  	v63 =	vnsel vm1, $0x0, v6;
	v6 =	vadd.s32 $0x22, v7;
	v3 =	vsub.s32 v3, v8  }
0xae: {  	s16 =	simm.s32 $0x40;
	v2 =	vadd.f32 v63, v2;
	s17 =	simm.s32 $0x80;
	v4 =	vld.idx.msk [tilespmem:v10+s7+$0x0], $0xffff;
	[tilespmem:v11+s14+$0x0] =	vst.idx.msk $0xffff, v8;
	v7 =	vadd.s32 v3, v6  }
.LBB2_9:
0xaf: {  	p0 =	sne.s32 s17, $0x7FC0;
	_ =	sdelay $0x3  }
0xb0: {  	s18 =	sshra.s32 s16, $0x2;
	s16 =	smov.u32 s17;
	v4 =	vnsel vm0, $0x0, v4;
	v7 =	vld.idx.msk [tilespmem:v7+s7+$0x0], $0xffff  }
0xb1: {  	v2 =	vadd.f32 v4, v2;
	v8 =	vld [tilespmem:s18+$0xA850]  }
0xb2: {  	v5 =	vadd.s32 $0xFFFFFFFF, v5  }
0xb3: {  	v9 =	vadd.s32 v1, v5;
	v4 =	vadd.s32 $0x21, v6;
	_ =	sdelay $0x1  }
.Ltmp4:
0xb4: {  	(pc) =	sbr.rel @p0 .LBB2_9-.Ltmp4, $4  }
0xb5: {  	vm0 =	vlt.f32 v8, v7  }
0xb6: {  	v7 =	vsel vm0, $0x1, v0  }
0xb7: {  	v6 =	vadd.s32 $0x22, v6;
	v4 =	vld.idx.msk [tilespmem:v4+s7+$0x0], $0xffff;
	[tilespmem:v9+s14+$0x0] =	vst.idx.msk $0xffff, v7;
	v3 =	vsub.s32 v3, v7  }
0xb8: {  	s17 =	sadd.s32 $0x40, s17;
	v7 =	vadd.s32 v3, v6  }
0xb9: {  	_ =	sdelay $0x3  }
0xba: {  	v7 =	vld.idx.msk [tilespmem:v7+s7+$0x0], $0xffff;
	s16 =	sshra.s32 s16, $0x2  }
0xbb: {  	v8 =	vld [tilespmem:s16+$0xA850]  }
0xbc: {  	v5 =	vadd.s32 $0xFFFFFFFF, v5  }
0xbd: {  	v6 =	vadd.s32 $0x21, v6;
	v5 =	vadd.s32 v1, v5;
	_ =	sdelay $0x2  }
0xbe: {  	vm1 =	vlt.f32 v8, v7  }
0xbf: {  	v7 =	vsel vm1, $0x1, v0  }
0xc0: {  	s17 =	rddreg [dreg:$0x10];
	v6 =	vld.idx.msk [tilespmem:v6+s7+$0x0], $0xffff;
	[tilespmem:v5+s14+$0x0] =	vst.idx.msk $0xffff, v7  }
0xc1: {  	[hbm4b:s17+s10] =	stream.strided.scatter [tilespmem:s14], [sflag:$0x5], $0x2000, s11, s10, $0x38;
	[tilespmem:$0x10870] =	vst v63  }
0xc2: {  	_ =	swait.ge [sflag:s2], $0x2000  }
0xc3: {  	[sflag:s2] =	ssyncset.done $0x0  }
0xc4: {  	[sflag:s2] =	ssyncadd.s32 $0xFFFFE000  }
0xc5: {  	_ =	swait.ge [sflag:s1], $0x4400  }
0xc6: {  	[sflag:s1] =	ssyncset.done $0x0  }
0xc7: {  	[sflag:s1] =	ssyncadd.s32 $0xFFFFBC00  }
0xc8: {  	v3 =	vsub.s32 v3, v7;
	v7 =	vimm.s32 $0x0;
	_ =	swait.ge [sflag:s6], $0x2000  }
0xc9: {  	v5 =	vadd.s32 v3, v7;
	[sflag:s6] =	ssyncset.done $0x0  }
0xca: {  	s18 =	simm.s32 $0x0;
	s17 =	rddreg [dreg:$0x11];
	[sflag:s6] =	ssyncadd.s32 $0xFFFFE000  }
0xcb: {  	[tilespmem:s7], [sflag:$0x2] =	stream.linear.gather [hbm4b:s17+s18], $0x4400, $0x38;
	[tilespmem:$0x10870] =	vst v63  }
0xcc: {  	_ = 	snop  }
0xcd: {  	[tilespmem:s8], [sflag:$0x4] =	stream.strided.gather [hbm4b:s19+s3], $0x2000, s0, s3, $0x38;
	[tilespmem:$0x10870] =	vst v63  }
0xce: {  	s18 =	simm.s32 $0x0;
	v8 =	vld.idx.msk [tilespmem:v5+s4+$0x0], $0xffff  }
0xcf: {  	v9 =	vld [tilespmem:s18+$0x8850];
	_ =	sdelay $0x1  }
0xd0: {  	v5 =	vimm.s32 $0x1FF  }
0xd1: {  	v10 =	vadd.s32 $0x21, v7;
	v11 =	vadd.s32 v1, v5;
	_ =	sdelay $0x1  }
0xd2: {  	v4 =	vnsel vm0, $0x0, v4;
	vm0 =	vlt.f32 v9, v8  }
0xd3: {  	v2 =	vadd.f32 v4, v2;
	v8 =	vsel vm0, $0x1, v0  }
0xd4: {  	v63 =	vnsel vm1, $0x0, v6;
	v6 =	vadd.s32 $0x22, v7;
	v3 =	vsub.s32 v3, v8  }
0xd5: {  	s16 =	simm.s32 $0x40;
	v2 =	vadd.f32 v63, v2;
	s17 =	simm.s32 $0x80;
	v4 =	vld.idx.msk [tilespmem:v10+s4+$0x0], $0xffff;
	[tilespmem:v11+s9+$0x0] =	vst.idx.msk $0xffff, v8;
	v7 =	vadd.s32 v3, v6  }
.LBB2_11:
0xd6: {  	p0 =	sne.s32 s17, $0x7FC0;
	_ =	sdelay $0x3  }
0xd7: {  	s18 =	sshra.s32 s16, $0x2;
	s16 =	smov.u32 s17;
	v4 =	vnsel vm0, $0x0, v4;
	v7 =	vld.idx.msk [tilespmem:v7+s4+$0x0], $0xffff  }
0xd8: {  	v2 =	vadd.f32 v4, v2;
	v8 =	vld [tilespmem:s18+$0x8850]  }
0xd9: {  	v5 =	vadd.s32 $0xFFFFFFFF, v5  }
0xda: {  	v9 =	vadd.s32 v1, v5;
	v4 =	vadd.s32 $0x21, v6;
	_ =	sdelay $0x1  }
.Ltmp5:
0xdb: {  	(pc) =	sbr.rel @p0 .LBB2_11-.Ltmp5, $4  }
0xdc: {  	vm0 =	vlt.f32 v8, v7  }
0xdd: {  	v7 =	vsel vm0, $0x1, v0  }
0xde: {  	v6 =	vadd.s32 $0x22, v6;
	v4 =	vld.idx.msk [tilespmem:v4+s4+$0x0], $0xffff;
	[tilespmem:v9+s9+$0x0] =	vst.idx.msk $0xffff, v7;
	v3 =	vsub.s32 v3, v7  }
0xdf: {  	s17 =	sadd.s32 $0x40, s17;
	v7 =	vadd.s32 v3, v6  }
0xe0: {  	_ =	sdelay $0x3  }
0xe1: {  	v7 =	vld.idx.msk [tilespmem:v7+s4+$0x0], $0xffff;
	s16 =	sshra.s32 s16, $0x2  }
0xe2: {  	v8 =	vld [tilespmem:s16+$0x8850]  }
0xe3: {  	v5 =	vadd.s32 $0xFFFFFFFF, v5  }
0xe4: {  	v6 =	vadd.s32 $0x21, v6;
	v5 =	vadd.s32 v1, v5;
	_ =	sdelay $0x2  }
0xe5: {  	vm1 =	vlt.f32 v8, v7  }
0xe6: {  	v7 =	vsel vm1, $0x1, v0  }
0xe7: {  	v6 =	vld.idx.msk [tilespmem:v6+s4+$0x0], $0xffff;
	[tilespmem:v5+s9+$0x0] =	vst.idx.msk $0xffff, v7  }
0xe8: {  	[hbm4b:s20+s10] =	stream.strided.scatter [tilespmem:s9], [sflag:$0x5], $0x2000, s11, s10, $0x38;
	[tilespmem:$0x10870] =	vst v63  }
0xe9: {  	_ =	swait.ge [sflag:s2], $0x2000  }
0xea: {  	[sflag:s2] =	ssyncset.done $0x0  }
0xeb: {  	[sflag:s2] =	ssyncadd.s32 $0xFFFFE000  }
0xec: {  	_ =	swait.ge [sflag:s12], $0x4400  }
0xed: {  	[sflag:s12] =	ssyncset.done $0x0  }
0xee: {  	[sflag:s12] =	ssyncadd.s32 $0xFFFFBC00  }
0xef: {  	v3 =	vsub.s32 v3, v7;
	v7 =	vimm.s32 $0x0;
	_ =	swait.ge [sflag:s13], $0x2000  }
0xf0: {  	v5 =	vadd.s32 v3, v7;
	[sflag:s13] =	ssyncset.done $0x0  }
0xf1: {  	s17 =	simm.s32 $0x0;
	[sflag:s13] =	ssyncadd.s32 $0xFFFFE000  }
0xf2: {  	[tilespmem:s17], [sflag:$0x1] =	stream.linear.gather [hbm4b:s21+s17], $0x4400, $0x38;
	[tilespmem:$0x10870] =	vst v63  }
0xf3: {  	_ = 	snop  }
0xf4: {  	[tilespmem:s31], [sflag:$0x3] =	stream.strided.gather [hbm4b:s22+s3], $0x2000, s0, s3, $0x38;
	[tilespmem:$0x10870] =	vst v63  }
0xf5: {  	s18 =	simm.s32 $0x0;
	v8 =	vld.idx.msk [tilespmem:v5+s7+$0x0], $0xffff  }
0xf6: {  	v9 =	vld [tilespmem:s18+$0xA850];
	_ =	sdelay $0x1  }
0xf7: {  	v5 =	vimm.s32 $0x1FF  }
0xf8: {  	v10 =	vadd.s32 $0x21, v7;
	v11 =	vadd.s32 v1, v5;
	_ =	sdelay $0x1  }
0xf9: {  	v4 =	vnsel vm0, $0x0, v4;
	vm0 =	vlt.f32 v9, v8  }
0xfa: {  	v2 =	vadd.f32 v4, v2;
	v8 =	vsel vm0, $0x1, v0  }
0xfb: {  	v63 =	vnsel vm1, $0x0, v6;
	v6 =	vadd.s32 $0x22, v7;
	v3 =	vsub.s32 v3, v8  }
0xfc: {  	s16 =	simm.s32 $0x40;
	v2 =	vadd.f32 v63, v2;
	s17 =	simm.s32 $0x80;
	v4 =	vld.idx.msk [tilespmem:v10+s7+$0x0], $0xffff;
	[tilespmem:v11+s14+$0x0] =	vst.idx.msk $0xffff, v8;
	v7 =	vadd.s32 v3, v6  }
.LBB2_13:
0xfd: {  	p0 =	sne.s32 s17, $0x7FC0;
	_ =	sdelay $0x3  }
0xfe: {  	s18 =	sshra.s32 s16, $0x2;
	s16 =	smov.u32 s17;
	v4 =	vnsel vm0, $0x0, v4;
	v7 =	vld.idx.msk [tilespmem:v7+s7+$0x0], $0xffff  }
0xff: {  	v2 =	vadd.f32 v4, v2;
	v8 =	vld [tilespmem:s18+$0xA850]  }
0x100: {  	v5 =	vadd.s32 $0xFFFFFFFF, v5  }
0x101: {  	v9 =	vadd.s32 v1, v5;
	v4 =	vadd.s32 $0x21, v6;
	_ =	sdelay $0x1  }
.Ltmp6:
0x102: {  	(pc) =	sbr.rel @p0 .LBB2_13-.Ltmp6, $4  }
0x103: {  	vm0 =	vlt.f32 v8, v7  }
0x104: {  	v7 =	vsel vm0, $0x1, v0  }
0x105: {  	v6 =	vadd.s32 $0x22, v6;
	v4 =	vld.idx.msk [tilespmem:v4+s7+$0x0], $0xffff;
	[tilespmem:v9+s14+$0x0] =	vst.idx.msk $0xffff, v7;
	v3 =	vsub.s32 v3, v7  }
0x106: {  	s17 =	sadd.s32 $0x40, s17;
	v7 =	vadd.s32 v3, v6  }
0x107: {  	_ =	sdelay $0x3  }
0x108: {  	v7 =	vld.idx.msk [tilespmem:v7+s7+$0x0], $0xffff;
	s16 =	sshra.s32 s16, $0x2  }
0x109: {  	v8 =	vld [tilespmem:s16+$0xA850]  }
0x10a: {  	v5 =	vadd.s32 $0xFFFFFFFF, v5  }
0x10b: {  	v6 =	vadd.s32 $0x21, v6;
	v5 =	vadd.s32 v1, v5;
	_ =	sdelay $0x2  }
0x10c: {  	vm1 =	vlt.f32 v8, v7  }
0x10d: {  	v7 =	vsel vm1, $0x1, v0  }
0x10e: {  	v6 =	vld.idx.msk [tilespmem:v6+s7+$0x0], $0xffff;
	[tilespmem:v5+s14+$0x0] =	vst.idx.msk $0xffff, v7  }
0x10f: {  	[hbm4b:s23+s10] =	stream.strided.scatter [tilespmem:s14], [sflag:$0x5], $0x2000, s11, s10, $0x38;
	[tilespmem:$0x10870] =	vst v63  }
0x110: {  	_ =	swait.ge [sflag:s2], $0x2000  }
0x111: {  	[sflag:s2] =	ssyncset.done $0x0  }
0x112: {  	[sflag:s2] =	ssyncadd.s32 $0xFFFFE000  }
0x113: {  	_ =	swait.ge [sflag:s1], $0x4400  }
0x114: {  	[sflag:s1] =	ssyncset.done $0x0  }
0x115: {  	[sflag:s1] =	ssyncadd.s32 $0xFFFFBC00  }
0x116: {  	v3 =	vsub.s32 v3, v7;
	v7 =	vimm.s32 $0x0;
	_ =	swait.ge [sflag:s6], $0x2000  }
0x117: {  	v5 =	vadd.s32 v3, v7;
	[sflag:s6] =	ssyncset.done $0x0  }
0x118: {  	s17 =	simm.s32 $0x0;
	[sflag:s6] =	ssyncadd.s32 $0xFFFFE000  }
0x119: {  	[tilespmem:s7], [sflag:$0x2] =	stream.linear.gather [hbm4b:s24+s17], $0x4400, $0x38;
	[tilespmem:$0x10870] =	vst v63  }
0x11a: {  	_ = 	snop  }
0x11b: {  	[tilespmem:s8], [sflag:$0x4] =	stream.strided.gather [hbm4b:s25+s3], $0x2000, s0, s3, $0x38;
	[tilespmem:$0x10870] =	vst v63  }
0x11c: {  	s18 =	simm.s32 $0x0;
	v8 =	vld.idx.msk [tilespmem:v5+s4+$0x0], $0xffff  }
0x11d: {  	v9 =	vld [tilespmem:s18+$0x8850];
	_ =	sdelay $0x1  }
0x11e: {  	v5 =	vimm.s32 $0x1FF  }
0x11f: {  	v10 =	vadd.s32 $0x21, v7;
	v11 =	vadd.s32 v1, v5;
	_ =	sdelay $0x1  }
0x120: {  	v4 =	vnsel vm0, $0x0, v4;
	vm0 =	vlt.f32 v9, v8  }
0x121: {  	v2 =	vadd.f32 v4, v2;
	v8 =	vsel vm0, $0x1, v0  }
0x122: {  	v63 =	vnsel vm1, $0x0, v6;
	v6 =	vadd.s32 $0x22, v7;
	v3 =	vsub.s32 v3, v8  }
0x123: {  	s16 =	simm.s32 $0x40;
	v2 =	vadd.f32 v63, v2;
	s17 =	simm.s32 $0x80;
	v4 =	vld.idx.msk [tilespmem:v10+s4+$0x0], $0xffff;
	[tilespmem:v11+s9+$0x0] =	vst.idx.msk $0xffff, v8;
	v7 =	vadd.s32 v3, v6  }
.LBB2_15:
0x124: {  	p0 =	sne.s32 s17, $0x7FC0;
	_ =	sdelay $0x3  }
0x125: {  	s18 =	sshra.s32 s16, $0x2;
	s16 =	smov.u32 s17;
	v4 =	vnsel vm0, $0x0, v4;
	v7 =	vld.idx.msk [tilespmem:v7+s4+$0x0], $0xffff  }
0x126: {  	v2 =	vadd.f32 v4, v2;
	v8 =	vld [tilespmem:s18+$0x8850]  }
0x127: {  	v5 =	vadd.s32 $0xFFFFFFFF, v5  }
0x128: {  	v9 =	vadd.s32 v1, v5;
	v4 =	vadd.s32 $0x21, v6;
	_ =	sdelay $0x1  }
.Ltmp7:
0x129: {  	(pc) =	sbr.rel @p0 .LBB2_15-.Ltmp7, $4  }
0x12a: {  	vm0 =	vlt.f32 v8, v7  }
0x12b: {  	v7 =	vsel vm0, $0x1, v0  }
0x12c: {  	v6 =	vadd.s32 $0x22, v6;
	v4 =	vld.idx.msk [tilespmem:v4+s4+$0x0], $0xffff;
	[tilespmem:v9+s9+$0x0] =	vst.idx.msk $0xffff, v7;
	v3 =	vsub.s32 v3, v7  }
0x12d: {  	s17 =	sadd.s32 $0x40, s17;
	v7 =	vadd.s32 v3, v6  }
0x12e: {  	_ =	sdelay $0x3  }
0x12f: {  	v7 =	vld.idx.msk [tilespmem:v7+s4+$0x0], $0xffff;
	s16 =	sshra.s32 s16, $0x2  }
0x130: {  	v8 =	vld [tilespmem:s16+$0x8850]  }
0x131: {  	v5 =	vadd.s32 $0xFFFFFFFF, v5  }
0x132: {  	v6 =	vadd.s32 $0x21, v6;
	v5 =	vadd.s32 v1, v5;
	_ =	sdelay $0x2  }
0x133: {  	vm1 =	vlt.f32 v8, v7  }
0x134: {  	v7 =	vsel vm1, $0x1, v0  }
0x135: {  	v6 =	vld.idx.msk [tilespmem:v6+s4+$0x0], $0xffff;
	[tilespmem:v5+s9+$0x0] =	vst.idx.msk $0xffff, v7  }
0x136: {  	[hbm4b:s26+s10] =	stream.strided.scatter [tilespmem:s9], [sflag:$0x5], $0x2000, s11, s10, $0x38;
	[tilespmem:$0x10870] =	vst v63  }
0x137: {  	_ =	swait.ge [sflag:s2], $0x2000  }
0x138: {  	[sflag:s2] =	ssyncset.done $0x0  }
0x139: {  	[sflag:s2] =	ssyncadd.s32 $0xFFFFE000  }
0x13a: {  	v5 =	vsub.s32 v3, v7;
	v7 =	vimm.s32 $0x0;
	_ =	swait.ge [sflag:s12], $0x4400  }
0x13b: {  	v3 =	vadd.s32 v5, v7;
	[sflag:s12] =	ssyncset.done $0x0  }
0x13c: {  	[sflag:s12] =	ssyncadd.s32 $0xFFFFBC00  }
0x13d: {  	_ =	swait.ge [sflag:s13], $0x2000  }
0x13e: {  	[sflag:s13] =	ssyncset.done $0x0  }
0x13f: {  	[sflag:s13] =	ssyncadd.s32 $0xFFFFE000  }
0x140: {  	s18 =	simm.s32 $0x0;
	v8 =	vld.idx.msk [tilespmem:v3+s7+$0x0], $0xffff  }
0x141: {  	v9 =	vld [tilespmem:s18+$0xA850];
	_ =	sdelay $0x1  }
0x142: {  	v3 =	vimm.s32 $0x1FF  }
0x143: {  	v10 =	vadd.s32 $0x21, v7;
	v11 =	vadd.s32 v1, v3;
	_ =	sdelay $0x1  }
0x144: {  	v4 =	vnsel vm0, $0x0, v4;
	vm0 =	vlt.f32 v9, v8  }
0x145: {  	v2 =	vadd.f32 v4, v2;
	v8 =	vsel vm0, $0x1, v0  }
0x146: {  	v4 =	vadd.s32 $0x22, v7;
	v63 =	vnsel vm1, $0x0, v6;
	v5 =	vsub.s32 v5, v8  }
0x147: {  	s17 =	simm.s32 $0x80;
	s16 =	simm.s32 $0x40;
	v2 =	vadd.f32 v63, v2;
	v6 =	vld.idx.msk [tilespmem:v10+s7+$0x0], $0xffff;
	[tilespmem:v11+s14+$0x0] =	vst.idx.msk $0xffff, v8;
	v7 =	vadd.s32 v5, v4  }
.LBB2_17:
0x148: {  	p0 =	sne.s32 s17, $0x7FC0;
	_ =	sdelay $0x3  }
0x149: {  	s18 =	sshra.s32 s16, $0x2;
	s16 =	smov.u32 s17;
	v6 =	vnsel vm0, $0x0, v6;
	v7 =	vld.idx.msk [tilespmem:v7+s7+$0x0], $0xffff  }
0x14a: {  	v2 =	vadd.f32 v6, v2;
	v8 =	vld [tilespmem:s18+$0xA850]  }
0x14b: {  	v3 =	vadd.s32 $0xFFFFFFFF, v3  }
0x14c: {  	v9 =	vadd.s32 v1, v3;
	v6 =	vadd.s32 $0x21, v4;
	_ =	sdelay $0x1  }
.Ltmp8:
0x14d: {  	(pc) =	sbr.rel @p0 .LBB2_17-.Ltmp8, $4  }
0x14e: {  	vm0 =	vlt.f32 v8, v7  }
0x14f: {  	v7 =	vsel vm0, $0x1, v0  }
0x150: {  	v4 =	vadd.s32 $0x22, v4;
	v6 =	vld.idx.msk [tilespmem:v6+s7+$0x0], $0xffff;
	[tilespmem:v9+s14+$0x0] =	vst.idx.msk $0xffff, v7;
	v5 =	vsub.s32 v5, v7  }
0x151: {  	s17 =	sadd.s32 $0x40, s17;
	v7 =	vadd.s32 v5, v4  }
0x152: {  	_ =	sdelay $0x3  }
0x153: {  	v5 =	vld.idx.msk [tilespmem:v7+s7+$0x0], $0xffff;
	s16 =	sshra.s32 s16, $0x2;
	v4 =	vadd.s32 $0x21, v4  }
0x154: {  	v63 =	vld [tilespmem:s16+$0xA850]  }
0x155: {  	v3 =	vadd.s32 $0xFFFFFFFF, v3  }
0x156: {  	v3 =	vadd.s32 v1, v3;
	_ =	sdelay $0x1  }
0x157: {  	v4 =	vld.idx.msk [tilespmem:v4+s7+$0x0], $0xffff  }
0x158: {  	vm1 =	vlt.f32 v63, v5  }
0x159: {  	v5 =	vsel vm1, $0x1, v0  }
0x15a: {  	v6 =	vnsel vm0, $0x0, v6;
	[tilespmem:v3+s14+$0x0] =	vst.idx.msk $0xffff, v5  }
0x15b: {  	v2 =	vadd.f32 v6, v2;
	[hbm4b:s28+s10] =	stream.strided.scatter [tilespmem:s14], [sflag:$0x5], $0x2000, s11, s10, $0x38;
	[tilespmem:$0x10870] =	vst v63  }
0x15c: {  	v3 =	vnsel vm1, $0x0, v4;
	_ =	swait.ge [sflag:s2], $0x2000  }
0x15d: {  	s15 =	sadd.s32 $0x1, s15;
	v2 =	vadd.f32 v3, v2;
	[sflag:s2] =	ssyncset.done $0x0  }
0x15e: {  	p0 =	sne.s32 s15, s30;
	[sflag:s2] =	ssyncadd.s32 $0xFFFFE000  }
.Ltmp9:
0x15f: {  	s18 =	simm.s32 $0x10860;
	[tilespmem:$0x10860] =	vst v2;
	(pc) =	sbr.rel @p0 .LBB2_2-.Ltmp9, $4  }
0x160: {  	[hbm4b:s29+s4] =	stream.linear.scatter [tilespmem:s18], [sflag:$0x5], $0x10, $0x38;
	[tilespmem:$0x10870] =	vst v63  }
0x161: {  	_ =	swait.ge [sflag:s2], $0x10  }
0x162: {  	[sflag:s2] =	ssyncset.done $0x0  }
0x163: {  	[sflag:s2] =	ssyncadd.s32 $0xFFFFFFF0  }
.LBB2_19:
0x164: {  	_ =	sfence.sel $0x180000  }
0x165: {  	[bflag:$0x0] =	sbarrier.arrive $0xFFFF  }
0x166: {  	_ =	strace $0x90000047  }
0x167: {  	s0 =	stileid.u32;
	[bflag:$0x2] =	sbarrier.arrive $0xFFFF  }
0x168: {  	p0 =	sne.s32 s0, $0x0;
	s0 =	rddreg [dreg:$0x4]  }
0x169: {  	s0 =	sadd.s32 @!p0 $0x100000, s0  }
0x16a: {  	[sflag:s0] =	ssyncadd.tile.s32 @!p0 $0x1;
	_ =	shalt  }
.Lfunc_end2:
_tile_overlayer_lowered:
.L_overlay_start_2:
0x16b: {  	(tag) =	ssettag $0x2  }
0x16c: {  	s0 =	rddreg [dreg:$0x0];
	s2 =	stileid.u32  }
0x16d: {  	s1 =	rddreg [dreg:$0x1];
	p0 =	sne.s32 s2, $0x0  }
0x16e: {  	s3 =	rddreg [dreg:$0x2];
	[bflag:$0x3] =	sbarrier.arrive $0xFFFF;
	s2 =	simm.s32 @!p0 $0x1C05  }
0x16f: {  	[timem:s3], [sflag:s2] =	dma.local @!p0 [hbm:s0], s1  }
0x170: {  	s0 =	simm.s32 @!p0 $0x5  }
0x171: {  	_ =	swait.ge @!p0 [sflag:s0], s1  }
0x172: {  	s1 =	ssub.s32 @!p0 $0x0, s1;
	[sflag:s0] =	ssyncset.done @!p0 $0x0  }
0x173: {  	[sflag:s0] =	ssyncadd.s32 @!p0 s1  }
0x174: {  	[bflag:$0x3] =	sbarrier.arrive $0xFFFF  }
0x175: {  	_ =	shalt  }

</sc_bundles>
